<compile_context>
chip_gen: v7x
topology: tpu7x:2x2x1
jax: 0.10.2.dev20260603
libtpu: 0.0.44.dev20260713+nightly
codegen_flags: <defaults>
</compile_context>

<pallas_src>
import functools

import jax
import jax.numpy as jnp
from jax import lax
from jax.experimental import pallas as pl
from jax.experimental.pallas import tpu as pltpu
from jax.experimental.pallas import tpu_sc as plsc

N = 4096
E = 131072
LAT = 256
D_EDGE = 16
NC = 2
NS = 16
L = 16

EPT = E // NS
CH = 128
NJ = EPT // CH
ROWS_PER_BLK = 256
BLK_WORDS = ROWS_PER_BLK * N
BLKS_PER_SC = N // ROWS_PER_BLK // NC
SLICE = BLK_WORDS // NS
ZCH = 8192


def _tc_prep(z_ref, w_ref, b_ref, ea_ref, u_ref, v_ref, es_ref):
    @pl.when(pl.program_id(0) == 0)
    def _():
        zz = z_ref[...]
        w = w_ref[...]
        u_ref[...] = (
            jnp.dot(zz, w[:LAT, :], preferred_element_type=jnp.float32)
            + b_ref[...]
        )
        v_ref[...] = jnp.dot(
            zz, w[LAT:, :], preferred_element_type=jnp.float32
        )

    ones = jnp.ones((1, D_EDGE), jnp.float32)
    es_ref[...] = lax.dot_general(
        ones,
        ea_ref[...],
        dimension_numbers=(((1,), (1,)), ((), ())),
        preferred_element_type=jnp.float32,
    ).reshape(1, 1, EPT)


_mesh = plsc.VectorSubcoreMesh(core_axis_name="c", subcore_axis_name="s")


@functools.partial(
    pl.kernel,
    mesh=_mesh,
    out_type=jax.ShapeDtypeStruct((N * N,), jnp.float32),
    compiler_params=pltpu.CompilerParams(needs_layout_passes=False),
    scratch_types=[
        pltpu.VMEM_SHARED((BLK_WORDS,), jnp.float32),
        pltpu.VMEM((N,), jnp.float32),
        pltpu.VMEM((N,), jnp.float32),
        pltpu.VMEM((EPT,), jnp.int32),
        pltpu.VMEM((EPT,), jnp.int32),
        pltpu.VMEM((EPT,), jnp.int32),
        pltpu.VMEM((EPT,), jnp.float32),
        pltpu.VMEM((EPT,), jnp.float32),
        pltpu.VMEM((ZCH,), jnp.float32),
        pltpu.SemaphoreType.DMA,
        pltpu.SemaphoreType.DMA,
    ],
)
def _sc_scatter(u_hbm, v_hbm, row_hbm, col_hbm, es_hbm, out_hbm,
                shared, u_ts, v_ts, idx_ts, col_ts, k_ts,
                p_ts, es_ts, zero_ts, zsem, wsem):
    c = lax.axis_index("c")
    s = lax.axis_index("s")

    pltpu.sync_copy(u_hbm, u_ts)
    pltpu.sync_copy(v_hbm, v_ts)
    pltpu.sync_copy(row_hbm.at[s], idx_ts)
    pltpu.sync_copy(col_hbm.at[s], col_ts)
    pltpu.sync_copy(es_hbm.at[s], es_ts)

    zeros16 = jnp.zeros((L,), jnp.float32)

    def zbody(i, _):
        zero_ts[pl.ds(i * L, L)] = zeros16
        return _

    lax.fori_loop(0, ZCH // L, zbody, None)

    def prep_body(i, _):
        o = i * L
        rv = idx_ts[pl.ds(o, L)]
        cv = col_ts[pl.ds(o, L)]
        k_ts[pl.ds(o, L)] = rv * N + cv
        uv = plsc.load_gather(u_ts, [rv])
        vv = plsc.load_gather(v_ts, [cv])
        p_ts[pl.ds(o, L)] = uv + vv
        return _

    lax.fori_loop(0, EPT // L, prep_body, None)

    wb_prev = None
    for jj in range(BLKS_PER_SC):
        blk = c * BLKS_PER_SC + jj
        base = blk * BLK_WORDS

        def idx_body(i, _):
            o = i * L
            kv = k_ts[pl.ds(o, L)]
            inblk = (kv >> 20) == blk
            rl = (kv >> 12) & (ROWS_PER_BLK - 1)
            cc = kv & (N - 1)
            local = (
                ((rl >> 3) << 15)
                + ((cc >> 7) << 10)
                + ((rl & 7) << 7)
                + (cc & 127)
            )
            idx_ts[pl.ds(o, L)] = jnp.where(inblk, local, -1)
            return _

        lax.fori_loop(0, EPT // L, idx_body, None)

        if wb_prev is not None:
            wb_prev.wait()
        zdescs = [
            pltpu.async_copy(
                zero_ts, shared.at[pl.ds(s * SLICE + i * ZCH, ZCH)], zsem
            )
            for i in range(SLICE // ZCH)
        ]
        for d in zdescs:
            d.wait()
        plsc.subcore_barrier()

        filtered = plsc.Indices(idx_ts, ignored_value=-1)
        pltpu.sync_copy(p_ts, shared.at[filtered])
        plsc.subcore_barrier()

        pltpu.sync_copy(es_ts, shared.at[filtered], add=True)
        plsc.subcore_barrier()

        wb_prev = pltpu.async_copy(
            shared.at[pl.ds(s * SLICE, SLICE)],
            out_hbm.at[pl.ds(base + s * SLICE, SLICE)],
            wsem,
        )
    wb_prev.wait()


def kernel(z, edge_index, edge_attr, W, b):
    row = edge_index[0].astype(jnp.int32)
    col = edge_index[1].astype(jnp.int32)
    u2, v2, es3 = pl.pallas_call(
        _tc_prep,
        grid=(NS,),
        in_specs=[
            pl.BlockSpec((N, LAT), lambda i: (0, 0)),
            pl.BlockSpec((2 * LAT, 1), lambda i: (0, 0)),
            pl.BlockSpec((1, 1), lambda i: (0, 0)),
            pl.BlockSpec((EPT, D_EDGE), lambda i: (i, 0)),
        ],
        out_specs=[
            pl.BlockSpec((N, 1), lambda i: (0, 0)),
            pl.BlockSpec((N, 1), lambda i: (0, 0)),
            pl.BlockSpec((1, 1, EPT), lambda i: (i, 0, 0)),
        ],
        out_shape=(
            jax.ShapeDtypeStruct((N, 1), jnp.float32),
            jax.ShapeDtypeStruct((N, 1), jnp.float32),
            jax.ShapeDtypeStruct((NS, 1, EPT), jnp.float32),
        ),
    )(z, W, b.reshape(1, 1), edge_attr)
    flat = _sc_scatter(
        u2.reshape(N),
        v2.reshape(N),
        row.reshape(NS, EPT),
        col.reshape(NS, EPT),
        es3.reshape(NS, EPT),
    )
    return (
        flat.reshape(N // 8, N // 128, 8, 128)
        .transpose(0, 2, 1, 3)
        .reshape(N, N)
    )

# --- scband reference (transcript-rebuilt; emitter-appended) ---
"""Pipeline reference for scband-edge-predictor-7215545058050 (READ-ONLY COPY).

The authoritative reference and input builder live on the scoring server;
editing this copy changes nothing except your own understanding.
"""

import jax, jax.numpy as jnp
import numpy as np

N_NODES = 4096
N_EDGES = 131072
LATENT = 256
D_EDGE = 16

def setup_inputs(seed: int = 0) -> dict:
    key = jax.random.key(seed)
    k1, k2, k3, k4, k5 = jax.random.split(key, 5)
    z = jax.random.normal(k1, (N_NODES, LATENT), dtype=jnp.float32)
    edge_index = jax.random.randint(k2, (2, N_EDGES), 0, N_NODES, dtype=jnp.int64)
    edge_attr = jax.random.normal(k3, (N_EDGES, D_EDGE), dtype=jnp.float32)
    # nn.Linear(2*latent_dim, 1): store W as [2*latent, 1], b as [1]
    bound = 1.0 / np.sqrt(2 * LATENT)
    W = jax.random.uniform(k4, (2 * LATENT, 1), minval=-bound, maxval=bound, dtype=jnp.float32)
    b = jax.random.uniform(k5, (1,), minval=-bound, maxval=bound, dtype=jnp.float32)
    return {"z": z, "edge_index": edge_index, "edge_attr": edge_attr, "W": W, "b": b}

def reference(z, edge_index, edge_attr, W, b):
    num_nodes = z.shape[0]
    row = edge_index[0]
    col = edge_index[1]
    # gather node latents for each edge endpoint, concat -> linear
    edge_features = jnp.concatenate([z[row], z[col]], axis=1)
    specified_edge_probs = edge_features @ W + b  # [E, 1]
    # scatter-overwrite specified edge probabilities into dense matrix
    full_edge_probs = jnp.zeros((num_nodes, num_nodes), dtype=jnp.float32)
    full_edge_probs = full_edge_probs.at[row, col].set(specified_edge_probs[:, 0])
    # to_dense_adj with edge_attr accumulates duplicates (scatter-add);
    # subsequent sum over feature dim commutes with the scatter-add.
    adj = jnp.zeros((num_nodes, num_nodes), dtype=jnp.float32)
    adj = adj.at[row, col].add(edge_attr.sum(axis=1))
    adj = adj + full_edge_probs
    return adj

if __name__ == "__main__":
    import jax
    _d = setup_inputs()
    print(jax.jit(kernel)(*tuple(_d.values())))

</pallas_src>

<mosaic_0001>
#map = affine_map<(d0, d1) -> (0)>
#map1 = affine_map<(d0, d1) -> (0, 0)>
module attributes {stable_mosaic.version = 14 : i64} {
  func.func @_sc_scatter(%arg0: i32, %arg1: i32, %arg2: memref<4096xf32, #tpu.memory_space<hbm>>, %arg3: memref<4096xf32, #tpu.memory_space<hbm>>, %arg4: memref<16x8192xi32, #tpu.memory_space<hbm>>, %arg5: memref<16x8192xi32, #tpu.memory_space<hbm>>, %arg6: memref<16x8192xf32, #tpu.memory_space<hbm>>, %arg7: memref<16777216xf32, #tpu.memory_space<hbm>>, %arg8: memref<1048576xf32, #tpu.memory_space<vmem_shared>>, %arg9: memref<4096xf32, #tpu.memory_space<vmem>>, %arg10: memref<4096xf32, #tpu.memory_space<vmem>>, %arg11: memref<8192xi32, #tpu.memory_space<vmem>>, %arg12: memref<8192xi32, #tpu.memory_space<vmem>>, %arg13: memref<8192xi32, #tpu.memory_space<vmem>>, %arg14: memref<8192xf32, #tpu.memory_space<vmem>>, %arg15: memref<8192xf32, #tpu.memory_space<vmem>>, %arg16: memref<8192xf32, #tpu.memory_space<vmem>>, %arg17: memref<!tpu.dma_semaphore, #tpu.memory_space<semaphore_mem>>, %arg18: memref<!tpu.dma_semaphore, #tpu.memory_space<semaphore_mem>>) attributes {dimension_semantics = [#tpu.dimension_semantics<core_parallel>, #tpu.dimension_semantics<subcore_parallel>], iteration_bounds = array<i64: 2, 16>, scalar_prefetch = 0 : i64, scratch_operands = 11 : i64, tpu.core_type = #tpu.core_type<sc_vector_subcore>, window_params = [{transform_indices = #map}, {transform_indices = #map}, {transform_indices = #map1}, {transform_indices = #map1}, {transform_indices = #map1}, {transform_indices = #map}]} {
    "tpu.region"() ({
      %run_scoped3A = tpu.sem_alloc : memref<!tpu.dma_semaphore, #tpu.memory_space<semaphore_mem>>
      tpu.enqueue_dma source(%arg2 : memref<4096xf32, #tpu.memory_space<hbm>>) target(%arg9 : memref<4096xf32, #tpu.memory_space<vmem>>) target_semaphore(%run_scoped3A : memref<!tpu.dma_semaphore, #tpu.memory_space<semaphore_mem>>)
      tpu.wait_dma2 semaphore(%run_scoped3A : memref<!tpu.dma_semaphore, #tpu.memory_space<semaphore_mem>>) src(%arg2 : memref<4096xf32, #tpu.memory_space<hbm>>) dst(%arg9 : memref<4096xf32, #tpu.memory_space<vmem>>)
      tpu.yield
    }) : () -> ()
    "tpu.region"() ({
      %run_scoped3A = tpu.sem_alloc : memref<!tpu.dma_semaphore, #tpu.memory_space<semaphore_mem>>
      tpu.enqueue_dma source(%arg3 : memref<4096xf32, #tpu.memory_space<hbm>>) target(%arg10 : memref<4096xf32, #tpu.memory_space<vmem>>) target_semaphore(%run_scoped3A : memref<!tpu.dma_semaphore, #tpu.memory_space<semaphore_mem>>)
      tpu.wait_dma2 semaphore(%run_scoped3A : memref<!tpu.dma_semaphore, #tpu.memory_space<semaphore_mem>>) src(%arg3 : memref<4096xf32, #tpu.memory_space<hbm>>) dst(%arg10 : memref<4096xf32, #tpu.memory_space<vmem>>)
      tpu.yield
    }) : () -> ()
    "tpu.region"() ({
      %run_scoped3A = tpu.sem_alloc : memref<!tpu.dma_semaphore, #tpu.memory_space<semaphore_mem>>
      %dma_start3A_701 = arith.constant 0 : i32
      %dma_start3A_702 = tpu.memref_slice %arg4[%arg1, %dma_start3A_701] : memref<16x8192xi32, #tpu.memory_space<hbm>> -> memref<1x8192xi32, #tpu.memory_space<hbm>>
      %dma_start3A_703 = tpu.memref_squeeze %dma_start3A_702 : memref<1x8192xi32, #tpu.memory_space<hbm>> -> memref<8192xi32, #tpu.memory_space<hbm>>
      %dma_start3A_704 = arith.constant 0 : i32
      %dma_start3A_705 = tpu.memref_slice %arg4[%arg1, %dma_start3A_704] : memref<16x8192xi32, #tpu.memory_space<hbm>> -> memref<1x8192xi32, #tpu.memory_space<hbm>>
      %dma_start3A_706 = tpu.memref_squeeze %dma_start3A_705 : memref<1x8192xi32, #tpu.memory_space<hbm>> -> memref<8192xi32, #tpu.memory_space<hbm>>
      tpu.enqueue_dma source(%dma_start3A_706 : memref<8192xi32, #tpu.memory_space<hbm>>) target(%arg11 : memref<8192xi32, #tpu.memory_space<vmem>>) target_semaphore(%run_scoped3A : memref<!tpu.dma_semaphore, #tpu.memory_space<semaphore_mem>>)
      %dma_wait3A_707 = arith.constant 0 : i32
      %dma_wait3A_708 = tpu.memref_slice %arg4[%arg1, %dma_wait3A_707] : memref<16x8192xi32, #tpu.memory_space<hbm>> -> memref<1x8192xi32, #tpu.memory_space<hbm>>
      %dma_wait3A_709 = tpu.memref_squeeze %dma_wait3A_708 : memref<1x8192xi32, #tpu.memory_space<hbm>> -> memref<8192xi32, #tpu.memory_space<hbm>>
      %dma_wait3A_710 = arith.constant 0 : i32
      %dma_wait3A_711 = tpu.memref_slice %arg4[%arg1, %dma_wait3A_710] : memref<16x8192xi32, #tpu.memory_space<hbm>> -> memref<1x8192xi32, #tpu.memory_space<hbm>>
      %dma_wait3A_712 = tpu.memref_squeeze %dma_wait3A_711 : memref<1x8192xi32, #tpu.memory_space<hbm>> -> memref<8192xi32, #tpu.memory_space<hbm>>
      tpu.wait_dma2 semaphore(%run_scoped3A : memref<!tpu.dma_semaphore, #tpu.memory_space<semaphore_mem>>) src(%dma_wait3A_712 : memref<8192xi32, #tpu.memory_space<hbm>>) dst(%arg11 : memref<8192xi32, #tpu.memory_space<vmem>>)
      tpu.yield
    }) : () -> ()
    "tpu.region"() ({
      %run_scoped3A = tpu.sem_alloc : memref<!tpu.dma_semaphore, #tpu.memory_space<semaphore_mem>>
      %dma_start3A_701 = arith.constant 0 : i32
      %dma_start3A_702 = tpu.memref_slice %arg5[%arg1, %dma_start3A_701] : memref<16x8192xi32, #tpu.memory_space<hbm>> -> memref<1x8192xi32, #tpu.memory_space<hbm>>
      %dma_start3A_703 = tpu.memref_squeeze %dma_start3A_702 : memref<1x8192xi32, #tpu.memory_space<hbm>> -> memref<8192xi32, #tpu.memory_space<hbm>>
      %dma_start3A_704 = arith.constant 0 : i32
      %dma_start3A_705 = tpu.memref_slice %arg5[%arg1, %dma_start3A_704] : memref<16x8192xi32, #tpu.memory_space<hbm>> -> memref<1x8192xi32, #tpu.memory_space<hbm>>
      %dma_start3A_706 = tpu.memref_squeeze %dma_start3A_705 : memref<1x8192xi32, #tpu.memory_space<hbm>> -> memref<8192xi32, #tpu.memory_space<hbm>>
      tpu.enqueue_dma source(%dma_start3A_706 : memref<8192xi32, #tpu.memory_space<hbm>>) target(%arg12 : memref<8192xi32, #tpu.memory_space<vmem>>) target_semaphore(%run_scoped3A : memref<!tpu.dma_semaphore, #tpu.memory_space<semaphore_mem>>)
      %dma_wait3A_707 = arith.constant 0 : i32
      %dma_wait3A_708 = tpu.memref_slice %arg5[%arg1, %dma_wait3A_707] : memref<16x8192xi32, #tpu.memory_space<hbm>> -> memref<1x8192xi32, #tpu.memory_space<hbm>>
      %dma_wait3A_709 = tpu.memref_squeeze %dma_wait3A_708 : memref<1x8192xi32, #tpu.memory_space<hbm>> -> memref<8192xi32, #tpu.memory_space<hbm>>
      %dma_wait3A_710 = arith.constant 0 : i32
      %dma_wait3A_711 = tpu.memref_slice %arg5[%arg1, %dma_wait3A_710] : memref<16x8192xi32, #tpu.memory_space<hbm>> -> memref<1x8192xi32, #tpu.memory_space<hbm>>
      %dma_wait3A_712 = tpu.memref_squeeze %dma_wait3A_711 : memref<1x8192xi32, #tpu.memory_space<hbm>> -> memref<8192xi32, #tpu.memory_space<hbm>>
      tpu.wait_dma2 semaphore(%run_scoped3A : memref<!tpu.dma_semaphore, #tpu.memory_space<semaphore_mem>>) src(%dma_wait3A_712 : memref<8192xi32, #tpu.memory_space<hbm>>) dst(%arg12 : memref<8192xi32, #tpu.memory_space<vmem>>)
      tpu.yield
    }) : () -> ()
    "tpu.region"() ({
      %run_scoped3A = tpu.sem_alloc : memref<!tpu.dma_semaphore, #tpu.memory_space<semaphore_mem>>
      %dma_start3A_701 = arith.constant 0 : i32
      %dma_start3A_702 = tpu.memref_slice %arg6[%arg1, %dma_start3A_701] : memref<16x8192xf32, #tpu.memory_space<hbm>> -> memref<1x8192xf32, #tpu.memory_space<hbm>>
      %dma_start3A_703 = tpu.memref_squeeze %dma_start3A_702 : memref<1x8192xf32, #tpu.memory_space<hbm>> -> memref<8192xf32, #tpu.memory_space<hbm>>
      %dma_start3A_704 = arith.constant 0 : i32
      %dma_start3A_705 = tpu.memref_slice %arg6[%arg1, %dma_start3A_704] : memref<16x8192xf32, #tpu.memory_space<hbm>> -> memref<1x8192xf32, #tpu.memory_space<hbm>>
      %dma_start3A_706 = tpu.memref_squeeze %dma_start3A_705 : memref<1x8192xf32, #tpu.memory_space<hbm>> -> memref<8192xf32, #tpu.memory_space<hbm>>
      tpu.enqueue_dma source(%dma_start3A_706 : memref<8192xf32, #tpu.memory_space<hbm>>) target(%arg15 : memref<8192xf32, #tpu.memory_space<vmem>>) target_semaphore(%run_scoped3A : memref<!tpu.dma_semaphore, #tpu.memory_space<semaphore_mem>>)
      %dma_wait3A_707 = arith.constant 0 : i32
      %dma_wait3A_708 = tpu.memref_slice %arg6[%arg1, %dma_wait3A_707] : memref<16x8192xf32, #tpu.memory_space<hbm>> -> memref<1x8192xf32, #tpu.memory_space<hbm>>
      %dma_wait3A_709 = tpu.memref_squeeze %dma_wait3A_708 : memref<1x8192xf32, #tpu.memory_space<hbm>> -> memref<8192xf32, #tpu.memory_space<hbm>>
      %dma_wait3A_710 = arith.constant 0 : i32
      %dma_wait3A_711 = tpu.memref_slice %arg6[%arg1, %dma_wait3A_710] : memref<16x8192xf32, #tpu.memory_space<hbm>> -> memref<1x8192xf32, #tpu.memory_space<hbm>>
      %dma_wait3A_712 = tpu.memref_squeeze %dma_wait3A_711 : memref<1x8192xf32, #tpu.memory_space<hbm>> -> memref<8192xf32, #tpu.memory_space<hbm>>
      tpu.wait_dma2 semaphore(%run_scoped3A : memref<!tpu.dma_semaphore, #tpu.memory_space<semaphore_mem>>) src(%dma_wait3A_712 : memref<8192xf32, #tpu.memory_space<hbm>>) dst(%arg15 : memref<8192xf32, #tpu.memory_space<vmem>>)
      tpu.yield
    }) : () -> ()
    %broadcast_in_dim3A = arith.constant 0.000000e+00 : f32
    %broadcast_in_dim3A_0 = vector.broadcast %broadcast_in_dim3A : f32 to vector<16xf32>
    %scan3A = arith.constant 0 : i32
    %scan3A_1 = arith.constant 512 : i32
    %scan3A_2 = arith.addi %scan3A, %scan3A_1 : i32
    %scan3A_3 = arith.constant 1 : i32
    scf.for %scan3A_701 = %scan3A to %scan3A_2 step %scan3A_3  : i32 {
      %mul3A_702 = arith.constant 16 : i32
      %mul3A_703 = arith.muli %scan3A_701, %mul3A_702 : i32
      %swap3A = arith.index_cast %mul3A_703 : i32 to index
      %swap3A_704 = tpu.vector_load %arg16[%swap3A] {strides = array<i32>} : memref<8192xf32, #tpu.memory_space<vmem>>, vector<16xf32>,
      tpu.vector_store %arg16[%swap3A], %broadcast_in_dim3A_0 {strides = array<i32>} : memref<8192xf32, #tpu.memory_space<vmem>>, vector<16xf32>,
    }
    %scan3A_4 = arith.constant 512 : i32
    %scan3A_5 = arith.constant 0 : i32
    %scan3A_6 = arith.constant 512 : i32
    %scan3A_7 = arith.addi %scan3A_5, %scan3A_6 : i32
    %scan3A_8 = arith.constant 1 : i32
    scf.for %scan3A_701 = %scan3A_5 to %scan3A_7 step %scan3A_8  : i32 {
      %mul3A_702 = arith.constant 16 : i32
      %mul3A_703 = arith.muli %scan3A_701, %mul3A_702 : i32
      %get3A = arith.index_cast %mul3A_703 : i32 to index
      %get3A_704 = tpu.vector_load %arg11[%get3A] {strides = array<i32>} : memref<8192xi32, #tpu.memory_space<vmem>>, vector<16xi32>,
      %get3A_705 = arith.index_cast %mul3A_703 : i32 to index
      %get3A_706 = tpu.vector_load %arg12[%get3A_705] {strides = array<i32>} : memref<8192xi32, #tpu.memory_space<vmem>>, vector<16xi32>,
      %mul3A_707 = arith.constant 4096 : i32
      %mul3A_708 = vector.broadcast %mul3A_707 : i32 to vector<16xi32>
      %mul3A_709 = arith.muli %get3A_704, %mul3A_708 : vector<16xi32>
      %add3A_710 = arith.addi %mul3A_709, %get3A_706 : vector<16xi32>
      %swap3A = arith.index_cast %mul3A_703 : i32 to index
      %swap3A_711 = tpu.vector_load %arg13[%swap3A] {strides = array<i32>} : memref<8192xi32, #tpu.memory_space<vmem>>, vector<16xi32>,
      tpu.vector_store %arg13[%swap3A], %add3A_710 {strides = array<i32>} : memref<8192xi32, #tpu.memory_space<vmem>>, vector<16xi32>,
      %gather3A = tpu.vector_load_idx %arg9[%get3A_704] : memref<4096xf32, #tpu.memory_space<vmem>>[vector<16xi32>], vector<16xf32>,
      %gather3A_712 = tpu.vector_load_idx %arg10[%get3A_706] : memref<4096xf32, #tpu.memory_space<vmem>>[vector<16xi32>], vector<16xf32>,
      %add3A_713 = arith.addf %gather3A, %gather3A_712 : vector<16xf32>
      %swap3A_714 = arith.index_cast %mul3A_703 : i32 to index
      %swap3A_715 = tpu.vector_load %arg14[%swap3A_714] {strides = array<i32>} : memref<8192xf32, #tpu.memory_space<vmem>>, vector<16xf32>,
      tpu.vector_store %arg14[%swap3A_714], %add3A_713 {strides = array<i32>} : memref<8192xf32, #tpu.memory_space<vmem>>, vector<16xf32>,
    }
    %scan3A_9 = arith.constant 512 : i32
    %mul3A = arith.constant 8 : i32
    %mul3A_10 = arith.muli %arg0, %mul3A : i32
    %add3A = arith.constant 0 : i32
    %add3A_11 = arith.addi %mul3A_10, %add3A : i32
    %mul3A_12 = arith.constant 1048576 : i32
    %mul3A_13 = arith.muli %add3A_11, %mul3A_12 : i32
    %scan3A_14 = arith.constant 0 : i32
    %scan3A_15 = arith.constant 512 : i32
    %scan3A_16 = arith.addi %scan3A_14, %scan3A_15 : i32
    %scan3A_17 = arith.constant 1 : i32
    scf.for %scan3A_701 = %scan3A_14 to %scan3A_16 step %scan3A_17  : i32 {
      %mul3A_702 = arith.constant 16 : i32
      %mul3A_703 = arith.muli %scan3A_701, %mul3A_702 : i32
      %get3A = arith.index_cast %mul3A_703 : i32 to index
      %get3A_704 = tpu.vector_load %arg13[%get3A] {strides = array<i32>} : memref<8192xi32, #tpu.memory_space<vmem>>, vector<16xi32>,
      %shift_right_arithmetic3A = arith.constant 20 : i32
      %shift_right_arithmetic3A_705 = vector.broadcast %shift_right_arithmetic3A : i32 to vector<16xi32>
      %shift_right_arithmetic3A_706 = arith.shrsi %get3A_704, %shift_right_arithmetic3A_705 : vector<16xi32>
      %eq3A = vector.broadcast %add3A_11 : i32 to vector<16xi32>
      %eq3A_707 = arith.cmpi eq, %shift_right_arithmetic3A_706, %eq3A : vector<16xi32>
      %shift_right_arithmetic3A_708 = arith.constant 12 : i32
      %shift_right_arithmetic3A_709 = vector.broadcast %shift_right_arithmetic3A_708 : i32 to vector<16xi32>
      %shift_right_arithmetic3A_710 = arith.shrsi %get3A_704, %shift_right_arithmetic3A_709 : vector<16xi32>
      %and3A = arith.constant 255 : i32
      %and3A_711 = vector.broadcast %and3A : i32 to vector<16xi32>
      %and3A_712 = arith.andi %shift_right_arithmetic3A_710, %and3A_711 : vector<16xi32>
      %and3A_713 = arith.constant 4095 : i32
      %and3A_714 = vector.broadcast %and3A_713 : i32 to vector<16xi32>
      %and3A_715 = arith.andi %get3A_704, %and3A_714 : vector<16xi32>
      %shift_right_arithmetic3A_716 = arith.constant 3 : i32
      %shift_right_arithmetic3A_717 = vector.broadcast %shift_right_arithmetic3A_716 : i32 to vector<16xi32>
      %shift_right_arithmetic3A_718 = arith.shrsi %and3A_712, %shift_right_arithmetic3A_717 : vector<16xi32>
      %shift_left3A = arith.constant 15 : i32
      %shift_left3A_719 = vector.broadcast %shift_left3A : i32 to vector<16xi32>
      %shift_left3A_720 = arith.shli %shift_right_arithmetic3A_718, %shift_left3A_719 : vector<16xi32>
      %shift_right_arithmetic3A_721 = arith.constant 7 : i32
      %shift_right_arithmetic3A_722 = vector.broadcast %shift_right_arithmetic3A_721 : i32 to vector<16xi32>
      %shift_right_arithmetic3A_723 = arith.shrsi %and3A_715, %shift_right_arithmetic3A_722 : vector<16xi32>
      %shift_left3A_724 = arith.constant 10 : i32
      %shift_left3A_725 = vector.broadcast %shift_left3A_724 : i32 to vector<16xi32>
      %shift_left3A_726 = arith.shli %shift_right_arithmetic3A_723, %shift_left3A_725 : vector<16xi32>
      %add3A_727 = arith.addi %shift_left3A_720, %shift_left3A_726 : vector<16xi32>
      %and3A_728 = arith.constant 7 : i32
      %and3A_729 = vector.broadcast %and3A_728 : i32 to vector<16xi32>
      %and3A_730 = arith.andi %and3A_712, %and3A_729 : vector<16xi32>
      %shift_left3A_731 = arith.constant 7 : i32
      %shift_left3A_732 = vector.broadcast %shift_left3A_731 : i32 to vector<16xi32>
      %shift_left3A_733 = arith.shli %and3A_730, %shift_left3A_732 : vector<16xi32>
      %add3A_734 = arith.addi %add3A_727, %shift_left3A_733 : vector<16xi32>
      %and3A_735 = arith.constant 127 : i32
      %and3A_736 = vector.broadcast %and3A_735 : i32 to vector<16xi32>
      %and3A_737 = arith.andi %and3A_715, %and3A_736 : vector<16xi32>
      %add3A_738 = arith.addi %add3A_734, %and3A_737 : vector<16xi32>
      %jit3A = arith.constant -1 : i32
      %broadcast_in_dim3A_739 = vector.broadcast %jit3A : i32 to vector<16xi32>
      %select_n3A = arith.select %eq3A_707, %add3A_738, %broadcast_in_dim3A_739 : vector<16xi1>, vector<16xi32>
      %swap3A = arith.index_cast %mul3A_703 : i32 to index
      %swap3A_740 = tpu.vector_load %arg11[%swap3A] {strides = array<i32>} : memref<8192xi32, #tpu.memory_space<vmem>>, vector<16xi32>,
      tpu.vector_store %arg11[%swap3A], %select_n3A {strides = array<i32>} : memref<8192xi32, #tpu.memory_space<vmem>>, vector<16xi32>,
    }
    %scan3A_18 = arith.constant 512 : i32
    %mul3A_19 = arith.constant 65536 : i32
    %mul3A_20 = arith.muli %arg1, %mul3A_19 : i32
    %add3A_21 = arith.constant 0 : i32
    %add3A_22 = arith.addi %mul3A_20, %add3A_21 : i32
    %dma_start3A = tpu.memref_slice %arg8[%add3A_22] : memref<1048576xf32, #tpu.memory_space<vmem_shared>> -> memref<8192xf32, #tpu.memory_space<vmem_shared>>
    %dma_start3A_23 = tpu.memref_slice %arg8[%add3A_22] : memref<1048576xf32, #tpu.memory_space<vmem_shared>> -> memref<8192xf32, #tpu.memory_space<vmem_shared>>
    tpu.enqueue_dma source(%arg16 : memref<8192xf32, #tpu.memory_space<vmem>>) target(%dma_start3A_23 : memref<8192xf32, #tpu.memory_space<vmem_shared>>) target_semaphore(%arg17 : memref<!tpu.dma_semaphore, #tpu.memory_space<semaphore_mem>>)
    %mul3A_24 = arith.constant 65536 : i32
    %mul3A_25 = arith.muli %arg1, %mul3A_24 : i32
    %add3A_26 = arith.constant 8192 : i32
    %add3A_27 = arith.addi %mul3A_25, %add3A_26 : i32
    %dma_start3A_28 = tpu.memref_slice %arg8[%add3A_27] : memref<1048576xf32, #tpu.memory_space<vmem_shared>> -> memref<8192xf32, #tpu.memory_space<vmem_shared>>
    %dma_start3A_29 = tpu.memref_slice %arg8[%add3A_27] : memref<1048576xf32, #tpu.memory_space<vmem_shared>> -> memref<8192xf32, #tpu.memory_space<vmem_shared>>
    tpu.enqueue_dma source(%arg16 : memref<8192xf32, #tpu.memory_space<vmem>>) target(%dma_start3A_29 : memref<8192xf32, #tpu.memory_space<vmem_shared>>) target_semaphore(%arg17 : memref<!tpu.dma_semaphore, #tpu.memory_space<semaphore_mem>>)
    %mul3A_30 = arith.constant 65536 : i32
    %mul3A_31 = arith.muli %arg1, %mul3A_30 : i32
    %add3A_32 = arith.constant 16384 : i32
    %add3A_33 = arith.addi %mul3A_31, %add3A_32 : i32
    %dma_start3A_34 = tpu.memref_slice %arg8[%add3A_33] : memref<1048576xf32, #tpu.memory_space<vmem_shared>> -> memref<8192xf32, #tpu.memory_space<vmem_shared>>
    %dma_start3A_35 = tpu.memref_slice %arg8[%add3A_33] : memref<1048576xf32, #tpu.memory_space<vmem_shared>> -> memref<8192xf32, #tpu.memory_space<vmem_shared>>
    tpu.enqueue_dma source(%arg16 : memref<8192xf32, #tpu.memory_space<vmem>>) target(%dma_start3A_35 : memref<8192xf32, #tpu.memory_space<vmem_shared>>) target_semaphore(%arg17 : memref<!tpu.dma_semaphore, #tpu.memory_space<semaphore_mem>>)
    %mul3A_36 = arith.constant 65536 : i32
    %mul3A_37 = arith.muli %arg1, %mul3A_36 : i32
    %add3A_38 = arith.constant 24576 : i32
    %add3A_39 = arith.addi %mul3A_37, %add3A_38 : i32
    %dma_start3A_40 = tpu.memref_slice %arg8[%add3A_39] : memref<1048576xf32, #tpu.memory_space<vmem_shared>> -> memref<8192xf32, #tpu.memory_space<vmem_shared>>
    %dma_start3A_41 = tpu.memref_slice %arg8[%add3A_39] : memref<1048576xf32, #tpu.memory_space<vmem_shared>> -> memref<8192xf32, #tpu.memory_space<vmem_shared>>
    tpu.enqueue_dma source(%arg16 : memref<8192xf32, #tpu.memory_space<vmem>>) target(%dma_start3A_41 : memref<8192xf32, #tpu.memory_space<vmem_shared>>) target_semaphore(%arg17 : memref<!tpu.dma_semaphore, #tpu.memory_space<semaphore_mem>>)
    %mul3A_42 = arith.constant 65536 : i32
    %mul3A_43 = arith.muli %arg1, %mul3A_42 : i32
    %add3A_44 = arith.constant 32768 : i32
    %add3A_45 = arith.addi %mul3A_43, %add3A_44 : i32
    %dma_start3A_46 = tpu.memref_slice %arg8[%add3A_45] : memref<1048576xf32, #tpu.memory_space<vmem_shared>> -> memref<8192xf32, #tpu.memory_space<vmem_shared>>
    %dma_start3A_47 = tpu.memref_slice %arg8[%add3A_45] : memref<1048576xf32, #tpu.memory_space<vmem_shared>> -> memref<8192xf32, #tpu.memory_space<vmem_shared>>
    tpu.enqueue_dma source(%arg16 : memref<8192xf32, #tpu.memory_space<vmem>>) target(%dma_start3A_47 : memref<8192xf32, #tpu.memory_space<vmem_shared>>) target_semaphore(%arg17 : memref<!tpu.dma_semaphore, #tpu.memory_space<semaphore_mem>>)
    %mul3A_48 = arith.constant 65536 : i32
    %mul3A_49 = arith.muli %arg1, %mul3A_48 : i32
    %add3A_50 = arith.constant 40960 : i32
    %add3A_51 = arith.addi %mul3A_49, %add3A_50 : i32
    %dma_start3A_52 = tpu.memref_slice %arg8[%add3A_51] : memref<1048576xf32, #tpu.memory_space<vmem_shared>> -> memref<8192xf32, #tpu.memory_space<vmem_shared>>
    %dma_start3A_53 = tpu.memref_slice %arg8[%add3A_51] : memref<1048576xf32, #tpu.memory_space<vmem_shared>> -> memref<8192xf32, #tpu.memory_space<vmem_shared>>
    tpu.enqueue_dma source(%arg16 : memref<8192xf32, #tpu.memory_space<vmem>>) target(%dma_start3A_53 : memref<8192xf32, #tpu.memory_space<vmem_shared>>) target_semaphore(%arg17 : memref<!tpu.dma_semaphore, #tpu.memory_space<semaphore_mem>>)
    %mul3A_54 = arith.constant 65536 : i32
    %mul3A_55 = arith.muli %arg1, %mul3A_54 : i32
    %add3A_56 = arith.constant 49152 : i32
    %add3A_57 = arith.addi %mul3A_55, %add3A_56 : i32
    %dma_start3A_58 = tpu.memref_slice %arg8[%add3A_57] : memref<1048576xf32, #tpu.memory_space<vmem_shared>> -> memref<8192xf32, #tpu.memory_space<vmem_shared>>
    %dma_start3A_59 = tpu.memref_slice %arg8[%add3A_57] : memref<1048576xf32, #tpu.memory_space<vmem_shared>> -> memref<8192xf32, #tpu.memory_space<vmem_shared>>
    tpu.enqueue_dma source(%arg16 : memref<8192xf32, #tpu.memory_space<vmem>>) target(%dma_start3A_59 : memref<8192xf32, #tpu.memory_space<vmem_shared>>) target_semaphore(%arg17 : memref<!tpu.dma_semaphore, #tpu.memory_space<semaphore_mem>>)
    %mul3A_60 = arith.constant 65536 : i32
    %mul3A_61 = arith.muli %arg1, %mul3A_60 : i32
    %add3A_62 = arith.constant 57344 : i32
    %add3A_63 = arith.addi %mul3A_61, %add3A_62 : i32
    %dma_start3A_64 = tpu.memref_slice %arg8[%add3A_63] : memref<1048576xf32, #tpu.memory_space<vmem_shared>> -> memref<8192xf32, #tpu.memory_space<vmem_shared>>
    %dma_start3A_65 = tpu.memref_slice %arg8[%add3A_63] : memref<1048576xf32, #tpu.memory_space<vmem_shared>> -> memref<8192xf32, #tpu.memory_space<vmem_shared>>
    tpu.enqueue_dma source(%arg16 : memref<8192xf32, #tpu.memory_space<vmem>>) target(%dma_start3A_65 : memref<8192xf32, #tpu.memory_space<vmem_shared>>) target_semaphore(%arg17 : memref<!tpu.dma_semaphore, #tpu.memory_space<semaphore_mem>>)
    %dma_wait3A = tpu.memref_slice %arg8[%add3A_22] : memref<1048576xf32, #tpu.memory_space<vmem_shared>> -> memref<8192xf32, #tpu.memory_space<vmem_shared>>
    %dma_wait3A_66 = tpu.memref_slice %arg8[%add3A_22] : memref<1048576xf32, #tpu.memory_space<vmem_shared>> -> memref<8192xf32, #tpu.memory_space<vmem_shared>>
    tpu.wait_dma2 semaphore(%arg17 : memref<!tpu.dma_semaphore, #tpu.memory_space<semaphore_mem>>) src(%arg16 : memref<8192xf32, #tpu.memory_space<vmem>>) dst(%dma_wait3A_66 : memref<8192xf32, #tpu.memory_space<vmem_shared>>)
    %dma_wait3A_67 = tpu.memref_slice %arg8[%add3A_27] : memref<1048576xf32, #tpu.memory_space<vmem_shared>> -> memref<8192xf32, #tpu.memory_space<vmem_shared>>
    %dma_wait3A_68 = tpu.memref_slice %arg8[%add3A_27] : memref<1048576xf32, #tpu.memory_space<vmem_shared>> -> memref<8192xf32, #tpu.memory_space<vmem_shared>>
    tpu.wait_dma2 semaphore(%arg17 : memref<!tpu.dma_semaphore, #tpu.memory_space<semaphore_mem>>) src(%arg16 : memref<8192xf32, #tpu.memory_space<vmem>>) dst(%dma_wait3A_68 : memref<8192xf32, #tpu.memory_space<vmem_shared>>)
    %dma_wait3A_69 = tpu.memref_slice %arg8[%add3A_33] : memref<1048576xf32, #tpu.memory_space<vmem_shared>> -> memref<8192xf32, #tpu.memory_space<vmem_shared>>
    %dma_wait3A_70 = tpu.memref_slice %arg8[%add3A_33] : memref<1048576xf32, #tpu.memory_space<vmem_shared>> -> memref<8192xf32, #tpu.memory_space<vmem_shared>>
    tpu.wait_dma2 semaphore(%arg17 : memref<!tpu.dma_semaphore, #tpu.memory_space<semaphore_mem>>) src(%arg16 : memref<8192xf32, #tpu.memory_space<vmem>>) dst(%dma_wait3A_70 : memref<8192xf32, #tpu.memory_space<vmem_shared>>)
    %dma_wait3A_71 = tpu.memref_slice %arg8[%add3A_39] : memref<1048576xf32, #tpu.memory_space<vmem_shared>> -> memref<8192xf32, #tpu.memory_space<vmem_shared>>
    %dma_wait3A_72 = tpu.memref_slice %arg8[%add3A_39] : memref<1048576xf32, #tpu.memory_space<vmem_shared>> -> memref<8192xf32, #tpu.memory_space<vmem_shared>>
    tpu.wait_dma2 semaphore(%arg17 : memref<!tpu.dma_semaphore, #tpu.memory_space<semaphore_mem>>) src(%arg16 : memref<8192xf32, #tpu.memory_space<vmem>>) dst(%dma_wait3A_72 : memref<8192xf32, #tpu.memory_space<vmem_shared>>)
    %dma_wait3A_73 = tpu.memref_slice %arg8[%add3A_45] : memref<1048576xf32, #tpu.memory_space<vmem_shared>> -> memref<8192xf32, #tpu.memory_space<vmem_shared>>
    %dma_wait3A_74 = tpu.memref_slice %arg8[%add3A_45] : memref<1048576xf32, #tpu.memory_space<vmem_shared>> -> memref<8192xf32, #tpu.memory_space<vmem_shared>>
    tpu.wait_dma2 semaphore(%arg17 : memref<!tpu.dma_semaphore, #tpu.memory_space<semaphore_mem>>) src(%arg16 : memref<8192xf32, #tpu.memory_space<vmem>>) dst(%dma_wait3A_74 : memref<8192xf32, #tpu.memory_space<vmem_shared>>)
    %dma_wait3A_75 = tpu.memref_slice %arg8[%add3A_51] : memref<1048576xf32, #tpu.memory_space<vmem_shared>> -> memref<8192xf32, #tpu.memory_space<vmem_shared>>
    %dma_wait3A_76 = tpu.memref_slice %arg8[%add3A_51] : memref<1048576xf32, #tpu.memory_space<vmem_shared>> -> memref<8192xf32, #tpu.memory_space<vmem_shared>>
    tpu.wait_dma2 semaphore(%arg17 : memref<!tpu.dma_semaphore, #tpu.memory_space<semaphore_mem>>) src(%arg16 : memref<8192xf32, #tpu.memory_space<vmem>>) dst(%dma_wait3A_76 : memref<8192xf32, #tpu.memory_space<vmem_shared>>)
    %dma_wait3A_77 = tpu.memref_slice %arg8[%add3A_57] : memref<1048576xf32, #tpu.memory_space<vmem_shared>> -> memref<8192xf32, #tpu.memory_space<vmem_shared>>
    %dma_wait3A_78 = tpu.memref_slice %arg8[%add3A_57] : memref<1048576xf32, #tpu.memory_space<vmem_shared>> -> memref<8192xf32, #tpu.memory_space<vmem_shared>>
    tpu.wait_dma2 semaphore(%arg17 : memref<!tpu.dma_semaphore, #tpu.memory_space<semaphore_mem>>) src(%arg16 : memref<8192xf32, #tpu.memory_space<vmem>>) dst(%dma_wait3A_78 : memref<8192xf32, #tpu.memory_space<vmem_shared>>)
    %dma_wait3A_79 = tpu.memref_slice %arg8[%add3A_63] : memref<1048576xf32, #tpu.memory_space<vmem_shared>> -> memref<8192xf32, #tpu.memory_space<vmem_shared>>
    %dma_wait3A_80 = tpu.memref_slice %arg8[%add3A_63] : memref<1048576xf32, #tpu.memory_space<vmem_shared>> -> memref<8192xf32, #tpu.memory_space<vmem_shared>>
    tpu.wait_dma2 semaphore(%arg17 : memref<!tpu.dma_semaphore, #tpu.memory_space<semaphore_mem>>) src(%arg16 : memref<8192xf32, #tpu.memory_space<vmem>>) dst(%dma_wait3A_80 : memref<8192xf32, #tpu.memory_space<vmem_shared>>)
    %barrier3A = arith.constant 0 : index
    tpu.barrier barrier_id(%barrier3A)
    "tpu.region"() ({
      %run_scoped3A = tpu.sem_alloc : memref<!tpu.dma_semaphore, #tpu.memory_space<semaphore_mem>>
      %dma_start3A_701 = arith.constant 0 : i32
      %dma_start3A_702 = tpu.memref_slice %arg8[%dma_start3A_701] : memref<1048576xf32, #tpu.memory_space<vmem_shared>> -> memref<1048576xf32, #tpu.memory_space<vmem_shared>>
      %dma_start3A_703 = arith.constant -1 : i32
      tpu.enqueue_indirect_dma source(%arg14 : memref<8192xf32, #tpu.memory_space<vmem>>) target(%dma_start3A_702 : memref<1048576xf32, #tpu.memory_space<vmem_shared>>) offsets(%arg11 : memref<8192xi32, #tpu.memory_space<vmem>>) offset_filter(%dma_start3A_703) semaphore(%run_scoped3A : memref<!tpu.dma_semaphore, #tpu.memory_space<semaphore_mem>>)
      %dma_wait3A_704 = arith.constant 0 : i32
      %dma_wait3A_705 = tpu.memref_slice %arg8[%dma_wait3A_704] : memref<1048576xf32, #tpu.memory_space<vmem_shared>> -> memref<1048576xf32, #tpu.memory_space<vmem_shared>>
      tpu.wait_indirect_dma semaphore(%run_scoped3A : memref<!tpu.dma_semaphore, #tpu.memory_space<semaphore_mem>>) src(%arg14 : memref<8192xf32, #tpu.memory_space<vmem>>) dst(%dma_wait3A_705 : memref<1048576xf32, #tpu.memory_space<vmem_shared>>)
      tpu.yield
    }) : () -> ()
    %barrier3A_81 = arith.constant 0 : index
    tpu.barrier barrier_id(%barrier3A_81)
    "tpu.region"() ({
      %run_scoped3A = tpu.sem_alloc : memref<!tpu.dma_semaphore, #tpu.memory_space<semaphore_mem>>
      %dma_start3A_701 = arith.constant 0 : i32
      %dma_start3A_702 = tpu.memref_slice %arg8[%dma_start3A_701] : memref<1048576xf32, #tpu.memory_space<vmem_shared>> -> memref<1048576xf32, #tpu.memory_space<vmem_shared>>
      %dma_start3A_703 = arith.constant -1 : i32
      tpu.enqueue_indirect_dma source(%arg15 : memref<8192xf32, #tpu.memory_space<vmem>>) target(%dma_start3A_702 : memref<1048576xf32, #tpu.memory_space<vmem_shared>>) offsets(%arg11 : memref<8192xi32, #tpu.memory_space<vmem>>) offset_filter(%dma_start3A_703) semaphore(%run_scoped3A : memref<!tpu.dma_semaphore, #tpu.memory_space<semaphore_mem>>) {add = true}
      %dma_wait3A_704 = arith.constant 0 : i32
      %dma_wait3A_705 = tpu.memref_slice %arg8[%dma_wait3A_704] : memref<1048576xf32, #tpu.memory_space<vmem_shared>> -> memref<1048576xf32, #tpu.memory_space<vmem_shared>>
      tpu.wait_indirect_dma semaphore(%run_scoped3A : memref<!tpu.dma_semaphore, #tpu.memory_space<semaphore_mem>>) src(%arg15 : memref<8192xf32, #tpu.memory_space<vmem>>) dst(%dma_wait3A_705 : memref<1048576xf32, #tpu.memory_space<vmem_shared>>)
      tpu.yield
    }) : () -> ()
    %barrier3A_82 = arith.constant 0 : index
    tpu.barrier barrier_id(%barrier3A_82)
    %mul3A_83 = arith.constant 65536 : i32
    %mul3A_84 = arith.muli %arg1, %mul3A_83 : i32
    %mul3A_85 = arith.constant 65536 : i32
    %mul3A_86 = arith.muli %arg1, %mul3A_85 : i32
    %add3A_87 = arith.addi %mul3A_13, %mul3A_86 : i32
    %dma_start3A_88 = tpu.memref_slice %arg7[%add3A_87] : memref<16777216xf32, #tpu.memory_space<hbm>> -> memref<65536xf32, #tpu.memory_space<hbm>>
    %dma_start3A_89 = tpu.memref_slice %arg8[%mul3A_84] : memref<1048576xf32, #tpu.memory_space<vmem_shared>> -> memref<65536xf32, #tpu.memory_space<vmem_shared>>
    tpu.enqueue_dma source(%dma_start3A_89 : memref<65536xf32, #tpu.memory_space<vmem_shared>>) target(%dma_start3A_88 : memref<65536xf32, #tpu.memory_space<hbm>>) target_semaphore(%arg18 : memref<!tpu.dma_semaphore, #tpu.memory_space<semaphore_mem>>)
    %mul3A_90 = arith.constant 8 : i32
    %mul3A_91 = arith.muli %arg0, %mul3A_90 : i32
    %add3A_92 = arith.constant 1 : i32
    %add3A_93 = arith.addi %mul3A_91, %add3A_92 : i32
    %mul3A_94 = arith.constant 1048576 : i32
    %mul3A_95 = arith.muli %add3A_93, %mul3A_94 : i32
    %scan3A_96 = arith.constant 0 : i32
    %scan3A_97 = arith.constant 512 : i32
    %scan3A_98 = arith.addi %scan3A_96, %scan3A_97 : i32
    %scan3A_99 = arith.constant 1 : i32
    scf.for %scan3A_701 = %scan3A_96 to %scan3A_98 step %scan3A_99  : i32 {
      %mul3A_702 = arith.constant 16 : i32
      %mul3A_703 = arith.muli %scan3A_701, %mul3A_702 : i32
      %get3A = arith.index_cast %mul3A_703 : i32 to index
      %get3A_704 = tpu.vector_load %arg13[%get3A] {strides = array<i32>} : memref<8192xi32, #tpu.memory_space<vmem>>, vector<16xi32>,
      %shift_right_arithmetic3A = arith.constant 20 : i32
      %shift_right_arithmetic3A_705 = vector.broadcast %shift_right_arithmetic3A : i32 to vector<16xi32>
      %shift_right_arithmetic3A_706 = arith.shrsi %get3A_704, %shift_right_arithmetic3A_705 : vector<16xi32>
      %eq3A = vector.broadcast %add3A_93 : i32 to vector<16xi32>
      %eq3A_707 = arith.cmpi eq, %shift_right_arithmetic3A_706, %eq3A : vector<16xi32>
      %shift_right_arithmetic3A_708 = arith.constant 12 : i32
      %shift_right_arithmetic3A_709 = vector.broadcast %shift_right_arithmetic3A_708 : i32 to vector<16xi32>
      %shift_right_arithmetic3A_710 = arith.shrsi %get3A_704, %shift_right_arithmetic3A_709 : vector<16xi32>
      %and3A = arith.constant 255 : i32
      %and3A_711 = vector.broadcast %and3A : i32 to vector<16xi32>
      %and3A_712 = arith.andi %shift_right_arithmetic3A_710, %and3A_711 : vector<16xi32>
      %and3A_713 = arith.constant 4095 : i32
      %and3A_714 = vector.broadcast %and3A_713 : i32 to vector<16xi32>
      %and3A_715 = arith.andi %get3A_704, %and3A_714 : vector<16xi32>
      %shift_right_arithmetic3A_716 = arith.constant 3 : i32
      %shift_right_arithmetic3A_717 = vector.broadcast %shift_right_arithmetic3A_716 : i32 to vector<16xi32>
      %shift_right_arithmetic3A_718 = arith.shrsi %and3A_712, %shift_right_arithmetic3A_717 : vector<16xi32>
      %shift_left3A = arith.constant 15 : i32
      %shift_left3A_719 = vector.broadcast %shift_left3A : i32 to vector<16xi32>
      %shift_left3A_720 = arith.shli %shift_right_arithmetic3A_718, %shift_left3A_719 : vector<16xi32>
      %shift_right_arithmetic3A_721 = arith.constant 7 : i32
      %shift_right_arithmetic3A_722 = vector.broadcast %shift_right_arithmetic3A_721 : i32 to vector<16xi32>
      %shift_right_arithmetic3A_723 = arith.shrsi %and3A_715, %shift_right_arithmetic3A_722 : vector<16xi32>
      %shift_left3A_724 = arith.constant 10 : i32
      %shift_left3A_725 = vector.broadcast %shift_left3A_724 : i32 to vector<16xi32>
      %shift_left3A_726 = arith.shli %shift_right_arithmetic3A_723, %shift_left3A_725 : vector<16xi32>
      %add3A_727 = arith.addi %shift_left3A_720, %shift_left3A_726 : vector<16xi32>
      %and3A_728 = arith.constant 7 : i32
      %and3A_729 = vector.broadcast %and3A_728 : i32 to vector<16xi32>
      %and3A_730 = arith.andi %and3A_712, %and3A_729 : vector<16xi32>
      %shift_left3A_731 = arith.constant 7 : i32
      %shift_left3A_732 = vector.broadcast %shift_left3A_731 : i32 to vector<16xi32>
      %shift_left3A_733 = arith.shli %and3A_730, %shift_left3A_732 : vector<16xi32>
      %add3A_734 = arith.addi %add3A_727, %shift_left3A_733 : vector<16xi32>
      %and3A_735 = arith.constant 127 : i32
      %and3A_736 = vector.broadcast %and3A_735 : i32 to vector<16xi32>
      %and3A_737 = arith.andi %and3A_715, %and3A_736 : vector<16xi32>
      %add3A_738 = arith.addi %add3A_734, %and3A_737 : vector<16xi32>
      %jit3A = arith.constant -1 : i32
      %broadcast_in_dim3A_739 = vector.broadcast %jit3A : i32 to vector<16xi32>
      %select_n3A = arith.select %eq3A_707, %add3A_738, %broadcast_in_dim3A_739 : vector<16xi1>, vector<16xi32>
      %swap3A = arith.index_cast %mul3A_703 : i32 to index
      %swap3A_740 = tpu.vector_load %arg11[%swap3A] {strides = array<i32>} : memref<8192xi32, #tpu.memory_space<vmem>>, vector<16xi32>,
      tpu.vector_store %arg11[%swap3A], %select_n3A {strides = array<i32>} : memref<8192xi32, #tpu.memory_space<vmem>>, vector<16xi32>,
    }
    %scan3A_100 = arith.constant 512 : i32
    %dma_wait3A_101 = tpu.memref_slice %arg7[%add3A_87] : memref<16777216xf32, #tpu.memory_space<hbm>> -> memref<65536xf32, #tpu.memory_space<hbm>>
    %dma_wait3A_102 = tpu.memref_slice %arg8[%mul3A_84] : memref<1048576xf32, #tpu.memory_space<vmem_shared>> -> memref<65536xf32, #tpu.memory_space<vmem_shared>>
    tpu.wait_dma2 semaphore(%arg18 : memref<!tpu.dma_semaphore, #tpu.memory_space<semaphore_mem>>) src(%dma_wait3A_102 : memref<65536xf32, #tpu.memory_space<vmem_shared>>) dst(%dma_wait3A_101 : memref<65536xf32, #tpu.memory_space<hbm>>)
    %mul3A_103 = arith.constant 65536 : i32
    %mul3A_104 = arith.muli %arg1, %mul3A_103 : i32
    %add3A_105 = arith.constant 0 : i32
    %add3A_106 = arith.addi %mul3A_104, %add3A_105 : i32
    %dma_start3A_107 = tpu.memref_slice %arg8[%add3A_106] : memref<1048576xf32, #tpu.memory_space<vmem_shared>> -> memref<8192xf32, #tpu.memory_space<vmem_shared>>
    %dma_start3A_108 = tpu.memref_slice %arg8[%add3A_106] : memref<1048576xf32, #tpu.memory_space<vmem_shared>> -> memref<8192xf32, #tpu.memory_space<vmem_shared>>
    tpu.enqueue_dma source(%arg16 : memref<8192xf32, #tpu.memory_space<vmem>>) target(%dma_start3A_108 : memref<8192xf32, #tpu.memory_space<vmem_shared>>) target_semaphore(%arg17 : memref<!tpu.dma_semaphore, #tpu.memory_space<semaphore_mem>>)
    %mul3A_109 = arith.constant 65536 : i32
    %mul3A_110 = arith.muli %arg1, %mul3A_109 : i32
    %add3A_111 = arith.constant 8192 : i32
    %add3A_112 = arith.addi %mul3A_110, %add3A_111 : i32
    %dma_start3A_113 = tpu.memref_slice %arg8[%add3A_112] : memref<1048576xf32, #tpu.memory_space<vmem_shared>> -> memref<8192xf32, #tpu.memory_space<vmem_shared>>
    %dma_start3A_114 = tpu.memref_slice %arg8[%add3A_112] : memref<1048576xf32, #tpu.memory_space<vmem_shared>> -> memref<8192xf32, #tpu.memory_space<vmem_shared>>
    tpu.enqueue_dma source(%arg16 : memref<8192xf32, #tpu.memory_space<vmem>>) target(%dma_start3A_114 : memref<8192xf32, #tpu.memory_space<vmem_shared>>) target_semaphore(%arg17 : memref<!tpu.dma_semaphore, #tpu.memory_space<semaphore_mem>>)
    %mul3A_115 = arith.constant 65536 : i32
    %mul3A_116 = arith.muli %arg1, %mul3A_115 : i32
    %add3A_117 = arith.constant 16384 : i32
    %add3A_118 = arith.addi %mul3A_116, %add3A_117 : i32
    %dma_start3A_119 = tpu.memref_slice %arg8[%add3A_118] : memref<1048576xf32, #tpu.memory_space<vmem_shared>> -> memref<8192xf32, #tpu.memory_space<vmem_shared>>
    %dma_start3A_120 = tpu.memref_slice %arg8[%add3A_118] : memref<1048576xf32, #tpu.memory_space<vmem_shared>> -> memref<8192xf32, #tpu.memory_space<vmem_shared>>
    tpu.enqueue_dma source(%arg16 : memref<8192xf32, #tpu.memory_space<vmem>>) target(%dma_start3A_120 : memref<8192xf32, #tpu.memory_space<vmem_shared>>) target_semaphore(%arg17 : memref<!tpu.dma_semaphore, #tpu.memory_space<semaphore_mem>>)
    %mul3A_121 = arith.constant 65536 : i32
    %mul3A_122 = arith.muli %arg1, %mul3A_121 : i32
    %add3A_123 = arith.constant 24576 : i32
    %add3A_124 = arith.addi %mul3A_122, %add3A_123 : i32
    %dma_start3A_125 = tpu.memref_slice %arg8[%add3A_124] : memref<1048576xf32, #tpu.memory_space<vmem_shared>> -> memref<8192xf32, #tpu.memory_space<vmem_shared>>
    %dma_start3A_126 = tpu.memref_slice %arg8[%add3A_124] : memref<1048576xf32, #tpu.memory_space<vmem_shared>> -> memref<8192xf32, #tpu.memory_space<vmem_shared>>
    tpu.enqueue_dma source(%arg16 : memref<8192xf32, #tpu.memory_space<vmem>>) target(%dma_start3A_126 : memref<8192xf32, #tpu.memory_space<vmem_shared>>) target_semaphore(%arg17 : memref<!tpu.dma_semaphore, #tpu.memory_space<semaphore_mem>>)
    %mul3A_127 = arith.constant 65536 : i32
    %mul3A_128 = arith.muli %arg1, %mul3A_127 : i32
    %add3A_129 = arith.constant 32768 : i32
    %add3A_130 = arith.addi %mul3A_128, %add3A_129 : i32
    %dma_start3A_131 = tpu.memref_slice %arg8[%add3A_130] : memref<1048576xf32, #tpu.memory_space<vmem_shared>> -> memref<8192xf32, #tpu.memory_space<vmem_shared>>
    %dma_start3A_132 = tpu.memref_slice %arg8[%add3A_130] : memref<1048576xf32, #tpu.memory_space<vmem_shared>> -> memref<8192xf32, #tpu.memory_space<vmem_shared>>
    tpu.enqueue_dma source(%arg16 : memref<8192xf32, #tpu.memory_space<vmem>>) target(%dma_start3A_132 : memref<8192xf32, #tpu.memory_space<vmem_shared>>) target_semaphore(%arg17 : memref<!tpu.dma_semaphore, #tpu.memory_space<semaphore_mem>>)
    %mul3A_133 = arith.constant 65536 : i32
    %mul3A_134 = arith.muli %arg1, %mul3A_133 : i32
    %add3A_135 = arith.constant 40960 : i32
    %add3A_136 = arith.addi %mul3A_134, %add3A_135 : i32
    %dma_start3A_137 = tpu.memref_slice %arg8[%add3A_136] : memref<1048576xf32, #tpu.memory_space<vmem_shared>> -> memref<8192xf32, #tpu.memory_space<vmem_shared>>
    %dma_start3A_138 = tpu.memref_slice %arg8[%add3A_136] : memref<1048576xf32, #tpu.memory_space<vmem_shared>> -> memref<8192xf32, #tpu.memory_space<vmem_shared>>
    tpu.enqueue_dma source(%arg16 : memref<8192xf32, #tpu.memory_space<vmem>>) target(%dma_start3A_138 : memref<8192xf32, #tpu.memory_space<vmem_shared>>) target_semaphore(%arg17 : memref<!tpu.dma_semaphore, #tpu.memory_space<semaphore_mem>>)
    %mul3A_139 = arith.constant 65536 : i32
    %mul3A_140 = arith.muli %arg1, %mul3A_139 : i32
    %add3A_141 = arith.constant 49152 : i32
    %add3A_142 = arith.addi %mul3A_140, %add3A_141 : i32
    %dma_start3A_143 = tpu.memref_slice %arg8[%add3A_142] : memref<1048576xf32, #tpu.memory_space<vmem_shared>> -> memref<8192xf32, #tpu.memory_space<vmem_shared>>
    %dma_start3A_144 = tpu.memref_slice %arg8[%add3A_142] : memref<1048576xf32, #tpu.memory_space<vmem_shared>> -> memref<8192xf32, #tpu.memory_space<vmem_shared>>
    tpu.enqueue_dma source(%arg16 : memref<8192xf32, #tpu.memory_space<vmem>>) target(%dma_start3A_144 : memref<8192xf32, #tpu.memory_space<vmem_shared>>) target_semaphore(%arg17 : memref<!tpu.dma_semaphore, #tpu.memory_space<semaphore_mem>>)
    %mul3A_145 = arith.constant 65536 : i32
    %mul3A_146 = arith.muli %arg1, %mul3A_145 : i32
    %add3A_147 = arith.constant 57344 : i32
    %add3A_148 = arith.addi %mul3A_146, %add3A_147 : i32
    %dma_start3A_149 = tpu.memref_slice %arg8[%add3A_148] : memref<1048576xf32, #tpu.memory_space<vmem_shared>> -> memref<8192xf32, #tpu.memory_space<vmem_shared>>
    %dma_start3A_150 = tpu.memref_slice %arg8[%add3A_148] : memref<1048576xf32, #tpu.memory_space<vmem_shared>> -> memref<8192xf32, #tpu.memory_space<vmem_shared>>
    tpu.enqueue_dma source(%arg16 : memref<8192xf32, #tpu.memory_space<vmem>>) target(%dma_start3A_150 : memref<8192xf32, #tpu.memory_space<vmem_shared>>) target_semaphore(%arg17 : memref<!tpu.dma_semaphore, #tpu.memory_space<semaphore_mem>>)
    %dma_wait3A_151 = tpu.memref_slice %arg8[%add3A_106] : memref<1048576xf32, #tpu.memory_space<vmem_shared>> -> memref<8192xf32, #tpu.memory_space<vmem_shared>>
    %dma_wait3A_152 = tpu.memref_slice %arg8[%add3A_106] : memref<1048576xf32, #tpu.memory_space<vmem_shared>> -> memref<8192xf32, #tpu.memory_space<vmem_shared>>
    tpu.wait_dma2 semaphore(%arg17 : memref<!tpu.dma_semaphore, #tpu.memory_space<semaphore_mem>>) src(%arg16 : memref<8192xf32, #tpu.memory_space<vmem>>) dst(%dma_wait3A_152 : memref<8192xf32, #tpu.memory_space<vmem_shared>>)
    %dma_wait3A_153 = tpu.memref_slice %arg8[%add3A_112] : memref<1048576xf32, #tpu.memory_space<vmem_shared>> -> memref<8192xf32, #tpu.memory_space<vmem_shared>>
    %dma_wait3A_154 = tpu.memref_slice %arg8[%add3A_112] : memref<1048576xf32, #tpu.memory_space<vmem_shared>> -> memref<8192xf32, #tpu.memory_space<vmem_shared>>
    tpu.wait_dma2 semaphore(%arg17 : memref<!tpu.dma_semaphore, #tpu.memory_space<semaphore_mem>>) src(%arg16 : memref<8192xf32, #tpu.memory_space<vmem>>) dst(%dma_wait3A_154 : memref<8192xf32, #tpu.memory_space<vmem_shared>>)
    %dma_wait3A_155 = tpu.memref_slice %arg8[%add3A_118] : memref<1048576xf32, #tpu.memory_space<vmem_shared>> -> memref<8192xf32, #tpu.memory_space<vmem_shared>>
    %dma_wait3A_156 = tpu.memref_slice %arg8[%add3A_118] : memref<1048576xf32, #tpu.memory_space<vmem_shared>> -> memref<8192xf32, #tpu.memory_space<vmem_shared>>
    tpu.wait_dma2 semaphore(%arg17 : memref<!tpu.dma_semaphore, #tpu.memory_space<semaphore_mem>>) src(%arg16 : memref<8192xf32, #tpu.memory_space<vmem>>) dst(%dma_wait3A_156 : memref<8192xf32, #tpu.memory_space<vmem_shared>>)
    %dma_wait3A_157 = tpu.memref_slice %arg8[%add3A_124] : memref<1048576xf32, #tpu.memory_space<vmem_shared>> -> memref<8192xf32, #tpu.memory_space<vmem_shared>>
    %dma_wait3A_158 = tpu.memref_slice %arg8[%add3A_124] : memref<1048576xf32, #tpu.memory_space<vmem_shared>> -> memref<8192xf32, #tpu.memory_space<vmem_shared>>
    tpu.wait_dma2 semaphore(%arg17 : memref<!tpu.dma_semaphore, #tpu.memory_space<semaphore_mem>>) src(%arg16 : memref<8192xf32, #tpu.memory_space<vmem>>) dst(%dma_wait3A_158 : memref<8192xf32, #tpu.memory_space<vmem_shared>>)
    %dma_wait3A_159 = tpu.memref_slice %arg8[%add3A_130] : memref<1048576xf32, #tpu.memory_space<vmem_shared>> -> memref<8192xf32, #tpu.memory_space<vmem_shared>>
    %dma_wait3A_160 = tpu.memref_slice %arg8[%add3A_130] : memref<1048576xf32, #tpu.memory_space<vmem_shared>> -> memref<8192xf32, #tpu.memory_space<vmem_shared>>
    tpu.wait_dma2 semaphore(%arg17 : memref<!tpu.dma_semaphore, #tpu.memory_space<semaphore_mem>>) src(%arg16 : memref<8192xf32, #tpu.memory_space<vmem>>) dst(%dma_wait3A_160 : memref<8192xf32, #tpu.memory_space<vmem_shared>>)
    %dma_wait3A_161 = tpu.memref_slice %arg8[%add3A_136] : memref<1048576xf32, #tpu.memory_space<vmem_shared>> -> memref<8192xf32, #tpu.memory_space<vmem_shared>>
    %dma_wait3A_162 = tpu.memref_slice %arg8[%add3A_136] : memref<1048576xf32, #tpu.memory_space<vmem_shared>> -> memref<8192xf32, #tpu.memory_space<vmem_shared>>
    tpu.wait_dma2 semaphore(%arg17 : memref<!tpu.dma_semaphore, #tpu.memory_space<semaphore_mem>>) src(%arg16 : memref<8192xf32, #tpu.memory_space<vmem>>) dst(%dma_wait3A_162 : memref<8192xf32, #tpu.memory_space<vmem_shared>>)
    %dma_wait3A_163 = tpu.memref_slice %arg8[%add3A_142] : memref<1048576xf32, #tpu.memory_space<vmem_shared>> -> memref<8192xf32, #tpu.memory_space<vmem_shared>>
    %dma_wait3A_164 = tpu.memref_slice %arg8[%add3A_142] : memref<1048576xf32, #tpu.memory_space<vmem_shared>> -> memref<8192xf32, #tpu.memory_space<vmem_shared>>
    tpu.wait_dma2 semaphore(%arg17 : memref<!tpu.dma_semaphore, #tpu.memory_space<semaphore_mem>>) src(%arg16 : memref<8192xf32, #tpu.memory_space<vmem>>) dst(%dma_wait3A_164 : memref<8192xf32, #tpu.memory_space<vmem_shared>>)
    %dma_wait3A_165 = tpu.memref_slice %arg8[%add3A_148] : memref<1048576xf32, #tpu.memory_space<vmem_shared>> -> memref<8192xf32, #tpu.memory_space<vmem_shared>>
    %dma_wait3A_166 = tpu.memref_slice %arg8[%add3A_148] : memref<1048576xf32, #tpu.memory_space<vmem_shared>> -> memref<8192xf32, #tpu.memory_space<vmem_shared>>
    tpu.wait_dma2 semaphore(%arg17 : memref<!tpu.dma_semaphore, #tpu.memory_space<semaphore_mem>>) src(%arg16 : memref<8192xf32, #tpu.memory_space<vmem>>) dst(%dma_wait3A_166 : memref<8192xf32, #tpu.memory_space<vmem_shared>>)
    %barrier3A_167 = arith.constant 0 : index
    tpu.barrier barrier_id(%barrier3A_167)
    "tpu.region"() ({
      %run_scoped3A = tpu.sem_alloc : memref<!tpu.dma_semaphore, #tpu.memory_space<semaphore_mem>>
      %dma_start3A_701 = arith.constant 0 : i32
      %dma_start3A_702 = tpu.memref_slice %arg8[%dma_start3A_701] : memref<1048576xf32, #tpu.memory_space<vmem_shared>> -> memref<1048576xf32, #tpu.memory_space<vmem_shared>>
      %dma_start3A_703 = arith.constant -1 : i32
      tpu.enqueue_indirect_dma source(%arg14 : memref<8192xf32, #tpu.memory_space<vmem>>) target(%dma_start3A_702 : memref<1048576xf32, #tpu.memory_space<vmem_shared>>) offsets(%arg11 : memref<8192xi32, #tpu.memory_space<vmem>>) offset_filter(%dma_start3A_703) semaphore(%run_scoped3A : memref<!tpu.dma_semaphore, #tpu.memory_space<semaphore_mem>>)
      %dma_wait3A_704 = arith.constant 0 : i32
      %dma_wait3A_705 = tpu.memref_slice %arg8[%dma_wait3A_704] : memref<1048576xf32, #tpu.memory_space<vmem_shared>> -> memref<1048576xf32, #tpu.memory_space<vmem_shared>>
      tpu.wait_indirect_dma semaphore(%run_scoped3A : memref<!tpu.dma_semaphore, #tpu.memory_space<semaphore_mem>>) src(%arg14 : memref<8192xf32, #tpu.memory_space<vmem>>) dst(%dma_wait3A_705 : memref<1048576xf32, #tpu.memory_space<vmem_shared>>)
      tpu.yield
    }) : () -> ()
    %barrier3A_168 = arith.constant 0 : index
    tpu.barrier barrier_id(%barrier3A_168)
    "tpu.region"() ({
      %run_scoped3A = tpu.sem_alloc : memref<!tpu.dma_semaphore, #tpu.memory_space<semaphore_mem>>
      %dma_start3A_701 = arith.constant 0 : i32
      %dma_start3A_702 = tpu.memref_slice %arg8[%dma_start3A_701] : memref<1048576xf32, #tpu.memory_space<vmem_shared>> -> memref<1048576xf32, #tpu.memory_space<vmem_shared>>
      %dma_start3A_703 = arith.constant -1 : i32
      tpu.enqueue_indirect_dma source(%arg15 : memref<8192xf32, #tpu.memory_space<vmem>>) target(%dma_start3A_702 : memref<1048576xf32, #tpu.memory_space<vmem_shared>>) offsets(%arg11 : memref<8192xi32, #tpu.memory_space<vmem>>) offset_filter(%dma_start3A_703) semaphore(%run_scoped3A : memref<!tpu.dma_semaphore, #tpu.memory_space<semaphore_mem>>) {add = true}
      %dma_wait3A_704 = arith.constant 0 : i32
      %dma_wait3A_705 = tpu.memref_slice %arg8[%dma_wait3A_704] : memref<1048576xf32, #tpu.memory_space<vmem_shared>> -> memref<1048576xf32, #tpu.memory_space<vmem_shared>>
      tpu.wait_indirect_dma semaphore(%run_scoped3A : memref<!tpu.dma_semaphore, #tpu.memory_space<semaphore_mem>>) src(%arg15 : memref<8192xf32, #tpu.memory_space<vmem>>) dst(%dma_wait3A_705 : memref<1048576xf32, #tpu.memory_space<vmem_shared>>)
      tpu.yield
    }) : () -> ()
    %barrier3A_169 = arith.constant 0 : index
    tpu.barrier barrier_id(%barrier3A_169)
    %mul3A_170 = arith.constant 65536 : i32
    %mul3A_171 = arith.muli %arg1, %mul3A_170 : i32
    %mul3A_172 = arith.constant 65536 : i32
    %mul3A_173 = arith.muli %arg1, %mul3A_172 : i32
    %add3A_174 = arith.addi %mul3A_95, %mul3A_173 : i32
    %dma_start3A_175 = tpu.memref_slice %arg7[%add3A_174] : memref<16777216xf32, #tpu.memory_space<hbm>> -> memref<65536xf32, #tpu.memory_space<hbm>>
    %dma_start3A_176 = tpu.memref_slice %arg8[%mul3A_171] : memref<1048576xf32, #tpu.memory_space<vmem_shared>> -> memref<65536xf32, #tpu.memory_space<vmem_shared>>
    tpu.enqueue_dma source(%dma_start3A_176 : memref<65536xf32, #tpu.memory_space<vmem_shared>>) target(%dma_start3A_175 : memref<65536xf32, #tpu.memory_space<hbm>>) target_semaphore(%arg18 : memref<!tpu.dma_semaphore, #tpu.memory_space<semaphore_mem>>)
    %mul3A_177 = arith.constant 8 : i32
    %mul3A_178 = arith.muli %arg0, %mul3A_177 : i32
    %add3A_179 = arith.constant 2 : i32
    %add3A_180 = arith.addi %mul3A_178, %add3A_179 : i32
    %mul3A_181 = arith.constant 1048576 : i32
    %mul3A_182 = arith.muli %add3A_180, %mul3A_181 : i32
    %scan3A_183 = arith.constant 0 : i32
    %scan3A_184 = arith.constant 512 : i32
    %scan3A_185 = arith.addi %scan3A_183, %scan3A_184 : i32
    %scan3A_186 = arith.constant 1 : i32
    scf.for %scan3A_701 = %scan3A_183 to %scan3A_185 step %scan3A_186  : i32 {
      %mul3A_702 = arith.constant 16 : i32
      %mul3A_703 = arith.muli %scan3A_701, %mul3A_702 : i32
      %get3A = arith.index_cast %mul3A_703 : i32 to index
      %get3A_704 = tpu.vector_load %arg13[%get3A] {strides = array<i32>} : memref<8192xi32, #tpu.memory_space<vmem>>, vector<16xi32>,
      %shift_right_arithmetic3A = arith.constant 20 : i32
      %shift_right_arithmetic3A_705 = vector.broadcast %shift_right_arithmetic3A : i32 to vector<16xi32>
      %shift_right_arithmetic3A_706 = arith.shrsi %get3A_704, %shift_right_arithmetic3A_705 : vector<16xi32>
      %eq3A = vector.broadcast %add3A_180 : i32 to vector<16xi32>
      %eq3A_707 = arith.cmpi eq, %shift_right_arithmetic3A_706, %eq3A : vector<16xi32>
      %shift_right_arithmetic3A_708 = arith.constant 12 : i32
      %shift_right_arithmetic3A_709 = vector.broadcast %shift_right_arithmetic3A_708 : i32 to vector<16xi32>
      %shift_right_arithmetic3A_710 = arith.shrsi %get3A_704, %shift_right_arithmetic3A_709 : vector<16xi32>
      %and3A = arith.constant 255 : i32
      %and3A_711 = vector.broadcast %and3A : i32 to vector<16xi32>
      %and3A_712 = arith.andi %shift_right_arithmetic3A_710, %and3A_711 : vector<16xi32>
      %and3A_713 = arith.constant 4095 : i32
      %and3A_714 = vector.broadcast %and3A_713 : i32 to vector<16xi32>
      %and3A_715 = arith.andi %get3A_704, %and3A_714 : vector<16xi32>
      %shift_right_arithmetic3A_716 = arith.constant 3 : i32
      %shift_right_arithmetic3A_717 = vector.broadcast %shift_right_arithmetic3A_716 : i32 to vector<16xi32>
      %shift_right_arithmetic3A_718 = arith.shrsi %and3A_712, %shift_right_arithmetic3A_717 : vector<16xi32>
      %shift_left3A = arith.constant 15 : i32
      %shift_left3A_719 = vector.broadcast %shift_left3A : i32 to vector<16xi32>
      %shift_left3A_720 = arith.shli %shift_right_arithmetic3A_718, %shift_left3A_719 : vector<16xi32>
      %shift_right_arithmetic3A_721 = arith.constant 7 : i32
      %shift_right_arithmetic3A_722 = vector.broadcast %shift_right_arithmetic3A_721 : i32 to vector<16xi32>
      %shift_right_arithmetic3A_723 = arith.shrsi %and3A_715, %shift_right_arithmetic3A_722 : vector<16xi32>
      %shift_left3A_724 = arith.constant 10 : i32
      %shift_left3A_725 = vector.broadcast %shift_left3A_724 : i32 to vector<16xi32>
      %shift_left3A_726 = arith.shli %shift_right_arithmetic3A_723, %shift_left3A_725 : vector<16xi32>
      %add3A_727 = arith.addi %shift_left3A_720, %shift_left3A_726 : vector<16xi32>
      %and3A_728 = arith.constant 7 : i32
      %and3A_729 = vector.broadcast %and3A_728 : i32 to vector<16xi32>
      %and3A_730 = arith.andi %and3A_712, %and3A_729 : vector<16xi32>
      %shift_left3A_731 = arith.constant 7 : i32
      %shift_left3A_732 = vector.broadcast %shift_left3A_731 : i32 to vector<16xi32>
      %shift_left3A_733 = arith.shli %and3A_730, %shift_left3A_732 : vector<16xi32>
      %add3A_734 = arith.addi %add3A_727, %shift_left3A_733 : vector<16xi32>
      %and3A_735 = arith.constant 127 : i32
      %and3A_736 = vector.broadcast %and3A_735 : i32 to vector<16xi32>
      %and3A_737 = arith.andi %and3A_715, %and3A_736 : vector<16xi32>
      %add3A_738 = arith.addi %add3A_734, %and3A_737 : vector<16xi32>
      %jit3A = arith.constant -1 : i32
      %broadcast_in_dim3A_739 = vector.broadcast %jit3A : i32 to vector<16xi32>
      %select_n3A = arith.select %eq3A_707, %add3A_738, %broadcast_in_dim3A_739 : vector<16xi1>, vector<16xi32>
      %swap3A = arith.index_cast %mul3A_703 : i32 to index
      %swap3A_740 = tpu.vector_load %arg11[%swap3A] {strides = array<i32>} : memref<8192xi32, #tpu.memory_space<vmem>>, vector<16xi32>,
      tpu.vector_store %arg11[%swap3A], %select_n3A {strides = array<i32>} : memref<8192xi32, #tpu.memory_space<vmem>>, vector<16xi32>,
    }
    %scan3A_187 = arith.constant 512 : i32
    %dma_wait3A_188 = tpu.memref_slice %arg7[%add3A_174] : memref<16777216xf32, #tpu.memory_space<hbm>> -> memref<65536xf32, #tpu.memory_space<hbm>>
    %dma_wait3A_189 = tpu.memref_slice %arg8[%mul3A_171] : memref<1048576xf32, #tpu.memory_space<vmem_shared>> -> memref<65536xf32, #tpu.memory_space<vmem_shared>>
    tpu.wait_dma2 semaphore(%arg18 : memref<!tpu.dma_semaphore, #tpu.memory_space<semaphore_mem>>) src(%dma_wait3A_189 : memref<65536xf32, #tpu.memory_space<vmem_shared>>) dst(%dma_wait3A_188 : memref<65536xf32, #tpu.memory_space<hbm>>)
    %mul3A_190 = arith.constant 65536 : i32
    %mul3A_191 = arith.muli %arg1, %mul3A_190 : i32
    %add3A_192 = arith.constant 0 : i32
    %add3A_193 = arith.addi %mul3A_191, %add3A_192 : i32
    %dma_start3A_194 = tpu.memref_slice %arg8[%add3A_193] : memref<1048576xf32, #tpu.memory_space<vmem_shared>> -> memref<8192xf32, #tpu.memory_space<vmem_shared>>
    %dma_start3A_195 = tpu.memref_slice %arg8[%add3A_193] : memref<1048576xf32, #tpu.memory_space<vmem_shared>> -> memref<8192xf32, #tpu.memory_space<vmem_shared>>
    tpu.enqueue_dma source(%arg16 : memref<8192xf32, #tpu.memory_space<vmem>>) target(%dma_start3A_195 : memref<8192xf32, #tpu.memory_space<vmem_shared>>) target_semaphore(%arg17 : memref<!tpu.dma_semaphore, #tpu.memory_space<semaphore_mem>>)
    %mul3A_196 = arith.constant 65536 : i32
    %mul3A_197 = arith.muli %arg1, %mul3A_196 : i32
    %add3A_198 = arith.constant 8192 : i32
    %add3A_199 = arith.addi %mul3A_197, %add3A_198 : i32
    %dma_start3A_200 = tpu.memref_slice %arg8[%add3A_199] : memref<1048576xf32, #tpu.memory_space<vmem_shared>> -> memref<8192xf32, #tpu.memory_space<vmem_shared>>
    %dma_start3A_201 = tpu.memref_slice %arg8[%add3A_199] : memref<1048576xf32, #tpu.memory_space<vmem_shared>> -> memref<8192xf32, #tpu.memory_space<vmem_shared>>
    tpu.enqueue_dma source(%arg16 : memref<8192xf32, #tpu.memory_space<vmem>>) target(%dma_start3A_201 : memref<8192xf32, #tpu.memory_space<vmem_shared>>) target_semaphore(%arg17 : memref<!tpu.dma_semaphore, #tpu.memory_space<semaphore_mem>>)
    %mul3A_202 = arith.constant 65536 : i32
    %mul3A_203 = arith.muli %arg1, %mul3A_202 : i32
    %add3A_204 = arith.constant 16384 : i32
    %add3A_205 = arith.addi %mul3A_203, %add3A_204 : i32
    %dma_start3A_206 = tpu.memref_slice %arg8[%add3A_205] : memref<1048576xf32, #tpu.memory_space<vmem_shared>> -> memref<8192xf32, #tpu.memory_space<vmem_shared>>
    %dma_start3A_207 = tpu.memref_slice %arg8[%add3A_205] : memref<1048576xf32, #tpu.memory_space<vmem_shared>> -> memref<8192xf32, #tpu.memory_space<vmem_shared>>
    tpu.enqueue_dma source(%arg16 : memref<8192xf32, #tpu.memory_space<vmem>>) target(%dma_start3A_207 : memref<8192xf32, #tpu.memory_space<vmem_shared>>) target_semaphore(%arg17 : memref<!tpu.dma_semaphore, #tpu.memory_space<semaphore_mem>>)
    %mul3A_208 = arith.constant 65536 : i32
    %mul3A_209 = arith.muli %arg1, %mul3A_208 : i32
    %add3A_210 = arith.constant 24576 : i32
    %add3A_211 = arith.addi %mul3A_209, %add3A_210 : i32
    %dma_start3A_212 = tpu.memref_slice %arg8[%add3A_211] : memref<1048576xf32, #tpu.memory_space<vmem_shared>> -> memref<8192xf32, #tpu.memory_space<vmem_shared>>
    %dma_start3A_213 = tpu.memref_slice %arg8[%add3A_211] : memref<1048576xf32, #tpu.memory_space<vmem_shared>> -> memref<8192xf32, #tpu.memory_space<vmem_shared>>
    tpu.enqueue_dma source(%arg16 : memref<8192xf32, #tpu.memory_space<vmem>>) target(%dma_start3A_213 : memref<8192xf32, #tpu.memory_space<vmem_shared>>) target_semaphore(%arg17 : memref<!tpu.dma_semaphore, #tpu.memory_space<semaphore_mem>>)
    %mul3A_214 = arith.constant 65536 : i32
    %mul3A_215 = arith.muli %arg1, %mul3A_214 : i32
    %add3A_216 = arith.constant 32768 : i32
    %add3A_217 = arith.addi %mul3A_215, %add3A_216 : i32
    %dma_start3A_218 = tpu.memref_slice %arg8[%add3A_217] : memref<1048576xf32, #tpu.memory_space<vmem_shared>> -> memref<8192xf32, #tpu.memory_space<vmem_shared>>
    %dma_start3A_219 = tpu.memref_slice %arg8[%add3A_217] : memref<1048576xf32, #tpu.memory_space<vmem_shared>> -> memref<8192xf32, #tpu.memory_space<vmem_shared>>
    tpu.enqueue_dma source(%arg16 : memref<8192xf32, #tpu.memory_space<vmem>>) target(%dma_start3A_219 : memref<8192xf32, #tpu.memory_space<vmem_shared>>) target_semaphore(%arg17 : memref<!tpu.dma_semaphore, #tpu.memory_space<semaphore_mem>>)
    %mul3A_220 = arith.constant 65536 : i32
    %mul3A_221 = arith.muli %arg1, %mul3A_220 : i32
    %add3A_222 = arith.constant 40960 : i32
    %add3A_223 = arith.addi %mul3A_221, %add3A_222 : i32
    %dma_start3A_224 = tpu.memref_slice %arg8[%add3A_223] : memref<1048576xf32, #tpu.memory_space<vmem_shared>> -> memref<8192xf32, #tpu.memory_space<vmem_shared>>
    %dma_start3A_225 = tpu.memref_slice %arg8[%add3A_223] : memref<1048576xf32, #tpu.memory_space<vmem_shared>> -> memref<8192xf32, #tpu.memory_space<vmem_shared>>
    tpu.enqueue_dma source(%arg16 : memref<8192xf32, #tpu.memory_space<vmem>>) target(%dma_start3A_225 : memref<8192xf32, #tpu.memory_space<vmem_shared>>) target_semaphore(%arg17 : memref<!tpu.dma_semaphore, #tpu.memory_space<semaphore_mem>>)
    %mul3A_226 = arith.constant 65536 : i32
    %mul3A_227 = arith.muli %arg1, %mul3A_226 : i32
    %add3A_228 = arith.constant 49152 : i32
    %add3A_229 = arith.addi %mul3A_227, %add3A_228 : i32
    %dma_start3A_230 = tpu.memref_slice %arg8[%add3A_229] : memref<1048576xf32, #tpu.memory_space<vmem_shared>> -> memref<8192xf32, #tpu.memory_space<vmem_shared>>
    %dma_start3A_231 = tpu.memref_slice %arg8[%add3A_229] : memref<1048576xf32, #tpu.memory_space<vmem_shared>> -> memref<8192xf32, #tpu.memory_space<vmem_shared>>
    tpu.enqueue_dma source(%arg16 : memref<8192xf32, #tpu.memory_space<vmem>>) target(%dma_start3A_231 : memref<8192xf32, #tpu.memory_space<vmem_shared>>) target_semaphore(%arg17 : memref<!tpu.dma_semaphore, #tpu.memory_space<semaphore_mem>>)
    %mul3A_232 = arith.constant 65536 : i32
    %mul3A_233 = arith.muli %arg1, %mul3A_232 : i32
    %add3A_234 = arith.constant 57344 : i32
    %add3A_235 = arith.addi %mul3A_233, %add3A_234 : i32
    %dma_start3A_236 = tpu.memref_slice %arg8[%add3A_235] : memref<1048576xf32, #tpu.memory_space<vmem_shared>> -> memref<8192xf32, #tpu.memory_space<vmem_shared>>
    %dma_start3A_237 = tpu.memref_slice %arg8[%add3A_235] : memref<1048576xf32, #tpu.memory_space<vmem_shared>> -> memref<8192xf32, #tpu.memory_space<vmem_shared>>
    tpu.enqueue_dma source(%arg16 : memref<8192xf32, #tpu.memory_space<vmem>>) target(%dma_start3A_237 : memref<8192xf32, #tpu.memory_space<vmem_shared>>) target_semaphore(%arg17 : memref<!tpu.dma_semaphore, #tpu.memory_space<semaphore_mem>>)
    %dma_wait3A_238 = tpu.memref_slice %arg8[%add3A_193] : memref<1048576xf32, #tpu.memory_space<vmem_shared>> -> memref<8192xf32, #tpu.memory_space<vmem_shared>>
    %dma_wait3A_239 = tpu.memref_slice %arg8[%add3A_193] : memref<1048576xf32, #tpu.memory_space<vmem_shared>> -> memref<8192xf32, #tpu.memory_space<vmem_shared>>
    tpu.wait_dma2 semaphore(%arg17 : memref<!tpu.dma_semaphore, #tpu.memory_space<semaphore_mem>>) src(%arg16 : memref<8192xf32, #tpu.memory_space<vmem>>) dst(%dma_wait3A_239 : memref<8192xf32, #tpu.memory_space<vmem_shared>>)
    %dma_wait3A_240 = tpu.memref_slice %arg8[%add3A_199] : memref<1048576xf32, #tpu.memory_space<vmem_shared>> -> memref<8192xf32, #tpu.memory_space<vmem_shared>>
    %dma_wait3A_241 = tpu.memref_slice %arg8[%add3A_199] : memref<1048576xf32, #tpu.memory_space<vmem_shared>> -> memref<8192xf32, #tpu.memory_space<vmem_shared>>
    tpu.wait_dma2 semaphore(%arg17 : memref<!tpu.dma_semaphore, #tpu.memory_space<semaphore_mem>>) src(%arg16 : memref<8192xf32, #tpu.memory_space<vmem>>) dst(%dma_wait3A_241 : memref<8192xf32, #tpu.memory_space<vmem_shared>>)
    %dma_wait3A_242 = tpu.memref_slice %arg8[%add3A_205] : memref<1048576xf32, #tpu.memory_space<vmem_shared>> -> memref<8192xf32, #tpu.memory_space<vmem_shared>>
    %dma_wait3A_243 = tpu.memref_slice %arg8[%add3A_205] : memref<1048576xf32, #tpu.memory_space<vmem_shared>> -> memref<8192xf32, #tpu.memory_space<vmem_shared>>
    tpu.wait_dma2 semaphore(%arg17 : memref<!tpu.dma_semaphore, #tpu.memory_space<semaphore_mem>>) src(%arg16 : memref<8192xf32, #tpu.memory_space<vmem>>) dst(%dma_wait3A_243 : memref<8192xf32, #tpu.memory_space<vmem_shared>>)
    %dma_wait3A_244 = tpu.memref_slice %arg8[%add3A_211] : memref<1048576xf32, #tpu.memory_space<vmem_shared>> -> memref<8192xf32, #tpu.memory_space<vmem_shared>>
    %dma_wait3A_245 = tpu.memref_slice %arg8[%add3A_211] : memref<1048576xf32, #tpu.memory_space<vmem_shared>> -> memref<8192xf32, #tpu.memory_space<vmem_shared>>
    tpu.wait_dma2 semaphore(%arg17 : memref<!tpu.dma_semaphore, #tpu.memory_space<semaphore_mem>>) src(%arg16 : memref<8192xf32, #tpu.memory_space<vmem>>) dst(%dma_wait3A_245 : memref<8192xf32, #tpu.memory_space<vmem_shared>>)
    %dma_wait3A_246 = tpu.memref_slice %arg8[%add3A_217] : memref<1048576xf32, #tpu.memory_space<vmem_shared>> -> memref<8192xf32, #tpu.memory_space<vmem_shared>>
    %dma_wait3A_247 = tpu.memref_slice %arg8[%add3A_217] : memref<1048576xf32, #tpu.memory_space<vmem_shared>> -> memref<8192xf32, #tpu.memory_space<vmem_shared>>
    tpu.wait_dma2 semaphore(%arg17 : memref<!tpu.dma_semaphore, #tpu.memory_space<semaphore_mem>>) src(%arg16 : memref<8192xf32, #tpu.memory_space<vmem>>) dst(%dma_wait3A_247 : memref<8192xf32, #tpu.memory_space<vmem_shared>>)
    %dma_wait3A_248 = tpu.memref_slice %arg8[%add3A_223] : memref<1048576xf32, #tpu.memory_space<vmem_shared>> -> memref<8192xf32, #tpu.memory_space<vmem_shared>>
    %dma_wait3A_249 = tpu.memref_slice %arg8[%add3A_223] : memref<1048576xf32, #tpu.memory_space<vmem_shared>> -> memref<8192xf32, #tpu.memory_space<vmem_shared>>
    tpu.wait_dma2 semaphore(%arg17 : memref<!tpu.dma_semaphore, #tpu.memory_space<semaphore_mem>>) src(%arg16 : memref<8192xf32, #tpu.memory_space<vmem>>) dst(%dma_wait3A_249 : memref<8192xf32, #tpu.memory_space<vmem_shared>>)
    %dma_wait3A_250 = tpu.memref_slice %arg8[%add3A_229] : memref<1048576xf32, #tpu.memory_space<vmem_shared>> -> memref<8192xf32, #tpu.memory_space<vmem_shared>>
    %dma_wait3A_251 = tpu.memref_slice %arg8[%add3A_229] : memref<1048576xf32, #tpu.memory_space<vmem_shared>> -> memref<8192xf32, #tpu.memory_space<vmem_shared>>
    tpu.wait_dma2 semaphore(%arg17 : memref<!tpu.dma_semaphore, #tpu.memory_space<semaphore_mem>>) src(%arg16 : memref<8192xf32, #tpu.memory_space<vmem>>) dst(%dma_wait3A_251 : memref<8192xf32, #tpu.memory_space<vmem_shared>>)
    %dma_wait3A_252 = tpu.memref_slice %arg8[%add3A_235] : memref<1048576xf32, #tpu.memory_space<vmem_shared>> -> memref<8192xf32, #tpu.memory_space<vmem_shared>>
    %dma_wait3A_253 = tpu.memref_slice %arg8[%add3A_235] : memref<1048576xf32, #tpu.memory_space<vmem_shared>> -> memref<8192xf32, #tpu.memory_space<vmem_shared>>
    tpu.wait_dma2 semaphore(%arg17 : memref<!tpu.dma_semaphore, #tpu.memory_space<semaphore_mem>>) src(%arg16 : memref<8192xf32, #tpu.memory_space<vmem>>) dst(%dma_wait3A_253 : memref<8192xf32, #tpu.memory_space<vmem_shared>>)
    %barrier3A_254 = arith.constant 0 : index
    tpu.barrier barrier_id(%barrier3A_254)
    "tpu.region"() ({
      %run_scoped3A = tpu.sem_alloc : memref<!tpu.dma_semaphore, #tpu.memory_space<semaphore_mem>>
      %dma_start3A_701 = arith.constant 0 : i32
      %dma_start3A_702 = tpu.memref_slice %arg8[%dma_start3A_701] : memref<1048576xf32, #tpu.memory_space<vmem_shared>> -> memref<1048576xf32, #tpu.memory_space<vmem_shared>>
      %dma_start3A_703 = arith.constant -1 : i32
      tpu.enqueue_indirect_dma source(%arg14 : memref<8192xf32, #tpu.memory_space<vmem>>) target(%dma_start3A_702 : memref<1048576xf32, #tpu.memory_space<vmem_shared>>) offsets(%arg11 : memref<8192xi32, #tpu.memory_space<vmem>>) offset_filter(%dma_start3A_703) semaphore(%run_scoped3A : memref<!tpu.dma_semaphore, #tpu.memory_space<semaphore_mem>>)
      %dma_wait3A_704 = arith.constant 0 : i32
      %dma_wait3A_705 = tpu.memref_slice %arg8[%dma_wait3A_704] : memref<1048576xf32, #tpu.memory_space<vmem_shared>> -> memref<1048576xf32, #tpu.memory_space<vmem_shared>>
      tpu.wait_indirect_dma semaphore(%run_scoped3A : memref<!tpu.dma_semaphore, #tpu.memory_space<semaphore_mem>>) src(%arg14 : memref<8192xf32, #tpu.memory_space<vmem>>) dst(%dma_wait3A_705 : memref<1048576xf32, #tpu.memory_space<vmem_shared>>)
      tpu.yield
    }) : () -> ()
    %barrier3A_255 = arith.constant 0 : index
    tpu.barrier barrier_id(%barrier3A_255)
    "tpu.region"() ({
      %run_scoped3A = tpu.sem_alloc : memref<!tpu.dma_semaphore, #tpu.memory_space<semaphore_mem>>
      %dma_start3A_701 = arith.constant 0 : i32
      %dma_start3A_702 = tpu.memref_slice %arg8[%dma_start3A_701] : memref<1048576xf32, #tpu.memory_space<vmem_shared>> -> memref<1048576xf32, #tpu.memory_space<vmem_shared>>
      %dma_start3A_703 = arith.constant -1 : i32
      tpu.enqueue_indirect_dma source(%arg15 : memref<8192xf32, #tpu.memory_space<vmem>>) target(%dma_start3A_702 : memref<1048576xf32, #tpu.memory_space<vmem_shared>>) offsets(%arg11 : memref<8192xi32, #tpu.memory_space<vmem>>) offset_filter(%dma_start3A_703) semaphore(%run_scoped3A : memref<!tpu.dma_semaphore, #tpu.memory_space<semaphore_mem>>) {add = true}
      %dma_wait3A_704 = arith.constant 0 : i32
      %dma_wait3A_705 = tpu.memref_slice %arg8[%dma_wait3A_704] : memref<1048576xf32, #tpu.memory_space<vmem_shared>> -> memref<1048576xf32, #tpu.memory_space<vmem_shared>>
      tpu.wait_indirect_dma semaphore(%run_scoped3A : memref<!tpu.dma_semaphore, #tpu.memory_space<semaphore_mem>>) src(%arg15 : memref<8192xf32, #tpu.memory_space<vmem>>) dst(%dma_wait3A_705 : memref<1048576xf32, #tpu.memory_space<vmem_shared>>)
      tpu.yield
    }) : () -> ()
    %barrier3A_256 = arith.constant 0 : index
    tpu.barrier barrier_id(%barrier3A_256)
    %mul3A_257 = arith.constant 65536 : i32
    %mul3A_258 = arith.muli %arg1, %mul3A_257 : i32
    %mul3A_259 = arith.constant 65536 : i32
    %mul3A_260 = arith.muli %arg1, %mul3A_259 : i32
    %add3A_261 = arith.addi %mul3A_182, %mul3A_260 : i32
    %dma_start3A_262 = tpu.memref_slice %arg7[%add3A_261] : memref<16777216xf32, #tpu.memory_space<hbm>> -> memref<65536xf32, #tpu.memory_space<hbm>>
    %dma_start3A_263 = tpu.memref_slice %arg8[%mul3A_258] : memref<1048576xf32, #tpu.memory_space<vmem_shared>> -> memref<65536xf32, #tpu.memory_space<vmem_shared>>
    tpu.enqueue_dma source(%dma_start3A_263 : memref<65536xf32, #tpu.memory_space<vmem_shared>>) target(%dma_start3A_262 : memref<65536xf32, #tpu.memory_space<hbm>>) target_semaphore(%arg18 : memref<!tpu.dma_semaphore, #tpu.memory_space<semaphore_mem>>)
    %mul3A_264 = arith.constant 8 : i32
    %mul3A_265 = arith.muli %arg0, %mul3A_264 : i32
    %add3A_266 = arith.constant 3 : i32
    %add3A_267 = arith.addi %mul3A_265, %add3A_266 : i32
    %mul3A_268 = arith.constant 1048576 : i32
    %mul3A_269 = arith.muli %add3A_267, %mul3A_268 : i32
    %scan3A_270 = arith.constant 0 : i32
    %scan3A_271 = arith.constant 512 : i32
    %scan3A_272 = arith.addi %scan3A_270, %scan3A_271 : i32
    %scan3A_273 = arith.constant 1 : i32
    scf.for %scan3A_701 = %scan3A_270 to %scan3A_272 step %scan3A_273  : i32 {
      %mul3A_702 = arith.constant 16 : i32
      %mul3A_703 = arith.muli %scan3A_701, %mul3A_702 : i32
      %get3A = arith.index_cast %mul3A_703 : i32 to index
      %get3A_704 = tpu.vector_load %arg13[%get3A] {strides = array<i32>} : memref<8192xi32, #tpu.memory_space<vmem>>, vector<16xi32>,
      %shift_right_arithmetic3A = arith.constant 20 : i32
      %shift_right_arithmetic3A_705 = vector.broadcast %shift_right_arithmetic3A : i32 to vector<16xi32>
      %shift_right_arithmetic3A_706 = arith.shrsi %get3A_704, %shift_right_arithmetic3A_705 : vector<16xi32>
      %eq3A = vector.broadcast %add3A_267 : i32 to vector<16xi32>
      %eq3A_707 = arith.cmpi eq, %shift_right_arithmetic3A_706, %eq3A : vector<16xi32>
      %shift_right_arithmetic3A_708 = arith.constant 12 : i32
      %shift_right_arithmetic3A_709 = vector.broadcast %shift_right_arithmetic3A_708 : i32 to vector<16xi32>
      %shift_right_arithmetic3A_710 = arith.shrsi %get3A_704, %shift_right_arithmetic3A_709 : vector<16xi32>
      %and3A = arith.constant 255 : i32
      %and3A_711 = vector.broadcast %and3A : i32 to vector<16xi32>
      %and3A_712 = arith.andi %shift_right_arithmetic3A_710, %and3A_711 : vector<16xi32>
      %and3A_713 = arith.constant 4095 : i32
      %and3A_714 = vector.broadcast %and3A_713 : i32 to vector<16xi32>
      %and3A_715 = arith.andi %get3A_704, %and3A_714 : vector<16xi32>
      %shift_right_arithmetic3A_716 = arith.constant 3 : i32
      %shift_right_arithmetic3A_717 = vector.broadcast %shift_right_arithmetic3A_716 : i32 to vector<16xi32>
      %shift_right_arithmetic3A_718 = arith.shrsi %and3A_712, %shift_right_arithmetic3A_717 : vector<16xi32>
      %shift_left3A = arith.constant 15 : i32
      %shift_left3A_719 = vector.broadcast %shift_left3A : i32 to vector<16xi32>
      %shift_left3A_720 = arith.shli %shift_right_arithmetic3A_718, %shift_left3A_719 : vector<16xi32>
      %shift_right_arithmetic3A_721 = arith.constant 7 : i32
      %shift_right_arithmetic3A_722 = vector.broadcast %shift_right_arithmetic3A_721 : i32 to vector<16xi32>
      %shift_right_arithmetic3A_723 = arith.shrsi %and3A_715, %shift_right_arithmetic3A_722 : vector<16xi32>
      %shift_left3A_724 = arith.constant 10 : i32
      %shift_left3A_725 = vector.broadcast %shift_left3A_724 : i32 to vector<16xi32>
      %shift_left3A_726 = arith.shli %shift_right_arithmetic3A_723, %shift_left3A_725 : vector<16xi32>
      %add3A_727 = arith.addi %shift_left3A_720, %shift_left3A_726 : vector<16xi32>
      %and3A_728 = arith.constant 7 : i32
      %and3A_729 = vector.broadcast %and3A_728 : i32 to vector<16xi32>
      %and3A_730 = arith.andi %and3A_712, %and3A_729 : vector<16xi32>
      %shift_left3A_731 = arith.constant 7 : i32
      %shift_left3A_732 = vector.broadcast %shift_left3A_731 : i32 to vector<16xi32>
      %shift_left3A_733 = arith.shli %and3A_730, %shift_left3A_732 : vector<16xi32>
      %add3A_734 = arith.addi %add3A_727, %shift_left3A_733 : vector<16xi32>
      %and3A_735 = arith.constant 127 : i32
      %and3A_736 = vector.broadcast %and3A_735 : i32 to vector<16xi32>
      %and3A_737 = arith.andi %and3A_715, %and3A_736 : vector<16xi32>
      %add3A_738 = arith.addi %add3A_734, %and3A_737 : vector<16xi32>
      %jit3A = arith.constant -1 : i32
      %broadcast_in_dim3A_739 = vector.broadcast %jit3A : i32 to vector<16xi32>
      %select_n3A = arith.select %eq3A_707, %add3A_738, %broadcast_in_dim3A_739 : vector<16xi1>, vector<16xi32>
      %swap3A = arith.index_cast %mul3A_703 : i32 to index
      %swap3A_740 = tpu.vector_load %arg11[%swap3A] {strides = array<i32>} : memref<8192xi32, #tpu.memory_space<vmem>>, vector<16xi32>,
      tpu.vector_store %arg11[%swap3A], %select_n3A {strides = array<i32>} : memref<8192xi32, #tpu.memory_space<vmem>>, vector<16xi32>,
    }
    %scan3A_274 = arith.constant 512 : i32
    %dma_wait3A_275 = tpu.memref_slice %arg7[%add3A_261] : memref<16777216xf32, #tpu.memory_space<hbm>> -> memref<65536xf32, #tpu.memory_space<hbm>>
    %dma_wait3A_276 = tpu.memref_slice %arg8[%mul3A_258] : memref<1048576xf32, #tpu.memory_space<vmem_shared>> -> memref<65536xf32, #tpu.memory_space<vmem_shared>>
    tpu.wait_dma2 semaphore(%arg18 : memref<!tpu.dma_semaphore, #tpu.memory_space<semaphore_mem>>) src(%dma_wait3A_276 : memref<65536xf32, #tpu.memory_space<vmem_shared>>) dst(%dma_wait3A_275 : memref<65536xf32, #tpu.memory_space<hbm>>)
    %mul3A_277 = arith.constant 65536 : i32
    %mul3A_278 = arith.muli %arg1, %mul3A_277 : i32
    %add3A_279 = arith.constant 0 : i32
    %add3A_280 = arith.addi %mul3A_278, %add3A_279 : i32
    %dma_start3A_281 = tpu.memref_slice %arg8[%add3A_280] : memref<1048576xf32, #tpu.memory_space<vmem_shared>> -> memref<8192xf32, #tpu.memory_space<vmem_shared>>
    %dma_start3A_282 = tpu.memref_slice %arg8[%add3A_280] : memref<1048576xf32, #tpu.memory_space<vmem_shared>> -> memref<8192xf32, #tpu.memory_space<vmem_shared>>
    tpu.enqueue_dma source(%arg16 : memref<8192xf32, #tpu.memory_space<vmem>>) target(%dma_start3A_282 : memref<8192xf32, #tpu.memory_space<vmem_shared>>) target_semaphore(%arg17 : memref<!tpu.dma_semaphore, #tpu.memory_space<semaphore_mem>>)
    %mul3A_283 = arith.constant 65536 : i32
    %mul3A_284 = arith.muli %arg1, %mul3A_283 : i32
    %add3A_285 = arith.constant 8192 : i32
    %add3A_286 = arith.addi %mul3A_284, %add3A_285 : i32
    %dma_start3A_287 = tpu.memref_slice %arg8[%add3A_286] : memref<1048576xf32, #tpu.memory_space<vmem_shared>> -> memref<8192xf32, #tpu.memory_space<vmem_shared>>
    %dma_start3A_288 = tpu.memref_slice %arg8[%add3A_286] : memref<1048576xf32, #tpu.memory_space<vmem_shared>> -> memref<8192xf32, #tpu.memory_space<vmem_shared>>
    tpu.enqueue_dma source(%arg16 : memref<8192xf32, #tpu.memory_space<vmem>>) target(%dma_start3A_288 : memref<8192xf32, #tpu.memory_space<vmem_shared>>) target_semaphore(%arg17 : memref<!tpu.dma_semaphore, #tpu.memory_space<semaphore_mem>>)
    %mul3A_289 = arith.constant 65536 : i32
    %mul3A_290 = arith.muli %arg1, %mul3A_289 : i32
    %add3A_291 = arith.constant 16384 : i32
    %add3A_292 = arith.addi %mul3A_290, %add3A_291 : i32
    %dma_start3A_293 = tpu.memref_slice %arg8[%add3A_292] : memref<1048576xf32, #tpu.memory_space<vmem_shared>> -> memref<8192xf32, #tpu.memory_space<vmem_shared>>
    %dma_start3A_294 = tpu.memref_slice %arg8[%add3A_292] : memref<1048576xf32, #tpu.memory_space<vmem_shared>> -> memref<8192xf32, #tpu.memory_space<vmem_shared>>
    tpu.enqueue_dma source(%arg16 : memref<8192xf32, #tpu.memory_space<vmem>>) target(%dma_start3A_294 : memref<8192xf32, #tpu.memory_space<vmem_shared>>) target_semaphore(%arg17 : memref<!tpu.dma_semaphore, #tpu.memory_space<semaphore_mem>>)
    %mul3A_295 = arith.constant 65536 : i32
    %mul3A_296 = arith.muli %arg1, %mul3A_295 : i32
    %add3A_297 = arith.constant 24576 : i32
    %add3A_298 = arith.addi %mul3A_296, %add3A_297 : i32
    %dma_start3A_299 = tpu.memref_slice %arg8[%add3A_298] : memref<1048576xf32, #tpu.memory_space<vmem_shared>> -> memref<8192xf32, #tpu.memory_space<vmem_shared>>
    %dma_start3A_300 = tpu.memref_slice %arg8[%add3A_298] : memref<1048576xf32, #tpu.memory_space<vmem_shared>> -> memref<8192xf32, #tpu.memory_space<vmem_shared>>
    tpu.enqueue_dma source(%arg16 : memref<8192xf32, #tpu.memory_space<vmem>>) target(%dma_start3A_300 : memref<8192xf32, #tpu.memory_space<vmem_shared>>) target_semaphore(%arg17 : memref<!tpu.dma_semaphore, #tpu.memory_space<semaphore_mem>>)
    %mul3A_301 = arith.constant 65536 : i32
    %mul3A_302 = arith.muli %arg1, %mul3A_301 : i32
    %add3A_303 = arith.constant 32768 : i32
    %add3A_304 = arith.addi %mul3A_302, %add3A_303 : i32
    %dma_start3A_305 = tpu.memref_slice %arg8[%add3A_304] : memref<1048576xf32, #tpu.memory_space<vmem_shared>> -> memref<8192xf32, #tpu.memory_space<vmem_shared>>
    %dma_start3A_306 = tpu.memref_slice %arg8[%add3A_304] : memref<1048576xf32, #tpu.memory_space<vmem_shared>> -> memref<8192xf32, #tpu.memory_space<vmem_shared>>
    tpu.enqueue_dma source(%arg16 : memref<8192xf32, #tpu.memory_space<vmem>>) target(%dma_start3A_306 : memref<8192xf32, #tpu.memory_space<vmem_shared>>) target_semaphore(%arg17 : memref<!tpu.dma_semaphore, #tpu.memory_space<semaphore_mem>>)
    %mul3A_307 = arith.constant 65536 : i32
    %mul3A_308 = arith.muli %arg1, %mul3A_307 : i32
    %add3A_309 = arith.constant 40960 : i32
    %add3A_310 = arith.addi %mul3A_308, %add3A_309 : i32
    %dma_start3A_311 = tpu.memref_slice %arg8[%add3A_310] : memref<1048576xf32, #tpu.memory_space<vmem_shared>> -> memref<8192xf32, #tpu.memory_space<vmem_shared>>
    %dma_start3A_312 = tpu.memref_slice %arg8[%add3A_310] : memref<1048576xf32, #tpu.memory_space<vmem_shared>> -> memref<8192xf32, #tpu.memory_space<vmem_shared>>
    tpu.enqueue_dma source(%arg16 : memref<8192xf32, #tpu.memory_space<vmem>>) target(%dma_start3A_312 : memref<8192xf32, #tpu.memory_space<vmem_shared>>) target_semaphore(%arg17 : memref<!tpu.dma_semaphore, #tpu.memory_space<semaphore_mem>>)
    %mul3A_313 = arith.constant 65536 : i32
    %mul3A_314 = arith.muli %arg1, %mul3A_313 : i32
    %add3A_315 = arith.constant 49152 : i32
    %add3A_316 = arith.addi %mul3A_314, %add3A_315 : i32
    %dma_start3A_317 = tpu.memref_slice %arg8[%add3A_316] : memref<1048576xf32, #tpu.memory_space<vmem_shared>> -> memref<8192xf32, #tpu.memory_space<vmem_shared>>
    %dma_start3A_318 = tpu.memref_slice %arg8[%add3A_316] : memref<1048576xf32, #tpu.memory_space<vmem_shared>> -> memref<8192xf32, #tpu.memory_space<vmem_shared>>
    tpu.enqueue_dma source(%arg16 : memref<8192xf32, #tpu.memory_space<vmem>>) target(%dma_start3A_318 : memref<8192xf32, #tpu.memory_space<vmem_shared>>) target_semaphore(%arg17 : memref<!tpu.dma_semaphore, #tpu.memory_space<semaphore_mem>>)
    %mul3A_319 = arith.constant 65536 : i32
    %mul3A_320 = arith.muli %arg1, %mul3A_319 : i32
    %add3A_321 = arith.constant 57344 : i32
    %add3A_322 = arith.addi %mul3A_320, %add3A_321 : i32
    %dma_start3A_323 = tpu.memref_slice %arg8[%add3A_322] : memref<1048576xf32, #tpu.memory_space<vmem_shared>> -> memref<8192xf32, #tpu.memory_space<vmem_shared>>
    %dma_start3A_324 = tpu.memref_slice %arg8[%add3A_322] : memref<1048576xf32, #tpu.memory_space<vmem_shared>> -> memref<8192xf32, #tpu.memory_space<vmem_shared>>
    tpu.enqueue_dma source(%arg16 : memref<8192xf32, #tpu.memory_space<vmem>>) target(%dma_start3A_324 : memref<8192xf32, #tpu.memory_space<vmem_shared>>) target_semaphore(%arg17 : memref<!tpu.dma_semaphore, #tpu.memory_space<semaphore_mem>>)
    %dma_wait3A_325 = tpu.memref_slice %arg8[%add3A_280] : memref<1048576xf32, #tpu.memory_space<vmem_shared>> -> memref<8192xf32, #tpu.memory_space<vmem_shared>>
    %dma_wait3A_326 = tpu.memref_slice %arg8[%add3A_280] : memref<1048576xf32, #tpu.memory_space<vmem_shared>> -> memref<8192xf32, #tpu.memory_space<vmem_shared>>
    tpu.wait_dma2 semaphore(%arg17 : memref<!tpu.dma_semaphore, #tpu.memory_space<semaphore_mem>>) src(%arg16 : memref<8192xf32, #tpu.memory_space<vmem>>) dst(%dma_wait3A_326 : memref<8192xf32, #tpu.memory_space<vmem_shared>>)
    %dma_wait3A_327 = tpu.memref_slice %arg8[%add3A_286] : memref<1048576xf32, #tpu.memory_space<vmem_shared>> -> memref<8192xf32, #tpu.memory_space<vmem_shared>>
    %dma_wait3A_328 = tpu.memref_slice %arg8[%add3A_286] : memref<1048576xf32, #tpu.memory_space<vmem_shared>> -> memref<8192xf32, #tpu.memory_space<vmem_shared>>
    tpu.wait_dma2 semaphore(%arg17 : memref<!tpu.dma_semaphore, #tpu.memory_space<semaphore_mem>>) src(%arg16 : memref<8192xf32, #tpu.memory_space<vmem>>) dst(%dma_wait3A_328 : memref<8192xf32, #tpu.memory_space<vmem_shared>>)
    %dma_wait3A_329 = tpu.memref_slice %arg8[%add3A_292] : memref<1048576xf32, #tpu.memory_space<vmem_shared>> -> memref<8192xf32, #tpu.memory_space<vmem_shared>>
    %dma_wait3A_330 = tpu.memref_slice %arg8[%add3A_292] : memref<1048576xf32, #tpu.memory_space<vmem_shared>> -> memref<8192xf32, #tpu.memory_space<vmem_shared>>
    tpu.wait_dma2 semaphore(%arg17 : memref<!tpu.dma_semaphore, #tpu.memory_space<semaphore_mem>>) src(%arg16 : memref<8192xf32, #tpu.memory_space<vmem>>) dst(%dma_wait3A_330 : memref<8192xf32, #tpu.memory_space<vmem_shared>>)
    %dma_wait3A_331 = tpu.memref_slice %arg8[%add3A_298] : memref<1048576xf32, #tpu.memory_space<vmem_shared>> -> memref<8192xf32, #tpu.memory_space<vmem_shared>>
    %dma_wait3A_332 = tpu.memref_slice %arg8[%add3A_298] : memref<1048576xf32, #tpu.memory_space<vmem_shared>> -> memref<8192xf32, #tpu.memory_space<vmem_shared>>
    tpu.wait_dma2 semaphore(%arg17 : memref<!tpu.dma_semaphore, #tpu.memory_space<semaphore_mem>>) src(%arg16 : memref<8192xf32, #tpu.memory_space<vmem>>) dst(%dma_wait3A_332 : memref<8192xf32, #tpu.memory_space<vmem_shared>>)
    %dma_wait3A_333 = tpu.memref_slice %arg8[%add3A_304] : memref<1048576xf32, #tpu.memory_space<vmem_shared>> -> memref<8192xf32, #tpu.memory_space<vmem_shared>>
    %dma_wait3A_334 = tpu.memref_slice %arg8[%add3A_304] : memref<1048576xf32, #tpu.memory_space<vmem_shared>> -> memref<8192xf32, #tpu.memory_space<vmem_shared>>
    tpu.wait_dma2 semaphore(%arg17 : memref<!tpu.dma_semaphore, #tpu.memory_space<semaphore_mem>>) src(%arg16 : memref<8192xf32, #tpu.memory_space<vmem>>) dst(%dma_wait3A_334 : memref<8192xf32, #tpu.memory_space<vmem_shared>>)
    %dma_wait3A_335 = tpu.memref_slice %arg8[%add3A_310] : memref<1048576xf32, #tpu.memory_space<vmem_shared>> -> memref<8192xf32, #tpu.memory_space<vmem_shared>>
    %dma_wait3A_336 = tpu.memref_slice %arg8[%add3A_310] : memref<1048576xf32, #tpu.memory_space<vmem_shared>> -> memref<8192xf32, #tpu.memory_space<vmem_shared>>
    tpu.wait_dma2 semaphore(%arg17 : memref<!tpu.dma_semaphore, #tpu.memory_space<semaphore_mem>>) src(%arg16 : memref<8192xf32, #tpu.memory_space<vmem>>) dst(%dma_wait3A_336 : memref<8192xf32, #tpu.memory_space<vmem_shared>>)
    %dma_wait3A_337 = tpu.memref_slice %arg8[%add3A_316] : memref<1048576xf32, #tpu.memory_space<vmem_shared>> -> memref<8192xf32, #tpu.memory_space<vmem_shared>>
    %dma_wait3A_338 = tpu.memref_slice %arg8[%add3A_316] : memref<1048576xf32, #tpu.memory_space<vmem_shared>> -> memref<8192xf32, #tpu.memory_space<vmem_shared>>
    tpu.wait_dma2 semaphore(%arg17 : memref<!tpu.dma_semaphore, #tpu.memory_space<semaphore_mem>>) src(%arg16 : memref<8192xf32, #tpu.memory_space<vmem>>) dst(%dma_wait3A_338 : memref<8192xf32, #tpu.memory_space<vmem_shared>>)
    %dma_wait3A_339 = tpu.memref_slice %arg8[%add3A_322] : memref<1048576xf32, #tpu.memory_space<vmem_shared>> -> memref<8192xf32, #tpu.memory_space<vmem_shared>>
    %dma_wait3A_340 = tpu.memref_slice %arg8[%add3A_322] : memref<1048576xf32, #tpu.memory_space<vmem_shared>> -> memref<8192xf32, #tpu.memory_space<vmem_shared>>
    tpu.wait_dma2 semaphore(%arg17 : memref<!tpu.dma_semaphore, #tpu.memory_space<semaphore_mem>>) src(%arg16 : memref<8192xf32, #tpu.memory_space<vmem>>) dst(%dma_wait3A_340 : memref<8192xf32, #tpu.memory_space<vmem_shared>>)
    %barrier3A_341 = arith.constant 0 : index
    tpu.barrier barrier_id(%barrier3A_341)
    "tpu.region"() ({
      %run_scoped3A = tpu.sem_alloc : memref<!tpu.dma_semaphore, #tpu.memory_space<semaphore_mem>>
      %dma_start3A_701 = arith.constant 0 : i32
      %dma_start3A_702 = tpu.memref_slice %arg8[%dma_start3A_701] : memref<1048576xf32, #tpu.memory_space<vmem_shared>> -> memref<1048576xf32, #tpu.memory_space<vmem_shared>>
      %dma_start3A_703 = arith.constant -1 : i32
      tpu.enqueue_indirect_dma source(%arg14 : memref<8192xf32, #tpu.memory_space<vmem>>) target(%dma_start3A_702 : memref<1048576xf32, #tpu.memory_space<vmem_shared>>) offsets(%arg11 : memref<8192xi32, #tpu.memory_space<vmem>>) offset_filter(%dma_start3A_703) semaphore(%run_scoped3A : memref<!tpu.dma_semaphore, #tpu.memory_space<semaphore_mem>>)
      %dma_wait3A_704 = arith.constant 0 : i32
      %dma_wait3A_705 = tpu.memref_slice %arg8[%dma_wait3A_704] : memref<1048576xf32, #tpu.memory_space<vmem_shared>> -> memref<1048576xf32, #tpu.memory_space<vmem_shared>>
      tpu.wait_indirect_dma semaphore(%run_scoped3A : memref<!tpu.dma_semaphore, #tpu.memory_space<semaphore_mem>>) src(%arg14 : memref<8192xf32, #tpu.memory_space<vmem>>) dst(%dma_wait3A_705 : memref<1048576xf32, #tpu.memory_space<vmem_shared>>)
      tpu.yield
    }) : () -> ()
    %barrier3A_342 = arith.constant 0 : index
    tpu.barrier barrier_id(%barrier3A_342)
    "tpu.region"() ({
      %run_scoped3A = tpu.sem_alloc : memref<!tpu.dma_semaphore, #tpu.memory_space<semaphore_mem>>
      %dma_start3A_701 = arith.constant 0 : i32
      %dma_start3A_702 = tpu.memref_slice %arg8[%dma_start3A_701] : memref<1048576xf32, #tpu.memory_space<vmem_shared>> -> memref<1048576xf32, #tpu.memory_space<vmem_shared>>
      %dma_start3A_703 = arith.constant -1 : i32
      tpu.enqueue_indirect_dma source(%arg15 : memref<8192xf32, #tpu.memory_space<vmem>>) target(%dma_start3A_702 : memref<1048576xf32, #tpu.memory_space<vmem_shared>>) offsets(%arg11 : memref<8192xi32, #tpu.memory_space<vmem>>) offset_filter(%dma_start3A_703) semaphore(%run_scoped3A : memref<!tpu.dma_semaphore, #tpu.memory_space<semaphore_mem>>) {add = true}
      %dma_wait3A_704 = arith.constant 0 : i32
      %dma_wait3A_705 = tpu.memref_slice %arg8[%dma_wait3A_704] : memref<1048576xf32, #tpu.memory_space<vmem_shared>> -> memref<1048576xf32, #tpu.memory_space<vmem_shared>>
      tpu.wait_indirect_dma semaphore(%run_scoped3A : memref<!tpu.dma_semaphore, #tpu.memory_space<semaphore_mem>>) src(%arg15 : memref<8192xf32, #tpu.memory_space<vmem>>) dst(%dma_wait3A_705 : memref<1048576xf32, #tpu.memory_space<vmem_shared>>)
      tpu.yield
    }) : () -> ()
    %barrier3A_343 = arith.constant 0 : index
    tpu.barrier barrier_id(%barrier3A_343)
    %mul3A_344 = arith.constant 65536 : i32
    %mul3A_345 = arith.muli %arg1, %mul3A_344 : i32
    %mul3A_346 = arith.constant 65536 : i32
    %mul3A_347 = arith.muli %arg1, %mul3A_346 : i32
    %add3A_348 = arith.addi %mul3A_269, %mul3A_347 : i32
    %dma_start3A_349 = tpu.memref_slice %arg7[%add3A_348] : memref<16777216xf32, #tpu.memory_space<hbm>> -> memref<65536xf32, #tpu.memory_space<hbm>>
    %dma_start3A_350 = tpu.memref_slice %arg8[%mul3A_345] : memref<1048576xf32, #tpu.memory_space<vmem_shared>> -> memref<65536xf32, #tpu.memory_space<vmem_shared>>
    tpu.enqueue_dma source(%dma_start3A_350 : memref<65536xf32, #tpu.memory_space<vmem_shared>>) target(%dma_start3A_349 : memref<65536xf32, #tpu.memory_space<hbm>>) target_semaphore(%arg18 : memref<!tpu.dma_semaphore, #tpu.memory_space<semaphore_mem>>)
    %mul3A_351 = arith.constant 8 : i32
    %mul3A_352 = arith.muli %arg0, %mul3A_351 : i32
    %add3A_353 = arith.constant 4 : i32
    %add3A_354 = arith.addi %mul3A_352, %add3A_353 : i32
    %mul3A_355 = arith.constant 1048576 : i32
    %mul3A_356 = arith.muli %add3A_354, %mul3A_355 : i32
    %scan3A_357 = arith.constant 0 : i32
    %scan3A_358 = arith.constant 512 : i32
    %scan3A_359 = arith.addi %scan3A_357, %scan3A_358 : i32
    %scan3A_360 = arith.constant 1 : i32
    scf.for %scan3A_701 = %scan3A_357 to %scan3A_359 step %scan3A_360  : i32 {
      %mul3A_702 = arith.constant 16 : i32
      %mul3A_703 = arith.muli %scan3A_701, %mul3A_702 : i32
      %get3A = arith.index_cast %mul3A_703 : i32 to index
      %get3A_704 = tpu.vector_load %arg13[%get3A] {strides = array<i32>} : memref<8192xi32, #tpu.memory_space<vmem>>, vector<16xi32>,
      %shift_right_arithmetic3A = arith.constant 20 : i32
      %shift_right_arithmetic3A_705 = vector.broadcast %shift_right_arithmetic3A : i32 to vector<16xi32>
      %shift_right_arithmetic3A_706 = arith.shrsi %get3A_704, %shift_right_arithmetic3A_705 : vector<16xi32>
      %eq3A = vector.broadcast %add3A_354 : i32 to vector<16xi32>
      %eq3A_707 = arith.cmpi eq, %shift_right_arithmetic3A_706, %eq3A : vector<16xi32>
      %shift_right_arithmetic3A_708 = arith.constant 12 : i32
      %shift_right_arithmetic3A_709 = vector.broadcast %shift_right_arithmetic3A_708 : i32 to vector<16xi32>
      %shift_right_arithmetic3A_710 = arith.shrsi %get3A_704, %shift_right_arithmetic3A_709 : vector<16xi32>
      %and3A = arith.constant 255 : i32
      %and3A_711 = vector.broadcast %and3A : i32 to vector<16xi32>
      %and3A_712 = arith.andi %shift_right_arithmetic3A_710, %and3A_711 : vector<16xi32>
      %and3A_713 = arith.constant 4095 : i32
      %and3A_714 = vector.broadcast %and3A_713 : i32 to vector<16xi32>
      %and3A_715 = arith.andi %get3A_704, %and3A_714 : vector<16xi32>
      %shift_right_arithmetic3A_716 = arith.constant 3 : i32
      %shift_right_arithmetic3A_717 = vector.broadcast %shift_right_arithmetic3A_716 : i32 to vector<16xi32>
      %shift_right_arithmetic3A_718 = arith.shrsi %and3A_712, %shift_right_arithmetic3A_717 : vector<16xi32>
      %shift_left3A = arith.constant 15 : i32
      %shift_left3A_719 = vector.broadcast %shift_left3A : i32 to vector<16xi32>
      %shift_left3A_720 = arith.shli %shift_right_arithmetic3A_718, %shift_left3A_719 : vector<16xi32>
      %shift_right_arithmetic3A_721 = arith.constant 7 : i32
      %shift_right_arithmetic3A_722 = vector.broadcast %shift_right_arithmetic3A_721 : i32 to vector<16xi32>
      %shift_right_arithmetic3A_723 = arith.shrsi %and3A_715, %shift_right_arithmetic3A_722 : vector<16xi32>
      %shift_left3A_724 = arith.constant 10 : i32
      %shift_left3A_725 = vector.broadcast %shift_left3A_724 : i32 to vector<16xi32>
      %shift_left3A_726 = arith.shli %shift_right_arithmetic3A_723, %shift_left3A_725 : vector<16xi32>
      %add3A_727 = arith.addi %shift_left3A_720, %shift_left3A_726 : vector<16xi32>
      %and3A_728 = arith.constant 7 : i32
      %and3A_729 = vector.broadcast %and3A_728 : i32 to vector<16xi32>
      %and3A_730 = arith.andi %and3A_712, %and3A_729 : vector<16xi32>
      %shift_left3A_731 = arith.constant 7 : i32
      %shift_left3A_732 = vector.broadcast %shift_left3A_731 : i32 to vector<16xi32>
      %shift_left3A_733 = arith.shli %and3A_730, %shift_left3A_732 : vector<16xi32>
      %add3A_734 = arith.addi %add3A_727, %shift_left3A_733 : vector<16xi32>
      %and3A_735 = arith.constant 127 : i32
      %and3A_736 = vector.broadcast %and3A_735 : i32 to vector<16xi32>
      %and3A_737 = arith.andi %and3A_715, %and3A_736 : vector<16xi32>
      %add3A_738 = arith.addi %add3A_734, %and3A_737 : vector<16xi32>
      %jit3A = arith.constant -1 : i32
      %broadcast_in_dim3A_739 = vector.broadcast %jit3A : i32 to vector<16xi32>
      %select_n3A = arith.select %eq3A_707, %add3A_738, %broadcast_in_dim3A_739 : vector<16xi1>, vector<16xi32>
      %swap3A = arith.index_cast %mul3A_703 : i32 to index
      %swap3A_740 = tpu.vector_load %arg11[%swap3A] {strides = array<i32>} : memref<8192xi32, #tpu.memory_space<vmem>>, vector<16xi32>,
      tpu.vector_store %arg11[%swap3A], %select_n3A {strides = array<i32>} : memref<8192xi32, #tpu.memory_space<vmem>>, vector<16xi32>,
    }
    %scan3A_361 = arith.constant 512 : i32
    %dma_wait3A_362 = tpu.memref_slice %arg7[%add3A_348] : memref<16777216xf32, #tpu.memory_space<hbm>> -> memref<65536xf32, #tpu.memory_space<hbm>>
    %dma_wait3A_363 = tpu.memref_slice %arg8[%mul3A_345] : memref<1048576xf32, #tpu.memory_space<vmem_shared>> -> memref<65536xf32, #tpu.memory_space<vmem_shared>>
    tpu.wait_dma2 semaphore(%arg18 : memref<!tpu.dma_semaphore, #tpu.memory_space<semaphore_mem>>) src(%dma_wait3A_363 : memref<65536xf32, #tpu.memory_space<vmem_shared>>) dst(%dma_wait3A_362 : memref<65536xf32, #tpu.memory_space<hbm>>)
    %mul3A_364 = arith.constant 65536 : i32
    %mul3A_365 = arith.muli %arg1, %mul3A_364 : i32
    %add3A_366 = arith.constant 0 : i32
    %add3A_367 = arith.addi %mul3A_365, %add3A_366 : i32
    %dma_start3A_368 = tpu.memref_slice %arg8[%add3A_367] : memref<1048576xf32, #tpu.memory_space<vmem_shared>> -> memref<8192xf32, #tpu.memory_space<vmem_shared>>
    %dma_start3A_369 = tpu.memref_slice %arg8[%add3A_367] : memref<1048576xf32, #tpu.memory_space<vmem_shared>> -> memref<8192xf32, #tpu.memory_space<vmem_shared>>
    tpu.enqueue_dma source(%arg16 : memref<8192xf32, #tpu.memory_space<vmem>>) target(%dma_start3A_369 : memref<8192xf32, #tpu.memory_space<vmem_shared>>) target_semaphore(%arg17 : memref<!tpu.dma_semaphore, #tpu.memory_space<semaphore_mem>>)
    %mul3A_370 = arith.constant 65536 : i32
    %mul3A_371 = arith.muli %arg1, %mul3A_370 : i32
    %add3A_372 = arith.constant 8192 : i32
    %add3A_373 = arith.addi %mul3A_371, %add3A_372 : i32
    %dma_start3A_374 = tpu.memref_slice %arg8[%add3A_373] : memref<1048576xf32, #tpu.memory_space<vmem_shared>> -> memref<8192xf32, #tpu.memory_space<vmem_shared>>
    %dma_start3A_375 = tpu.memref_slice %arg8[%add3A_373] : memref<1048576xf32, #tpu.memory_space<vmem_shared>> -> memref<8192xf32, #tpu.memory_space<vmem_shared>>
    tpu.enqueue_dma source(%arg16 : memref<8192xf32, #tpu.memory_space<vmem>>) target(%dma_start3A_375 : memref<8192xf32, #tpu.memory_space<vmem_shared>>) target_semaphore(%arg17 : memref<!tpu.dma_semaphore, #tpu.memory_space<semaphore_mem>>)
    %mul3A_376 = arith.constant 65536 : i32
    %mul3A_377 = arith.muli %arg1, %mul3A_376 : i32
    %add3A_378 = arith.constant 16384 : i32
    %add3A_379 = arith.addi %mul3A_377, %add3A_378 : i32
    %dma_start3A_380 = tpu.memref_slice %arg8[%add3A_379] : memref<1048576xf32, #tpu.memory_space<vmem_shared>> -> memref<8192xf32, #tpu.memory_space<vmem_shared>>
    %dma_start3A_381 = tpu.memref_slice %arg8[%add3A_379] : memref<1048576xf32, #tpu.memory_space<vmem_shared>> -> memref<8192xf32, #tpu.memory_space<vmem_shared>>
    tpu.enqueue_dma source(%arg16 : memref<8192xf32, #tpu.memory_space<vmem>>) target(%dma_start3A_381 : memref<8192xf32, #tpu.memory_space<vmem_shared>>) target_semaphore(%arg17 : memref<!tpu.dma_semaphore, #tpu.memory_space<semaphore_mem>>)
    %mul3A_382 = arith.constant 65536 : i32
    %mul3A_383 = arith.muli %arg1, %mul3A_382 : i32
    %add3A_384 = arith.constant 24576 : i32
    %add3A_385 = arith.addi %mul3A_383, %add3A_384 : i32
    %dma_start3A_386 = tpu.memref_slice %arg8[%add3A_385] : memref<1048576xf32, #tpu.memory_space<vmem_shared>> -> memref<8192xf32, #tpu.memory_space<vmem_shared>>
    %dma_start3A_387 = tpu.memref_slice %arg8[%add3A_385] : memref<1048576xf32, #tpu.memory_space<vmem_shared>> -> memref<8192xf32, #tpu.memory_space<vmem_shared>>
    tpu.enqueue_dma source(%arg16 : memref<8192xf32, #tpu.memory_space<vmem>>) target(%dma_start3A_387 : memref<8192xf32, #tpu.memory_space<vmem_shared>>) target_semaphore(%arg17 : memref<!tpu.dma_semaphore, #tpu.memory_space<semaphore_mem>>)
    %mul3A_388 = arith.constant 65536 : i32
    %mul3A_389 = arith.muli %arg1, %mul3A_388 : i32
    %add3A_390 = arith.constant 32768 : i32
    %add3A_391 = arith.addi %mul3A_389, %add3A_390 : i32
    %dma_start3A_392 = tpu.memref_slice %arg8[%add3A_391] : memref<1048576xf32, #tpu.memory_space<vmem_shared>> -> memref<8192xf32, #tpu.memory_space<vmem_shared>>
    %dma_start3A_393 = tpu.memref_slice %arg8[%add3A_391] : memref<1048576xf32, #tpu.memory_space<vmem_shared>> -> memref<8192xf32, #tpu.memory_space<vmem_shared>>
    tpu.enqueue_dma source(%arg16 : memref<8192xf32, #tpu.memory_space<vmem>>) target(%dma_start3A_393 : memref<8192xf32, #tpu.memory_space<vmem_shared>>) target_semaphore(%arg17 : memref<!tpu.dma_semaphore, #tpu.memory_space<semaphore_mem>>)
    %mul3A_394 = arith.constant 65536 : i32
    %mul3A_395 = arith.muli %arg1, %mul3A_394 : i32
    %add3A_396 = arith.constant 40960 : i32
    %add3A_397 = arith.addi %mul3A_395, %add3A_396 : i32
    %dma_start3A_398 = tpu.memref_slice %arg8[%add3A_397] : memref<1048576xf32, #tpu.memory_space<vmem_shared>> -> memref<8192xf32, #tpu.memory_space<vmem_shared>>
    %dma_start3A_399 = tpu.memref_slice %arg8[%add3A_397] : memref<1048576xf32, #tpu.memory_space<vmem_shared>> -> memref<8192xf32, #tpu.memory_space<vmem_shared>>
    tpu.enqueue_dma source(%arg16 : memref<8192xf32, #tpu.memory_space<vmem>>) target(%dma_start3A_399 : memref<8192xf32, #tpu.memory_space<vmem_shared>>) target_semaphore(%arg17 : memref<!tpu.dma_semaphore, #tpu.memory_space<semaphore_mem>>)
    %mul3A_400 = arith.constant 65536 : i32
    %mul3A_401 = arith.muli %arg1, %mul3A_400 : i32
    %add3A_402 = arith.constant 49152 : i32
    %add3A_403 = arith.addi %mul3A_401, %add3A_402 : i32
    %dma_start3A_404 = tpu.memref_slice %arg8[%add3A_403] : memref<1048576xf32, #tpu.memory_space<vmem_shared>> -> memref<8192xf32, #tpu.memory_space<vmem_shared>>
    %dma_start3A_405 = tpu.memref_slice %arg8[%add3A_403] : memref<1048576xf32, #tpu.memory_space<vmem_shared>> -> memref<8192xf32, #tpu.memory_space<vmem_shared>>
    tpu.enqueue_dma source(%arg16 : memref<8192xf32, #tpu.memory_space<vmem>>) target(%dma_start3A_405 : memref<8192xf32, #tpu.memory_space<vmem_shared>>) target_semaphore(%arg17 : memref<!tpu.dma_semaphore, #tpu.memory_space<semaphore_mem>>)
    %mul3A_406 = arith.constant 65536 : i32
    %mul3A_407 = arith.muli %arg1, %mul3A_406 : i32
    %add3A_408 = arith.constant 57344 : i32
    %add3A_409 = arith.addi %mul3A_407, %add3A_408 : i32
    %dma_start3A_410 = tpu.memref_slice %arg8[%add3A_409] : memref<1048576xf32, #tpu.memory_space<vmem_shared>> -> memref<8192xf32, #tpu.memory_space<vmem_shared>>
    %dma_start3A_411 = tpu.memref_slice %arg8[%add3A_409] : memref<1048576xf32, #tpu.memory_space<vmem_shared>> -> memref<8192xf32, #tpu.memory_space<vmem_shared>>
    tpu.enqueue_dma source(%arg16 : memref<8192xf32, #tpu.memory_space<vmem>>) target(%dma_start3A_411 : memref<8192xf32, #tpu.memory_space<vmem_shared>>) target_semaphore(%arg17 : memref<!tpu.dma_semaphore, #tpu.memory_space<semaphore_mem>>)
    %dma_wait3A_412 = tpu.memref_slice %arg8[%add3A_367] : memref<1048576xf32, #tpu.memory_space<vmem_shared>> -> memref<8192xf32, #tpu.memory_space<vmem_shared>>
    %dma_wait3A_413 = tpu.memref_slice %arg8[%add3A_367] : memref<1048576xf32, #tpu.memory_space<vmem_shared>> -> memref<8192xf32, #tpu.memory_space<vmem_shared>>
    tpu.wait_dma2 semaphore(%arg17 : memref<!tpu.dma_semaphore, #tpu.memory_space<semaphore_mem>>) src(%arg16 : memref<8192xf32, #tpu.memory_space<vmem>>) dst(%dma_wait3A_413 : memref<8192xf32, #tpu.memory_space<vmem_shared>>)
    %dma_wait3A_414 = tpu.memref_slice %arg8[%add3A_373] : memref<1048576xf32, #tpu.memory_space<vmem_shared>> -> memref<8192xf32, #tpu.memory_space<vmem_shared>>
    %dma_wait3A_415 = tpu.memref_slice %arg8[%add3A_373] : memref<1048576xf32, #tpu.memory_space<vmem_shared>> -> memref<8192xf32, #tpu.memory_space<vmem_shared>>
    tpu.wait_dma2 semaphore(%arg17 : memref<!tpu.dma_semaphore, #tpu.memory_space<semaphore_mem>>) src(%arg16 : memref<8192xf32, #tpu.memory_space<vmem>>) dst(%dma_wait3A_415 : memref<8192xf32, #tpu.memory_space<vmem_shared>>)
    %dma_wait3A_416 = tpu.memref_slice %arg8[%add3A_379] : memref<1048576xf32, #tpu.memory_space<vmem_shared>> -> memref<8192xf32, #tpu.memory_space<vmem_shared>>
    %dma_wait3A_417 = tpu.memref_slice %arg8[%add3A_379] : memref<1048576xf32, #tpu.memory_space<vmem_shared>> -> memref<8192xf32, #tpu.memory_space<vmem_shared>>
    tpu.wait_dma2 semaphore(%arg17 : memref<!tpu.dma_semaphore, #tpu.memory_space<semaphore_mem>>) src(%arg16 : memref<8192xf32, #tpu.memory_space<vmem>>) dst(%dma_wait3A_417 : memref<8192xf32, #tpu.memory_space<vmem_shared>>)
    %dma_wait3A_418 = tpu.memref_slice %arg8[%add3A_385] : memref<1048576xf32, #tpu.memory_space<vmem_shared>> -> memref<8192xf32, #tpu.memory_space<vmem_shared>>
    %dma_wait3A_419 = tpu.memref_slice %arg8[%add3A_385] : memref<1048576xf32, #tpu.memory_space<vmem_shared>> -> memref<8192xf32, #tpu.memory_space<vmem_shared>>
    tpu.wait_dma2 semaphore(%arg17 : memref<!tpu.dma_semaphore, #tpu.memory_space<semaphore_mem>>) src(%arg16 : memref<8192xf32, #tpu.memory_space<vmem>>) dst(%dma_wait3A_419 : memref<8192xf32, #tpu.memory_space<vmem_shared>>)
    %dma_wait3A_420 = tpu.memref_slice %arg8[%add3A_391] : memref<1048576xf32, #tpu.memory_space<vmem_shared>> -> memref<8192xf32, #tpu.memory_space<vmem_shared>>
    %dma_wait3A_421 = tpu.memref_slice %arg8[%add3A_391] : memref<1048576xf32, #tpu.memory_space<vmem_shared>> -> memref<8192xf32, #tpu.memory_space<vmem_shared>>
    tpu.wait_dma2 semaphore(%arg17 : memref<!tpu.dma_semaphore, #tpu.memory_space<semaphore_mem>>) src(%arg16 : memref<8192xf32, #tpu.memory_space<vmem>>) dst(%dma_wait3A_421 : memref<8192xf32, #tpu.memory_space<vmem_shared>>)
    %dma_wait3A_422 = tpu.memref_slice %arg8[%add3A_397] : memref<1048576xf32, #tpu.memory_space<vmem_shared>> -> memref<8192xf32, #tpu.memory_space<vmem_shared>>
    %dma_wait3A_423 = tpu.memref_slice %arg8[%add3A_397] : memref<1048576xf32, #tpu.memory_space<vmem_shared>> -> memref<8192xf32, #tpu.memory_space<vmem_shared>>
    tpu.wait_dma2 semaphore(%arg17 : memref<!tpu.dma_semaphore, #tpu.memory_space<semaphore_mem>>) src(%arg16 : memref<8192xf32, #tpu.memory_space<vmem>>) dst(%dma_wait3A_423 : memref<8192xf32, #tpu.memory_space<vmem_shared>>)
    %dma_wait3A_424 = tpu.memref_slice %arg8[%add3A_403] : memref<1048576xf32, #tpu.memory_space<vmem_shared>> -> memref<8192xf32, #tpu.memory_space<vmem_shared>>
    %dma_wait3A_425 = tpu.memref_slice %arg8[%add3A_403] : memref<1048576xf32, #tpu.memory_space<vmem_shared>> -> memref<8192xf32, #tpu.memory_space<vmem_shared>>
    tpu.wait_dma2 semaphore(%arg17 : memref<!tpu.dma_semaphore, #tpu.memory_space<semaphore_mem>>) src(%arg16 : memref<8192xf32, #tpu.memory_space<vmem>>) dst(%dma_wait3A_425 : memref<8192xf32, #tpu.memory_space<vmem_shared>>)
    %dma_wait3A_426 = tpu.memref_slice %arg8[%add3A_409] : memref<1048576xf32, #tpu.memory_space<vmem_shared>> -> memref<8192xf32, #tpu.memory_space<vmem_shared>>
    %dma_wait3A_427 = tpu.memref_slice %arg8[%add3A_409] : memref<1048576xf32, #tpu.memory_space<vmem_shared>> -> memref<8192xf32, #tpu.memory_space<vmem_shared>>
    tpu.wait_dma2 semaphore(%arg17 : memref<!tpu.dma_semaphore, #tpu.memory_space<semaphore_mem>>) src(%arg16 : memref<8192xf32, #tpu.memory_space<vmem>>) dst(%dma_wait3A_427 : memref<8192xf32, #tpu.memory_space<vmem_shared>>)
    %barrier3A_428 = arith.constant 0 : index
    tpu.barrier barrier_id(%barrier3A_428)
    "tpu.region"() ({
      %run_scoped3A = tpu.sem_alloc : memref<!tpu.dma_semaphore, #tpu.memory_space<semaphore_mem>>
      %dma_start3A_701 = arith.constant 0 : i32
      %dma_start3A_702 = tpu.memref_slice %arg8[%dma_start3A_701] : memref<1048576xf32, #tpu.memory_space<vmem_shared>> -> memref<1048576xf32, #tpu.memory_space<vmem_shared>>
      %dma_start3A_703 = arith.constant -1 : i32
      tpu.enqueue_indirect_dma source(%arg14 : memref<8192xf32, #tpu.memory_space<vmem>>) target(%dma_start3A_702 : memref<1048576xf32, #tpu.memory_space<vmem_shared>>) offsets(%arg11 : memref<8192xi32, #tpu.memory_space<vmem>>) offset_filter(%dma_start3A_703) semaphore(%run_scoped3A : memref<!tpu.dma_semaphore, #tpu.memory_space<semaphore_mem>>)
      %dma_wait3A_704 = arith.constant 0 : i32
      %dma_wait3A_705 = tpu.memref_slice %arg8[%dma_wait3A_704] : memref<1048576xf32, #tpu.memory_space<vmem_shared>> -> memref<1048576xf32, #tpu.memory_space<vmem_shared>>
      tpu.wait_indirect_dma semaphore(%run_scoped3A : memref<!tpu.dma_semaphore, #tpu.memory_space<semaphore_mem>>) src(%arg14 : memref<8192xf32, #tpu.memory_space<vmem>>) dst(%dma_wait3A_705 : memref<1048576xf32, #tpu.memory_space<vmem_shared>>)
      tpu.yield
    }) : () -> ()
    %barrier3A_429 = arith.constant 0 : index
    tpu.barrier barrier_id(%barrier3A_429)
    "tpu.region"() ({
      %run_scoped3A = tpu.sem_alloc : memref<!tpu.dma_semaphore, #tpu.memory_space<semaphore_mem>>
      %dma_start3A_701 = arith.constant 0 : i32
      %dma_start3A_702 = tpu.memref_slice %arg8[%dma_start3A_701] : memref<1048576xf32, #tpu.memory_space<vmem_shared>> -> memref<1048576xf32, #tpu.memory_space<vmem_shared>>
      %dma_start3A_703 = arith.constant -1 : i32
      tpu.enqueue_indirect_dma source(%arg15 : memref<8192xf32, #tpu.memory_space<vmem>>) target(%dma_start3A_702 : memref<1048576xf32, #tpu.memory_space<vmem_shared>>) offsets(%arg11 : memref<8192xi32, #tpu.memory_space<vmem>>) offset_filter(%dma_start3A_703) semaphore(%run_scoped3A : memref<!tpu.dma_semaphore, #tpu.memory_space<semaphore_mem>>) {add = true}
      %dma_wait3A_704 = arith.constant 0 : i32
      %dma_wait3A_705 = tpu.memref_slice %arg8[%dma_wait3A_704] : memref<1048576xf32, #tpu.memory_space<vmem_shared>> -> memref<1048576xf32, #tpu.memory_space<vmem_shared>>
      tpu.wait_indirect_dma semaphore(%run_scoped3A : memref<!tpu.dma_semaphore, #tpu.memory_space<semaphore_mem>>) src(%arg15 : memref<8192xf32, #tpu.memory_space<vmem>>) dst(%dma_wait3A_705 : memref<1048576xf32, #tpu.memory_space<vmem_shared>>)
      tpu.yield
    }) : () -> ()
    %barrier3A_430 = arith.constant 0 : index
    tpu.barrier barrier_id(%barrier3A_430)
    %mul3A_431 = arith.constant 65536 : i32
    %mul3A_432 = arith.muli %arg1, %mul3A_431 : i32
    %mul3A_433 = arith.constant 65536 : i32
    %mul3A_434 = arith.muli %arg1, %mul3A_433 : i32
    %add3A_435 = arith.addi %mul3A_356, %mul3A_434 : i32
    %dma_start3A_436 = tpu.memref_slice %arg7[%add3A_435] : memref<16777216xf32, #tpu.memory_space<hbm>> -> memref<65536xf32, #tpu.memory_space<hbm>>
    %dma_start3A_437 = tpu.memref_slice %arg8[%mul3A_432] : memref<1048576xf32, #tpu.memory_space<vmem_shared>> -> memref<65536xf32, #tpu.memory_space<vmem_shared>>
    tpu.enqueue_dma source(%dma_start3A_437 : memref<65536xf32, #tpu.memory_space<vmem_shared>>) target(%dma_start3A_436 : memref<65536xf32, #tpu.memory_space<hbm>>) target_semaphore(%arg18 : memref<!tpu.dma_semaphore, #tpu.memory_space<semaphore_mem>>)
    %mul3A_438 = arith.constant 8 : i32
    %mul3A_439 = arith.muli %arg0, %mul3A_438 : i32
    %add3A_440 = arith.constant 5 : i32
    %add3A_441 = arith.addi %mul3A_439, %add3A_440 : i32
    %mul3A_442 = arith.constant 1048576 : i32
    %mul3A_443 = arith.muli %add3A_441, %mul3A_442 : i32
    %scan3A_444 = arith.constant 0 : i32
    %scan3A_445 = arith.constant 512 : i32
    %scan3A_446 = arith.addi %scan3A_444, %scan3A_445 : i32
    %scan3A_447 = arith.constant 1 : i32
    scf.for %scan3A_701 = %scan3A_444 to %scan3A_446 step %scan3A_447  : i32 {
      %mul3A_702 = arith.constant 16 : i32
      %mul3A_703 = arith.muli %scan3A_701, %mul3A_702 : i32
      %get3A = arith.index_cast %mul3A_703 : i32 to index
      %get3A_704 = tpu.vector_load %arg13[%get3A] {strides = array<i32>} : memref<8192xi32, #tpu.memory_space<vmem>>, vector<16xi32>,
      %shift_right_arithmetic3A = arith.constant 20 : i32
      %shift_right_arithmetic3A_705 = vector.broadcast %shift_right_arithmetic3A : i32 to vector<16xi32>
      %shift_right_arithmetic3A_706 = arith.shrsi %get3A_704, %shift_right_arithmetic3A_705 : vector<16xi32>
      %eq3A = vector.broadcast %add3A_441 : i32 to vector<16xi32>
      %eq3A_707 = arith.cmpi eq, %shift_right_arithmetic3A_706, %eq3A : vector<16xi32>
      %shift_right_arithmetic3A_708 = arith.constant 12 : i32
      %shift_right_arithmetic3A_709 = vector.broadcast %shift_right_arithmetic3A_708 : i32 to vector<16xi32>
      %shift_right_arithmetic3A_710 = arith.shrsi %get3A_704, %shift_right_arithmetic3A_709 : vector<16xi32>
      %and3A = arith.constant 255 : i32
      %and3A_711 = vector.broadcast %and3A : i32 to vector<16xi32>
      %and3A_712 = arith.andi %shift_right_arithmetic3A_710, %and3A_711 : vector<16xi32>
      %and3A_713 = arith.constant 4095 : i32
      %and3A_714 = vector.broadcast %and3A_713 : i32 to vector<16xi32>
      %and3A_715 = arith.andi %get3A_704, %and3A_714 : vector<16xi32>
      %shift_right_arithmetic3A_716 = arith.constant 3 : i32
      %shift_right_arithmetic3A_717 = vector.broadcast %shift_right_arithmetic3A_716 : i32 to vector<16xi32>
      %shift_right_arithmetic3A_718 = arith.shrsi %and3A_712, %shift_right_arithmetic3A_717 : vector<16xi32>
      %shift_left3A = arith.constant 15 : i32
      %shift_left3A_719 = vector.broadcast %shift_left3A : i32 to vector<16xi32>
      %shift_left3A_720 = arith.shli %shift_right_arithmetic3A_718, %shift_left3A_719 : vector<16xi32>
      %shift_right_arithmetic3A_721 = arith.constant 7 : i32
      %shift_right_arithmetic3A_722 = vector.broadcast %shift_right_arithmetic3A_721 : i32 to vector<16xi32>
      %shift_right_arithmetic3A_723 = arith.shrsi %and3A_715, %shift_right_arithmetic3A_722 : vector<16xi32>
      %shift_left3A_724 = arith.constant 10 : i32
      %shift_left3A_725 = vector.broadcast %shift_left3A_724 : i32 to vector<16xi32>
      %shift_left3A_726 = arith.shli %shift_right_arithmetic3A_723, %shift_left3A_725 : vector<16xi32>
      %add3A_727 = arith.addi %shift_left3A_720, %shift_left3A_726 : vector<16xi32>
      %and3A_728 = arith.constant 7 : i32
      %and3A_729 = vector.broadcast %and3A_728 : i32 to vector<16xi32>
      %and3A_730 = arith.andi %and3A_712, %and3A_729 : vector<16xi32>
      %shift_left3A_731 = arith.constant 7 : i32
      %shift_left3A_732 = vector.broadcast %shift_left3A_731 : i32 to vector<16xi32>
      %shift_left3A_733 = arith.shli %and3A_730, %shift_left3A_732 : vector<16xi32>
      %add3A_734 = arith.addi %add3A_727, %shift_left3A_733 : vector<16xi32>
      %and3A_735 = arith.constant 127 : i32
      %and3A_736 = vector.broadcast %and3A_735 : i32 to vector<16xi32>
      %and3A_737 = arith.andi %and3A_715, %and3A_736 : vector<16xi32>
      %add3A_738 = arith.addi %add3A_734, %and3A_737 : vector<16xi32>
      %jit3A = arith.constant -1 : i32
      %broadcast_in_dim3A_739 = vector.broadcast %jit3A : i32 to vector<16xi32>
      %select_n3A = arith.select %eq3A_707, %add3A_738, %broadcast_in_dim3A_739 : vector<16xi1>, vector<16xi32>
      %swap3A = arith.index_cast %mul3A_703 : i32 to index
      %swap3A_740 = tpu.vector_load %arg11[%swap3A] {strides = array<i32>} : memref<8192xi32, #tpu.memory_space<vmem>>, vector<16xi32>,
      tpu.vector_store %arg11[%swap3A], %select_n3A {strides = array<i32>} : memref<8192xi32, #tpu.memory_space<vmem>>, vector<16xi32>,
    }
    %scan3A_448 = arith.constant 512 : i32
    %dma_wait3A_449 = tpu.memref_slice %arg7[%add3A_435] : memref<16777216xf32, #tpu.memory_space<hbm>> -> memref<65536xf32, #tpu.memory_space<hbm>>
    %dma_wait3A_450 = tpu.memref_slice %arg8[%mul3A_432] : memref<1048576xf32, #tpu.memory_space<vmem_shared>> -> memref<65536xf32, #tpu.memory_space<vmem_shared>>
    tpu.wait_dma2 semaphore(%arg18 : memref<!tpu.dma_semaphore, #tpu.memory_space<semaphore_mem>>) src(%dma_wait3A_450 : memref<65536xf32, #tpu.memory_space<vmem_shared>>) dst(%dma_wait3A_449 : memref<65536xf32, #tpu.memory_space<hbm>>)
    %mul3A_451 = arith.constant 65536 : i32
    %mul3A_452 = arith.muli %arg1, %mul3A_451 : i32
    %add3A_453 = arith.constant 0 : i32
    %add3A_454 = arith.addi %mul3A_452, %add3A_453 : i32
    %dma_start3A_455 = tpu.memref_slice %arg8[%add3A_454] : memref<1048576xf32, #tpu.memory_space<vmem_shared>> -> memref<8192xf32, #tpu.memory_space<vmem_shared>>
    %dma_start3A_456 = tpu.memref_slice %arg8[%add3A_454] : memref<1048576xf32, #tpu.memory_space<vmem_shared>> -> memref<8192xf32, #tpu.memory_space<vmem_shared>>
    tpu.enqueue_dma source(%arg16 : memref<8192xf32, #tpu.memory_space<vmem>>) target(%dma_start3A_456 : memref<8192xf32, #tpu.memory_space<vmem_shared>>) target_semaphore(%arg17 : memref<!tpu.dma_semaphore, #tpu.memory_space<semaphore_mem>>)
    %mul3A_457 = arith.constant 65536 : i32
    %mul3A_458 = arith.muli %arg1, %mul3A_457 : i32
    %add3A_459 = arith.constant 8192 : i32
    %add3A_460 = arith.addi %mul3A_458, %add3A_459 : i32
    %dma_start3A_461 = tpu.memref_slice %arg8[%add3A_460] : memref<1048576xf32, #tpu.memory_space<vmem_shared>> -> memref<8192xf32, #tpu.memory_space<vmem_shared>>
    %dma_start3A_462 = tpu.memref_slice %arg8[%add3A_460] : memref<1048576xf32, #tpu.memory_space<vmem_shared>> -> memref<8192xf32, #tpu.memory_space<vmem_shared>>
    tpu.enqueue_dma source(%arg16 : memref<8192xf32, #tpu.memory_space<vmem>>) target(%dma_start3A_462 : memref<8192xf32, #tpu.memory_space<vmem_shared>>) target_semaphore(%arg17 : memref<!tpu.dma_semaphore, #tpu.memory_space<semaphore_mem>>)
    %mul3A_463 = arith.constant 65536 : i32
    %mul3A_464 = arith.muli %arg1, %mul3A_463 : i32
    %add3A_465 = arith.constant 16384 : i32
    %add3A_466 = arith.addi %mul3A_464, %add3A_465 : i32
    %dma_start3A_467 = tpu.memref_slice %arg8[%add3A_466] : memref<1048576xf32, #tpu.memory_space<vmem_shared>> -> memref<8192xf32, #tpu.memory_space<vmem_shared>>
    %dma_start3A_468 = tpu.memref_slice %arg8[%add3A_466] : memref<1048576xf32, #tpu.memory_space<vmem_shared>> -> memref<8192xf32, #tpu.memory_space<vmem_shared>>
    tpu.enqueue_dma source(%arg16 : memref<8192xf32, #tpu.memory_space<vmem>>) target(%dma_start3A_468 : memref<8192xf32, #tpu.memory_space<vmem_shared>>) target_semaphore(%arg17 : memref<!tpu.dma_semaphore, #tpu.memory_space<semaphore_mem>>)
    %mul3A_469 = arith.constant 65536 : i32
    %mul3A_470 = arith.muli %arg1, %mul3A_469 : i32
    %add3A_471 = arith.constant 24576 : i32
    %add3A_472 = arith.addi %mul3A_470, %add3A_471 : i32
    %dma_start3A_473 = tpu.memref_slice %arg8[%add3A_472] : memref<1048576xf32, #tpu.memory_space<vmem_shared>> -> memref<8192xf32, #tpu.memory_space<vmem_shared>>
    %dma_start3A_474 = tpu.memref_slice %arg8[%add3A_472] : memref<1048576xf32, #tpu.memory_space<vmem_shared>> -> memref<8192xf32, #tpu.memory_space<vmem_shared>>
    tpu.enqueue_dma source(%arg16 : memref<8192xf32, #tpu.memory_space<vmem>>) target(%dma_start3A_474 : memref<8192xf32, #tpu.memory_space<vmem_shared>>) target_semaphore(%arg17 : memref<!tpu.dma_semaphore, #tpu.memory_space<semaphore_mem>>)
    %mul3A_475 = arith.constant 65536 : i32
    %mul3A_476 = arith.muli %arg1, %mul3A_475 : i32
    %add3A_477 = arith.constant 32768 : i32
    %add3A_478 = arith.addi %mul3A_476, %add3A_477 : i32
    %dma_start3A_479 = tpu.memref_slice %arg8[%add3A_478] : memref<1048576xf32, #tpu.memory_space<vmem_shared>> -> memref<8192xf32, #tpu.memory_space<vmem_shared>>
    %dma_start3A_480 = tpu.memref_slice %arg8[%add3A_478] : memref<1048576xf32, #tpu.memory_space<vmem_shared>> -> memref<8192xf32, #tpu.memory_space<vmem_shared>>
    tpu.enqueue_dma source(%arg16 : memref<8192xf32, #tpu.memory_space<vmem>>) target(%dma_start3A_480 : memref<8192xf32, #tpu.memory_space<vmem_shared>>) target_semaphore(%arg17 : memref<!tpu.dma_semaphore, #tpu.memory_space<semaphore_mem>>)
    %mul3A_481 = arith.constant 65536 : i32
    %mul3A_482 = arith.muli %arg1, %mul3A_481 : i32
    %add3A_483 = arith.constant 40960 : i32
    %add3A_484 = arith.addi %mul3A_482, %add3A_483 : i32
    %dma_start3A_485 = tpu.memref_slice %arg8[%add3A_484] : memref<1048576xf32, #tpu.memory_space<vmem_shared>> -> memref<8192xf32, #tpu.memory_space<vmem_shared>>
    %dma_start3A_486 = tpu.memref_slice %arg8[%add3A_484] : memref<1048576xf32, #tpu.memory_space<vmem_shared>> -> memref<8192xf32, #tpu.memory_space<vmem_shared>>
    tpu.enqueue_dma source(%arg16 : memref<8192xf32, #tpu.memory_space<vmem>>) target(%dma_start3A_486 : memref<8192xf32, #tpu.memory_space<vmem_shared>>) target_semaphore(%arg17 : memref<!tpu.dma_semaphore, #tpu.memory_space<semaphore_mem>>)
    %mul3A_487 = arith.constant 65536 : i32
    %mul3A_488 = arith.muli %arg1, %mul3A_487 : i32
    %add3A_489 = arith.constant 49152 : i32
    %add3A_490 = arith.addi %mul3A_488, %add3A_489 : i32
    %dma_start3A_491 = tpu.memref_slice %arg8[%add3A_490] : memref<1048576xf32, #tpu.memory_space<vmem_shared>> -> memref<8192xf32, #tpu.memory_space<vmem_shared>>
    %dma_start3A_492 = tpu.memref_slice %arg8[%add3A_490] : memref<1048576xf32, #tpu.memory_space<vmem_shared>> -> memref<8192xf32, #tpu.memory_space<vmem_shared>>
    tpu.enqueue_dma source(%arg16 : memref<8192xf32, #tpu.memory_space<vmem>>) target(%dma_start3A_492 : memref<8192xf32, #tpu.memory_space<vmem_shared>>) target_semaphore(%arg17 : memref<!tpu.dma_semaphore, #tpu.memory_space<semaphore_mem>>)
    %mul3A_493 = arith.constant 65536 : i32
    %mul3A_494 = arith.muli %arg1, %mul3A_493 : i32
    %add3A_495 = arith.constant 57344 : i32
    %add3A_496 = arith.addi %mul3A_494, %add3A_495 : i32
    %dma_start3A_497 = tpu.memref_slice %arg8[%add3A_496] : memref<1048576xf32, #tpu.memory_space<vmem_shared>> -> memref<8192xf32, #tpu.memory_space<vmem_shared>>
    %dma_start3A_498 = tpu.memref_slice %arg8[%add3A_496] : memref<1048576xf32, #tpu.memory_space<vmem_shared>> -> memref<8192xf32, #tpu.memory_space<vmem_shared>>
    tpu.enqueue_dma source(%arg16 : memref<8192xf32, #tpu.memory_space<vmem>>) target(%dma_start3A_498 : memref<8192xf32, #tpu.memory_space<vmem_shared>>) target_semaphore(%arg17 : memref<!tpu.dma_semaphore, #tpu.memory_space<semaphore_mem>>)
    %dma_wait3A_499 = tpu.memref_slice %arg8[%add3A_454] : memref<1048576xf32, #tpu.memory_space<vmem_shared>> -> memref<8192xf32, #tpu.memory_space<vmem_shared>>
    %dma_wait3A_500 = tpu.memref_slice %arg8[%add3A_454] : memref<1048576xf32, #tpu.memory_space<vmem_shared>> -> memref<8192xf32, #tpu.memory_space<vmem_shared>>
    tpu.wait_dma2 semaphore(%arg17 : memref<!tpu.dma_semaphore, #tpu.memory_space<semaphore_mem>>) src(%arg16 : memref<8192xf32, #tpu.memory_space<vmem>>) dst(%dma_wait3A_500 : memref<8192xf32, #tpu.memory_space<vmem_shared>>)
    %dma_wait3A_501 = tpu.memref_slice %arg8[%add3A_460] : memref<1048576xf32, #tpu.memory_space<vmem_shared>> -> memref<8192xf32, #tpu.memory_space<vmem_shared>>
    %dma_wait3A_502 = tpu.memref_slice %arg8[%add3A_460] : memref<1048576xf32, #tpu.memory_space<vmem_shared>> -> memref<8192xf32, #tpu.memory_space<vmem_shared>>
    tpu.wait_dma2 semaphore(%arg17 : memref<!tpu.dma_semaphore, #tpu.memory_space<semaphore_mem>>) src(%arg16 : memref<8192xf32, #tpu.memory_space<vmem>>) dst(%dma_wait3A_502 : memref<8192xf32, #tpu.memory_space<vmem_shared>>)
    %dma_wait3A_503 = tpu.memref_slice %arg8[%add3A_466] : memref<1048576xf32, #tpu.memory_space<vmem_shared>> -> memref<8192xf32, #tpu.memory_space<vmem_shared>>
    %dma_wait3A_504 = tpu.memref_slice %arg8[%add3A_466] : memref<1048576xf32, #tpu.memory_space<vmem_shared>> -> memref<8192xf32, #tpu.memory_space<vmem_shared>>
    tpu.wait_dma2 semaphore(%arg17 : memref<!tpu.dma_semaphore, #tpu.memory_space<semaphore_mem>>) src(%arg16 : memref<8192xf32, #tpu.memory_space<vmem>>) dst(%dma_wait3A_504 : memref<8192xf32, #tpu.memory_space<vmem_shared>>)
    %dma_wait3A_505 = tpu.memref_slice %arg8[%add3A_472] : memref<1048576xf32, #tpu.memory_space<vmem_shared>> -> memref<8192xf32, #tpu.memory_space<vmem_shared>>
    %dma_wait3A_506 = tpu.memref_slice %arg8[%add3A_472] : memref<1048576xf32, #tpu.memory_space<vmem_shared>> -> memref<8192xf32, #tpu.memory_space<vmem_shared>>
    tpu.wait_dma2 semaphore(%arg17 : memref<!tpu.dma_semaphore, #tpu.memory_space<semaphore_mem>>) src(%arg16 : memref<8192xf32, #tpu.memory_space<vmem>>) dst(%dma_wait3A_506 : memref<8192xf32, #tpu.memory_space<vmem_shared>>)
    %dma_wait3A_507 = tpu.memref_slice %arg8[%add3A_478] : memref<1048576xf32, #tpu.memory_space<vmem_shared>> -> memref<8192xf32, #tpu.memory_space<vmem_shared>>
    %dma_wait3A_508 = tpu.memref_slice %arg8[%add3A_478] : memref<1048576xf32, #tpu.memory_space<vmem_shared>> -> memref<8192xf32, #tpu.memory_space<vmem_shared>>
    tpu.wait_dma2 semaphore(%arg17 : memref<!tpu.dma_semaphore, #tpu.memory_space<semaphore_mem>>) src(%arg16 : memref<8192xf32, #tpu.memory_space<vmem>>) dst(%dma_wait3A_508 : memref<8192xf32, #tpu.memory_space<vmem_shared>>)
    %dma_wait3A_509 = tpu.memref_slice %arg8[%add3A_484] : memref<1048576xf32, #tpu.memory_space<vmem_shared>> -> memref<8192xf32, #tpu.memory_space<vmem_shared>>
    %dma_wait3A_510 = tpu.memref_slice %arg8[%add3A_484] : memref<1048576xf32, #tpu.memory_space<vmem_shared>> -> memref<8192xf32, #tpu.memory_space<vmem_shared>>
    tpu.wait_dma2 semaphore(%arg17 : memref<!tpu.dma_semaphore, #tpu.memory_space<semaphore_mem>>) src(%arg16 : memref<8192xf32, #tpu.memory_space<vmem>>) dst(%dma_wait3A_510 : memref<8192xf32, #tpu.memory_space<vmem_shared>>)
    %dma_wait3A_511 = tpu.memref_slice %arg8[%add3A_490] : memref<1048576xf32, #tpu.memory_space<vmem_shared>> -> memref<8192xf32, #tpu.memory_space<vmem_shared>>
    %dma_wait3A_512 = tpu.memref_slice %arg8[%add3A_490] : memref<1048576xf32, #tpu.memory_space<vmem_shared>> -> memref<8192xf32, #tpu.memory_space<vmem_shared>>
    tpu.wait_dma2 semaphore(%arg17 : memref<!tpu.dma_semaphore, #tpu.memory_space<semaphore_mem>>) src(%arg16 : memref<8192xf32, #tpu.memory_space<vmem>>) dst(%dma_wait3A_512 : memref<8192xf32, #tpu.memory_space<vmem_shared>>)
    %dma_wait3A_513 = tpu.memref_slice %arg8[%add3A_496] : memref<1048576xf32, #tpu.memory_space<vmem_shared>> -> memref<8192xf32, #tpu.memory_space<vmem_shared>>
    %dma_wait3A_514 = tpu.memref_slice %arg8[%add3A_496] : memref<1048576xf32, #tpu.memory_space<vmem_shared>> -> memref<8192xf32, #tpu.memory_space<vmem_shared>>
    tpu.wait_dma2 semaphore(%arg17 : memref<!tpu.dma_semaphore, #tpu.memory_space<semaphore_mem>>) src(%arg16 : memref<8192xf32, #tpu.memory_space<vmem>>) dst(%dma_wait3A_514 : memref<8192xf32, #tpu.memory_space<vmem_shared>>)
    %barrier3A_515 = arith.constant 0 : index
    tpu.barrier barrier_id(%barrier3A_515)
    "tpu.region"() ({
      %run_scoped3A = tpu.sem_alloc : memref<!tpu.dma_semaphore, #tpu.memory_space<semaphore_mem>>
      %dma_start3A_701 = arith.constant 0 : i32
      %dma_start3A_702 = tpu.memref_slice %arg8[%dma_start3A_701] : memref<1048576xf32, #tpu.memory_space<vmem_shared>> -> memref<1048576xf32, #tpu.memory_space<vmem_shared>>
      %dma_start3A_703 = arith.constant -1 : i32
      tpu.enqueue_indirect_dma source(%arg14 : memref<8192xf32, #tpu.memory_space<vmem>>) target(%dma_start3A_702 : memref<1048576xf32, #tpu.memory_space<vmem_shared>>) offsets(%arg11 : memref<8192xi32, #tpu.memory_space<vmem>>) offset_filter(%dma_start3A_703) semaphore(%run_scoped3A : memref<!tpu.dma_semaphore, #tpu.memory_space<semaphore_mem>>)
      %dma_wait3A_704 = arith.constant 0 : i32
      %dma_wait3A_705 = tpu.memref_slice %arg8[%dma_wait3A_704] : memref<1048576xf32, #tpu.memory_space<vmem_shared>> -> memref<1048576xf32, #tpu.memory_space<vmem_shared>>
      tpu.wait_indirect_dma semaphore(%run_scoped3A : memref<!tpu.dma_semaphore, #tpu.memory_space<semaphore_mem>>) src(%arg14 : memref<8192xf32, #tpu.memory_space<vmem>>) dst(%dma_wait3A_705 : memref<1048576xf32, #tpu.memory_space<vmem_shared>>)
      tpu.yield
    }) : () -> ()
    %barrier3A_516 = arith.constant 0 : index
    tpu.barrier barrier_id(%barrier3A_516)
    "tpu.region"() ({
      %run_scoped3A = tpu.sem_alloc : memref<!tpu.dma_semaphore, #tpu.memory_space<semaphore_mem>>
      %dma_start3A_701 = arith.constant 0 : i32
      %dma_start3A_702 = tpu.memref_slice %arg8[%dma_start3A_701] : memref<1048576xf32, #tpu.memory_space<vmem_shared>> -> memref<1048576xf32, #tpu.memory_space<vmem_shared>>
      %dma_start3A_703 = arith.constant -1 : i32
      tpu.enqueue_indirect_dma source(%arg15 : memref<8192xf32, #tpu.memory_space<vmem>>) target(%dma_start3A_702 : memref<1048576xf32, #tpu.memory_space<vmem_shared>>) offsets(%arg11 : memref<8192xi32, #tpu.memory_space<vmem>>) offset_filter(%dma_start3A_703) semaphore(%run_scoped3A : memref<!tpu.dma_semaphore, #tpu.memory_space<semaphore_mem>>) {add = true}
      %dma_wait3A_704 = arith.constant 0 : i32
      %dma_wait3A_705 = tpu.memref_slice %arg8[%dma_wait3A_704] : memref<1048576xf32, #tpu.memory_space<vmem_shared>> -> memref<1048576xf32, #tpu.memory_space<vmem_shared>>
      tpu.wait_indirect_dma semaphore(%run_scoped3A : memref<!tpu.dma_semaphore, #tpu.memory_space<semaphore_mem>>) src(%arg15 : memref<8192xf32, #tpu.memory_space<vmem>>) dst(%dma_wait3A_705 : memref<1048576xf32, #tpu.memory_space<vmem_shared>>)
      tpu.yield
    }) : () -> ()
    %barrier3A_517 = arith.constant 0 : index
    tpu.barrier barrier_id(%barrier3A_517)
    %mul3A_518 = arith.constant 65536 : i32
    %mul3A_519 = arith.muli %arg1, %mul3A_518 : i32
    %mul3A_520 = arith.constant 65536 : i32
    %mul3A_521 = arith.muli %arg1, %mul3A_520 : i32
    %add3A_522 = arith.addi %mul3A_443, %mul3A_521 : i32
    %dma_start3A_523 = tpu.memref_slice %arg7[%add3A_522] : memref<16777216xf32, #tpu.memory_space<hbm>> -> memref<65536xf32, #tpu.memory_space<hbm>>
    %dma_start3A_524 = tpu.memref_slice %arg8[%mul3A_519] : memref<1048576xf32, #tpu.memory_space<vmem_shared>> -> memref<65536xf32, #tpu.memory_space<vmem_shared>>
    tpu.enqueue_dma source(%dma_start3A_524 : memref<65536xf32, #tpu.memory_space<vmem_shared>>) target(%dma_start3A_523 : memref<65536xf32, #tpu.memory_space<hbm>>) target_semaphore(%arg18 : memref<!tpu.dma_semaphore, #tpu.memory_space<semaphore_mem>>)
    %mul3A_525 = arith.constant 8 : i32
    %mul3A_526 = arith.muli %arg0, %mul3A_525 : i32
    %add3A_527 = arith.constant 6 : i32
    %add3A_528 = arith.addi %mul3A_526, %add3A_527 : i32
    %mul3A_529 = arith.constant 1048576 : i32
    %mul3A_530 = arith.muli %add3A_528, %mul3A_529 : i32
    %scan3A_531 = arith.constant 0 : i32
    %scan3A_532 = arith.constant 512 : i32
    %scan3A_533 = arith.addi %scan3A_531, %scan3A_532 : i32
    %scan3A_534 = arith.constant 1 : i32
    scf.for %scan3A_701 = %scan3A_531 to %scan3A_533 step %scan3A_534  : i32 {
      %mul3A_702 = arith.constant 16 : i32
      %mul3A_703 = arith.muli %scan3A_701, %mul3A_702 : i32
      %get3A = arith.index_cast %mul3A_703 : i32 to index
      %get3A_704 = tpu.vector_load %arg13[%get3A] {strides = array<i32>} : memref<8192xi32, #tpu.memory_space<vmem>>, vector<16xi32>,
      %shift_right_arithmetic3A = arith.constant 20 : i32
      %shift_right_arithmetic3A_705 = vector.broadcast %shift_right_arithmetic3A : i32 to vector<16xi32>
      %shift_right_arithmetic3A_706 = arith.shrsi %get3A_704, %shift_right_arithmetic3A_705 : vector<16xi32>
      %eq3A = vector.broadcast %add3A_528 : i32 to vector<16xi32>
      %eq3A_707 = arith.cmpi eq, %shift_right_arithmetic3A_706, %eq3A : vector<16xi32>
      %shift_right_arithmetic3A_708 = arith.constant 12 : i32
      %shift_right_arithmetic3A_709 = vector.broadcast %shift_right_arithmetic3A_708 : i32 to vector<16xi32>
      %shift_right_arithmetic3A_710 = arith.shrsi %get3A_704, %shift_right_arithmetic3A_709 : vector<16xi32>
      %and3A = arith.constant 255 : i32
      %and3A_711 = vector.broadcast %and3A : i32 to vector<16xi32>
      %and3A_712 = arith.andi %shift_right_arithmetic3A_710, %and3A_711 : vector<16xi32>
      %and3A_713 = arith.constant 4095 : i32
      %and3A_714 = vector.broadcast %and3A_713 : i32 to vector<16xi32>
      %and3A_715 = arith.andi %get3A_704, %and3A_714 : vector<16xi32>
      %shift_right_arithmetic3A_716 = arith.constant 3 : i32
      %shift_right_arithmetic3A_717 = vector.broadcast %shift_right_arithmetic3A_716 : i32 to vector<16xi32>
      %shift_right_arithmetic3A_718 = arith.shrsi %and3A_712, %shift_right_arithmetic3A_717 : vector<16xi32>
      %shift_left3A = arith.constant 15 : i32
      %shift_left3A_719 = vector.broadcast %shift_left3A : i32 to vector<16xi32>
      %shift_left3A_720 = arith.shli %shift_right_arithmetic3A_718, %shift_left3A_719 : vector<16xi32>
      %shift_right_arithmetic3A_721 = arith.constant 7 : i32
      %shift_right_arithmetic3A_722 = vector.broadcast %shift_right_arithmetic3A_721 : i32 to vector<16xi32>
      %shift_right_arithmetic3A_723 = arith.shrsi %and3A_715, %shift_right_arithmetic3A_722 : vector<16xi32>
      %shift_left3A_724 = arith.constant 10 : i32
      %shift_left3A_725 = vector.broadcast %shift_left3A_724 : i32 to vector<16xi32>
      %shift_left3A_726 = arith.shli %shift_right_arithmetic3A_723, %shift_left3A_725 : vector<16xi32>
      %add3A_727 = arith.addi %shift_left3A_720, %shift_left3A_726 : vector<16xi32>
      %and3A_728 = arith.constant 7 : i32
      %and3A_729 = vector.broadcast %and3A_728 : i32 to vector<16xi32>
      %and3A_730 = arith.andi %and3A_712, %and3A_729 : vector<16xi32>
      %shift_left3A_731 = arith.constant 7 : i32
      %shift_left3A_732 = vector.broadcast %shift_left3A_731 : i32 to vector<16xi32>
      %shift_left3A_733 = arith.shli %and3A_730, %shift_left3A_732 : vector<16xi32>
      %add3A_734 = arith.addi %add3A_727, %shift_left3A_733 : vector<16xi32>
      %and3A_735 = arith.constant 127 : i32
      %and3A_736 = vector.broadcast %and3A_735 : i32 to vector<16xi32>
      %and3A_737 = arith.andi %and3A_715, %and3A_736 : vector<16xi32>
      %add3A_738 = arith.addi %add3A_734, %and3A_737 : vector<16xi32>
      %jit3A = arith.constant -1 : i32
      %broadcast_in_dim3A_739 = vector.broadcast %jit3A : i32 to vector<16xi32>
      %select_n3A = arith.select %eq3A_707, %add3A_738, %broadcast_in_dim3A_739 : vector<16xi1>, vector<16xi32>
      %swap3A = arith.index_cast %mul3A_703 : i32 to index
      %swap3A_740 = tpu.vector_load %arg11[%swap3A] {strides = array<i32>} : memref<8192xi32, #tpu.memory_space<vmem>>, vector<16xi32>,
      tpu.vector_store %arg11[%swap3A], %select_n3A {strides = array<i32>} : memref<8192xi32, #tpu.memory_space<vmem>>, vector<16xi32>,
    }
    %scan3A_535 = arith.constant 512 : i32
    %dma_wait3A_536 = tpu.memref_slice %arg7[%add3A_522] : memref<16777216xf32, #tpu.memory_space<hbm>> -> memref<65536xf32, #tpu.memory_space<hbm>>
    %dma_wait3A_537 = tpu.memref_slice %arg8[%mul3A_519] : memref<1048576xf32, #tpu.memory_space<vmem_shared>> -> memref<65536xf32, #tpu.memory_space<vmem_shared>>
    tpu.wait_dma2 semaphore(%arg18 : memref<!tpu.dma_semaphore, #tpu.memory_space<semaphore_mem>>) src(%dma_wait3A_537 : memref<65536xf32, #tpu.memory_space<vmem_shared>>) dst(%dma_wait3A_536 : memref<65536xf32, #tpu.memory_space<hbm>>)
    %mul3A_538 = arith.constant 65536 : i32
    %mul3A_539 = arith.muli %arg1, %mul3A_538 : i32
    %add3A_540 = arith.constant 0 : i32
    %add3A_541 = arith.addi %mul3A_539, %add3A_540 : i32
    %dma_start3A_542 = tpu.memref_slice %arg8[%add3A_541] : memref<1048576xf32, #tpu.memory_space<vmem_shared>> -> memref<8192xf32, #tpu.memory_space<vmem_shared>>
    %dma_start3A_543 = tpu.memref_slice %arg8[%add3A_541] : memref<1048576xf32, #tpu.memory_space<vmem_shared>> -> memref<8192xf32, #tpu.memory_space<vmem_shared>>
    tpu.enqueue_dma source(%arg16 : memref<8192xf32, #tpu.memory_space<vmem>>) target(%dma_start3A_543 : memref<8192xf32, #tpu.memory_space<vmem_shared>>) target_semaphore(%arg17 : memref<!tpu.dma_semaphore, #tpu.memory_space<semaphore_mem>>)
    %mul3A_544 = arith.constant 65536 : i32
    %mul3A_545 = arith.muli %arg1, %mul3A_544 : i32
    %add3A_546 = arith.constant 8192 : i32
    %add3A_547 = arith.addi %mul3A_545, %add3A_546 : i32
    %dma_start3A_548 = tpu.memref_slice %arg8[%add3A_547] : memref<1048576xf32, #tpu.memory_space<vmem_shared>> -> memref<8192xf32, #tpu.memory_space<vmem_shared>>
    %dma_start3A_549 = tpu.memref_slice %arg8[%add3A_547] : memref<1048576xf32, #tpu.memory_space<vmem_shared>> -> memref<8192xf32, #tpu.memory_space<vmem_shared>>
    tpu.enqueue_dma source(%arg16 : memref<8192xf32, #tpu.memory_space<vmem>>) target(%dma_start3A_549 : memref<8192xf32, #tpu.memory_space<vmem_shared>>) target_semaphore(%arg17 : memref<!tpu.dma_semaphore, #tpu.memory_space<semaphore_mem>>)
    %mul3A_550 = arith.constant 65536 : i32
    %mul3A_551 = arith.muli %arg1, %mul3A_550 : i32
    %add3A_552 = arith.constant 16384 : i32
    %add3A_553 = arith.addi %mul3A_551, %add3A_552 : i32
    %dma_start3A_554 = tpu.memref_slice %arg8[%add3A_553] : memref<1048576xf32, #tpu.memory_space<vmem_shared>> -> memref<8192xf32, #tpu.memory_space<vmem_shared>>
    %dma_start3A_555 = tpu.memref_slice %arg8[%add3A_553] : memref<1048576xf32, #tpu.memory_space<vmem_shared>> -> memref<8192xf32, #tpu.memory_space<vmem_shared>>
    tpu.enqueue_dma source(%arg16 : memref<8192xf32, #tpu.memory_space<vmem>>) target(%dma_start3A_555 : memref<8192xf32, #tpu.memory_space<vmem_shared>>) target_semaphore(%arg17 : memref<!tpu.dma_semaphore, #tpu.memory_space<semaphore_mem>>)
    %mul3A_556 = arith.constant 65536 : i32
    %mul3A_557 = arith.muli %arg1, %mul3A_556 : i32
    %add3A_558 = arith.constant 24576 : i32
    %add3A_559 = arith.addi %mul3A_557, %add3A_558 : i32
    %dma_start3A_560 = tpu.memref_slice %arg8[%add3A_559] : memref<1048576xf32, #tpu.memory_space<vmem_shared>> -> memref<8192xf32, #tpu.memory_space<vmem_shared>>
    %dma_start3A_561 = tpu.memref_slice %arg8[%add3A_559] : memref<1048576xf32, #tpu.memory_space<vmem_shared>> -> memref<8192xf32, #tpu.memory_space<vmem_shared>>
    tpu.enqueue_dma source(%arg16 : memref<8192xf32, #tpu.memory_space<vmem>>) target(%dma_start3A_561 : memref<8192xf32, #tpu.memory_space<vmem_shared>>) target_semaphore(%arg17 : memref<!tpu.dma_semaphore, #tpu.memory_space<semaphore_mem>>)
    %mul3A_562 = arith.constant 65536 : i32
    %mul3A_563 = arith.muli %arg1, %mul3A_562 : i32
    %add3A_564 = arith.constant 32768 : i32
    %add3A_565 = arith.addi %mul3A_563, %add3A_564 : i32
    %dma_start3A_566 = tpu.memref_slice %arg8[%add3A_565] : memref<1048576xf32, #tpu.memory_space<vmem_shared>> -> memref<8192xf32, #tpu.memory_space<vmem_shared>>
    %dma_start3A_567 = tpu.memref_slice %arg8[%add3A_565] : memref<1048576xf32, #tpu.memory_space<vmem_shared>> -> memref<8192xf32, #tpu.memory_space<vmem_shared>>
    tpu.enqueue_dma source(%arg16 : memref<8192xf32, #tpu.memory_space<vmem>>) target(%dma_start3A_567 : memref<8192xf32, #tpu.memory_space<vmem_shared>>) target_semaphore(%arg17 : memref<!tpu.dma_semaphore, #tpu.memory_space<semaphore_mem>>)
    %mul3A_568 = arith.constant 65536 : i32
    %mul3A_569 = arith.muli %arg1, %mul3A_568 : i32
    %add3A_570 = arith.constant 40960 : i32
    %add3A_571 = arith.addi %mul3A_569, %add3A_570 : i32
    %dma_start3A_572 = tpu.memref_slice %arg8[%add3A_571] : memref<1048576xf32, #tpu.memory_space<vmem_shared>> -> memref<8192xf32, #tpu.memory_space<vmem_shared>>
    %dma_start3A_573 = tpu.memref_slice %arg8[%add3A_571] : memref<1048576xf32, #tpu.memory_space<vmem_shared>> -> memref<8192xf32, #tpu.memory_space<vmem_shared>>
    tpu.enqueue_dma source(%arg16 : memref<8192xf32, #tpu.memory_space<vmem>>) target(%dma_start3A_573 : memref<8192xf32, #tpu.memory_space<vmem_shared>>) target_semaphore(%arg17 : memref<!tpu.dma_semaphore, #tpu.memory_space<semaphore_mem>>)
    %mul3A_574 = arith.constant 65536 : i32
    %mul3A_575 = arith.muli %arg1, %mul3A_574 : i32
    %add3A_576 = arith.constant 49152 : i32
    %add3A_577 = arith.addi %mul3A_575, %add3A_576 : i32
    %dma_start3A_578 = tpu.memref_slice %arg8[%add3A_577] : memref<1048576xf32, #tpu.memory_space<vmem_shared>> -> memref<8192xf32, #tpu.memory_space<vmem_shared>>
    %dma_start3A_579 = tpu.memref_slice %arg8[%add3A_577] : memref<1048576xf32, #tpu.memory_space<vmem_shared>> -> memref<8192xf32, #tpu.memory_space<vmem_shared>>
    tpu.enqueue_dma source(%arg16 : memref<8192xf32, #tpu.memory_space<vmem>>) target(%dma_start3A_579 : memref<8192xf32, #tpu.memory_space<vmem_shared>>) target_semaphore(%arg17 : memref<!tpu.dma_semaphore, #tpu.memory_space<semaphore_mem>>)
    %mul3A_580 = arith.constant 65536 : i32
    %mul3A_581 = arith.muli %arg1, %mul3A_580 : i32
    %add3A_582 = arith.constant 57344 : i32
    %add3A_583 = arith.addi %mul3A_581, %add3A_582 : i32
    %dma_start3A_584 = tpu.memref_slice %arg8[%add3A_583] : memref<1048576xf32, #tpu.memory_space<vmem_shared>> -> memref<8192xf32, #tpu.memory_space<vmem_shared>>
    %dma_start3A_585 = tpu.memref_slice %arg8[%add3A_583] : memref<1048576xf32, #tpu.memory_space<vmem_shared>> -> memref<8192xf32, #tpu.memory_space<vmem_shared>>
    tpu.enqueue_dma source(%arg16 : memref<8192xf32, #tpu.memory_space<vmem>>) target(%dma_start3A_585 : memref<8192xf32, #tpu.memory_space<vmem_shared>>) target_semaphore(%arg17 : memref<!tpu.dma_semaphore, #tpu.memory_space<semaphore_mem>>)
    %dma_wait3A_586 = tpu.memref_slice %arg8[%add3A_541] : memref<1048576xf32, #tpu.memory_space<vmem_shared>> -> memref<8192xf32, #tpu.memory_space<vmem_shared>>
    %dma_wait3A_587 = tpu.memref_slice %arg8[%add3A_541] : memref<1048576xf32, #tpu.memory_space<vmem_shared>> -> memref<8192xf32, #tpu.memory_space<vmem_shared>>
    tpu.wait_dma2 semaphore(%arg17 : memref<!tpu.dma_semaphore, #tpu.memory_space<semaphore_mem>>) src(%arg16 : memref<8192xf32, #tpu.memory_space<vmem>>) dst(%dma_wait3A_587 : memref<8192xf32, #tpu.memory_space<vmem_shared>>)
    %dma_wait3A_588 = tpu.memref_slice %arg8[%add3A_547] : memref<1048576xf32, #tpu.memory_space<vmem_shared>> -> memref<8192xf32, #tpu.memory_space<vmem_shared>>
    %dma_wait3A_589 = tpu.memref_slice %arg8[%add3A_547] : memref<1048576xf32, #tpu.memory_space<vmem_shared>> -> memref<8192xf32, #tpu.memory_space<vmem_shared>>
    tpu.wait_dma2 semaphore(%arg17 : memref<!tpu.dma_semaphore, #tpu.memory_space<semaphore_mem>>) src(%arg16 : memref<8192xf32, #tpu.memory_space<vmem>>) dst(%dma_wait3A_589 : memref<8192xf32, #tpu.memory_space<vmem_shared>>)
    %dma_wait3A_590 = tpu.memref_slice %arg8[%add3A_553] : memref<1048576xf32, #tpu.memory_space<vmem_shared>> -> memref<8192xf32, #tpu.memory_space<vmem_shared>>
    %dma_wait3A_591 = tpu.memref_slice %arg8[%add3A_553] : memref<1048576xf32, #tpu.memory_space<vmem_shared>> -> memref<8192xf32, #tpu.memory_space<vmem_shared>>
    tpu.wait_dma2 semaphore(%arg17 : memref<!tpu.dma_semaphore, #tpu.memory_space<semaphore_mem>>) src(%arg16 : memref<8192xf32, #tpu.memory_space<vmem>>) dst(%dma_wait3A_591 : memref<8192xf32, #tpu.memory_space<vmem_shared>>)
    %dma_wait3A_592 = tpu.memref_slice %arg8[%add3A_559] : memref<1048576xf32, #tpu.memory_space<vmem_shared>> -> memref<8192xf32, #tpu.memory_space<vmem_shared>>
    %dma_wait3A_593 = tpu.memref_slice %arg8[%add3A_559] : memref<1048576xf32, #tpu.memory_space<vmem_shared>> -> memref<8192xf32, #tpu.memory_space<vmem_shared>>
    tpu.wait_dma2 semaphore(%arg17 : memref<!tpu.dma_semaphore, #tpu.memory_space<semaphore_mem>>) src(%arg16 : memref<8192xf32, #tpu.memory_space<vmem>>) dst(%dma_wait3A_593 : memref<8192xf32, #tpu.memory_space<vmem_shared>>)
    %dma_wait3A_594 = tpu.memref_slice %arg8[%add3A_565] : memref<1048576xf32, #tpu.memory_space<vmem_shared>> -> memref<8192xf32, #tpu.memory_space<vmem_shared>>
    %dma_wait3A_595 = tpu.memref_slice %arg8[%add3A_565] : memref<1048576xf32, #tpu.memory_space<vmem_shared>> -> memref<8192xf32, #tpu.memory_space<vmem_shared>>
    tpu.wait_dma2 semaphore(%arg17 : memref<!tpu.dma_semaphore, #tpu.memory_space<semaphore_mem>>) src(%arg16 : memref<8192xf32, #tpu.memory_space<vmem>>) dst(%dma_wait3A_595 : memref<8192xf32, #tpu.memory_space<vmem_shared>>)
    %dma_wait3A_596 = tpu.memref_slice %arg8[%add3A_571] : memref<1048576xf32, #tpu.memory_space<vmem_shared>> -> memref<8192xf32, #tpu.memory_space<vmem_shared>>
    %dma_wait3A_597 = tpu.memref_slice %arg8[%add3A_571] : memref<1048576xf32, #tpu.memory_space<vmem_shared>> -> memref<8192xf32, #tpu.memory_space<vmem_shared>>
    tpu.wait_dma2 semaphore(%arg17 : memref<!tpu.dma_semaphore, #tpu.memory_space<semaphore_mem>>) src(%arg16 : memref<8192xf32, #tpu.memory_space<vmem>>) dst(%dma_wait3A_597 : memref<8192xf32, #tpu.memory_space<vmem_shared>>)
    %dma_wait3A_598 = tpu.memref_slice %arg8[%add3A_577] : memref<1048576xf32, #tpu.memory_space<vmem_shared>> -> memref<8192xf32, #tpu.memory_space<vmem_shared>>
    %dma_wait3A_599 = tpu.memref_slice %arg8[%add3A_577] : memref<1048576xf32, #tpu.memory_space<vmem_shared>> -> memref<8192xf32, #tpu.memory_space<vmem_shared>>
    tpu.wait_dma2 semaphore(%arg17 : memref<!tpu.dma_semaphore, #tpu.memory_space<semaphore_mem>>) src(%arg16 : memref<8192xf32, #tpu.memory_space<vmem>>) dst(%dma_wait3A_599 : memref<8192xf32, #tpu.memory_space<vmem_shared>>)
    %dma_wait3A_600 = tpu.memref_slice %arg8[%add3A_583] : memref<1048576xf32, #tpu.memory_space<vmem_shared>> -> memref<8192xf32, #tpu.memory_space<vmem_shared>>
    %dma_wait3A_601 = tpu.memref_slice %arg8[%add3A_583] : memref<1048576xf32, #tpu.memory_space<vmem_shared>> -> memref<8192xf32, #tpu.memory_space<vmem_shared>>
    tpu.wait_dma2 semaphore(%arg17 : memref<!tpu.dma_semaphore, #tpu.memory_space<semaphore_mem>>) src(%arg16 : memref<8192xf32, #tpu.memory_space<vmem>>) dst(%dma_wait3A_601 : memref<8192xf32, #tpu.memory_space<vmem_shared>>)
    %barrier3A_602 = arith.constant 0 : index
    tpu.barrier barrier_id(%barrier3A_602)
    "tpu.region"() ({
      %run_scoped3A = tpu.sem_alloc : memref<!tpu.dma_semaphore, #tpu.memory_space<semaphore_mem>>
      %dma_start3A_701 = arith.constant 0 : i32
      %dma_start3A_702 = tpu.memref_slice %arg8[%dma_start3A_701] : memref<1048576xf32, #tpu.memory_space<vmem_shared>> -> memref<1048576xf32, #tpu.memory_space<vmem_shared>>
      %dma_start3A_703 = arith.constant -1 : i32
      tpu.enqueue_indirect_dma source(%arg14 : memref<8192xf32, #tpu.memory_space<vmem>>) target(%dma_start3A_702 : memref<1048576xf32, #tpu.memory_space<vmem_shared>>) offsets(%arg11 : memref<8192xi32, #tpu.memory_space<vmem>>) offset_filter(%dma_start3A_703) semaphore(%run_scoped3A : memref<!tpu.dma_semaphore, #tpu.memory_space<semaphore_mem>>)
      %dma_wait3A_704 = arith.constant 0 : i32
      %dma_wait3A_705 = tpu.memref_slice %arg8[%dma_wait3A_704] : memref<1048576xf32, #tpu.memory_space<vmem_shared>> -> memref<1048576xf32, #tpu.memory_space<vmem_shared>>
      tpu.wait_indirect_dma semaphore(%run_scoped3A : memref<!tpu.dma_semaphore, #tpu.memory_space<semaphore_mem>>) src(%arg14 : memref<8192xf32, #tpu.memory_space<vmem>>) dst(%dma_wait3A_705 : memref<1048576xf32, #tpu.memory_space<vmem_shared>>)
      tpu.yield
    }) : () -> ()
    %barrier3A_603 = arith.constant 0 : index
    tpu.barrier barrier_id(%barrier3A_603)
    "tpu.region"() ({
      %run_scoped3A = tpu.sem_alloc : memref<!tpu.dma_semaphore, #tpu.memory_space<semaphore_mem>>
      %dma_start3A_701 = arith.constant 0 : i32
      %dma_start3A_702 = tpu.memref_slice %arg8[%dma_start3A_701] : memref<1048576xf32, #tpu.memory_space<vmem_shared>> -> memref<1048576xf32, #tpu.memory_space<vmem_shared>>
      %dma_start3A_703 = arith.constant -1 : i32
      tpu.enqueue_indirect_dma source(%arg15 : memref<8192xf32, #tpu.memory_space<vmem>>) target(%dma_start3A_702 : memref<1048576xf32, #tpu.memory_space<vmem_shared>>) offsets(%arg11 : memref<8192xi32, #tpu.memory_space<vmem>>) offset_filter(%dma_start3A_703) semaphore(%run_scoped3A : memref<!tpu.dma_semaphore, #tpu.memory_space<semaphore_mem>>) {add = true}
      %dma_wait3A_704 = arith.constant 0 : i32
      %dma_wait3A_705 = tpu.memref_slice %arg8[%dma_wait3A_704] : memref<1048576xf32, #tpu.memory_space<vmem_shared>> -> memref<1048576xf32, #tpu.memory_space<vmem_shared>>
      tpu.wait_indirect_dma semaphore(%run_scoped3A : memref<!tpu.dma_semaphore, #tpu.memory_space<semaphore_mem>>) src(%arg15 : memref<8192xf32, #tpu.memory_space<vmem>>) dst(%dma_wait3A_705 : memref<1048576xf32, #tpu.memory_space<vmem_shared>>)
      tpu.yield
    }) : () -> ()
    %barrier3A_604 = arith.constant 0 : index
    tpu.barrier barrier_id(%barrier3A_604)
    %mul3A_605 = arith.constant 65536 : i32
    %mul3A_606 = arith.muli %arg1, %mul3A_605 : i32
    %mul3A_607 = arith.constant 65536 : i32
    %mul3A_608 = arith.muli %arg1, %mul3A_607 : i32
    %add3A_609 = arith.addi %mul3A_530, %mul3A_608 : i32
    %dma_start3A_610 = tpu.memref_slice %arg7[%add3A_609] : memref<16777216xf32, #tpu.memory_space<hbm>> -> memref<65536xf32, #tpu.memory_space<hbm>>
    %dma_start3A_611 = tpu.memref_slice %arg8[%mul3A_606] : memref<1048576xf32, #tpu.memory_space<vmem_shared>> -> memref<65536xf32, #tpu.memory_space<vmem_shared>>
    tpu.enqueue_dma source(%dma_start3A_611 : memref<65536xf32, #tpu.memory_space<vmem_shared>>) target(%dma_start3A_610 : memref<65536xf32, #tpu.memory_space<hbm>>) target_semaphore(%arg18 : memref<!tpu.dma_semaphore, #tpu.memory_space<semaphore_mem>>)
    %mul3A_612 = arith.constant 8 : i32
    %mul3A_613 = arith.muli %arg0, %mul3A_612 : i32
    %add3A_614 = arith.constant 7 : i32
    %add3A_615 = arith.addi %mul3A_613, %add3A_614 : i32
    %mul3A_616 = arith.constant 1048576 : i32
    %mul3A_617 = arith.muli %add3A_615, %mul3A_616 : i32
    %scan3A_618 = arith.constant 0 : i32
    %scan3A_619 = arith.constant 512 : i32
    %scan3A_620 = arith.addi %scan3A_618, %scan3A_619 : i32
    %scan3A_621 = arith.constant 1 : i32
    scf.for %scan3A_701 = %scan3A_618 to %scan3A_620 step %scan3A_621  : i32 {
      %mul3A_702 = arith.constant 16 : i32
      %mul3A_703 = arith.muli %scan3A_701, %mul3A_702 : i32
      %get3A = arith.index_cast %mul3A_703 : i32 to index
      %get3A_704 = tpu.vector_load %arg13[%get3A] {strides = array<i32>} : memref<8192xi32, #tpu.memory_space<vmem>>, vector<16xi32>,
      %shift_right_arithmetic3A = arith.constant 20 : i32
      %shift_right_arithmetic3A_705 = vector.broadcast %shift_right_arithmetic3A : i32 to vector<16xi32>
      %shift_right_arithmetic3A_706 = arith.shrsi %get3A_704, %shift_right_arithmetic3A_705 : vector<16xi32>
      %eq3A = vector.broadcast %add3A_615 : i32 to vector<16xi32>
      %eq3A_707 = arith.cmpi eq, %shift_right_arithmetic3A_706, %eq3A : vector<16xi32>
      %shift_right_arithmetic3A_708 = arith.constant 12 : i32
      %shift_right_arithmetic3A_709 = vector.broadcast %shift_right_arithmetic3A_708 : i32 to vector<16xi32>
      %shift_right_arithmetic3A_710 = arith.shrsi %get3A_704, %shift_right_arithmetic3A_709 : vector<16xi32>
      %and3A = arith.constant 255 : i32
      %and3A_711 = vector.broadcast %and3A : i32 to vector<16xi32>
      %and3A_712 = arith.andi %shift_right_arithmetic3A_710, %and3A_711 : vector<16xi32>
      %and3A_713 = arith.constant 4095 : i32
      %and3A_714 = vector.broadcast %and3A_713 : i32 to vector<16xi32>
      %and3A_715 = arith.andi %get3A_704, %and3A_714 : vector<16xi32>
      %shift_right_arithmetic3A_716 = arith.constant 3 : i32
      %shift_right_arithmetic3A_717 = vector.broadcast %shift_right_arithmetic3A_716 : i32 to vector<16xi32>
      %shift_right_arithmetic3A_718 = arith.shrsi %and3A_712, %shift_right_arithmetic3A_717 : vector<16xi32>
      %shift_left3A = arith.constant 15 : i32
      %shift_left3A_719 = vector.broadcast %shift_left3A : i32 to vector<16xi32>
      %shift_left3A_720 = arith.shli %shift_right_arithmetic3A_718, %shift_left3A_719 : vector<16xi32>
      %shift_right_arithmetic3A_721 = arith.constant 7 : i32
      %shift_right_arithmetic3A_722 = vector.broadcast %shift_right_arithmetic3A_721 : i32 to vector<16xi32>
      %shift_right_arithmetic3A_723 = arith.shrsi %and3A_715, %shift_right_arithmetic3A_722 : vector<16xi32>
      %shift_left3A_724 = arith.constant 10 : i32
      %shift_left3A_725 = vector.broadcast %shift_left3A_724 : i32 to vector<16xi32>
      %shift_left3A_726 = arith.shli %shift_right_arithmetic3A_723, %shift_left3A_725 : vector<16xi32>
      %add3A_727 = arith.addi %shift_left3A_720, %shift_left3A_726 : vector<16xi32>
      %and3A_728 = arith.constant 7 : i32
      %and3A_729 = vector.broadcast %and3A_728 : i32 to vector<16xi32>
      %and3A_730 = arith.andi %and3A_712, %and3A_729 : vector<16xi32>
      %shift_left3A_731 = arith.constant 7 : i32
      %shift_left3A_732 = vector.broadcast %shift_left3A_731 : i32 to vector<16xi32>
      %shift_left3A_733 = arith.shli %and3A_730, %shift_left3A_732 : vector<16xi32>
      %add3A_734 = arith.addi %add3A_727, %shift_left3A_733 : vector<16xi32>
      %and3A_735 = arith.constant 127 : i32
      %and3A_736 = vector.broadcast %and3A_735 : i32 to vector<16xi32>
      %and3A_737 = arith.andi %and3A_715, %and3A_736 : vector<16xi32>
      %add3A_738 = arith.addi %add3A_734, %and3A_737 : vector<16xi32>
      %jit3A = arith.constant -1 : i32
      %broadcast_in_dim3A_739 = vector.broadcast %jit3A : i32 to vector<16xi32>
      %select_n3A = arith.select %eq3A_707, %add3A_738, %broadcast_in_dim3A_739 : vector<16xi1>, vector<16xi32>
      %swap3A = arith.index_cast %mul3A_703 : i32 to index
      %swap3A_740 = tpu.vector_load %arg11[%swap3A] {strides = array<i32>} : memref<8192xi32, #tpu.memory_space<vmem>>, vector<16xi32>,
      tpu.vector_store %arg11[%swap3A], %select_n3A {strides = array<i32>} : memref<8192xi32, #tpu.memory_space<vmem>>, vector<16xi32>,
    }
    %scan3A_622 = arith.constant 512 : i32
    %dma_wait3A_623 = tpu.memref_slice %arg7[%add3A_609] : memref<16777216xf32, #tpu.memory_space<hbm>> -> memref<65536xf32, #tpu.memory_space<hbm>>
    %dma_wait3A_624 = tpu.memref_slice %arg8[%mul3A_606] : memref<1048576xf32, #tpu.memory_space<vmem_shared>> -> memref<65536xf32, #tpu.memory_space<vmem_shared>>
    tpu.wait_dma2 semaphore(%arg18 : memref<!tpu.dma_semaphore, #tpu.memory_space<semaphore_mem>>) src(%dma_wait3A_624 : memref<65536xf32, #tpu.memory_space<vmem_shared>>) dst(%dma_wait3A_623 : memref<65536xf32, #tpu.memory_space<hbm>>)
    %mul3A_625 = arith.constant 65536 : i32
    %mul3A_626 = arith.muli %arg1, %mul3A_625 : i32
    %add3A_627 = arith.constant 0 : i32
    %add3A_628 = arith.addi %mul3A_626, %add3A_627 : i32
    %dma_start3A_629 = tpu.memref_slice %arg8[%add3A_628] : memref<1048576xf32, #tpu.memory_space<vmem_shared>> -> memref<8192xf32, #tpu.memory_space<vmem_shared>>
    %dma_start3A_630 = tpu.memref_slice %arg8[%add3A_628] : memref<1048576xf32, #tpu.memory_space<vmem_shared>> -> memref<8192xf32, #tpu.memory_space<vmem_shared>>
    tpu.enqueue_dma source(%arg16 : memref<8192xf32, #tpu.memory_space<vmem>>) target(%dma_start3A_630 : memref<8192xf32, #tpu.memory_space<vmem_shared>>) target_semaphore(%arg17 : memref<!tpu.dma_semaphore, #tpu.memory_space<semaphore_mem>>)
    %mul3A_631 = arith.constant 65536 : i32
    %mul3A_632 = arith.muli %arg1, %mul3A_631 : i32
    %add3A_633 = arith.constant 8192 : i32
    %add3A_634 = arith.addi %mul3A_632, %add3A_633 : i32
    %dma_start3A_635 = tpu.memref_slice %arg8[%add3A_634] : memref<1048576xf32, #tpu.memory_space<vmem_shared>> -> memref<8192xf32, #tpu.memory_space<vmem_shared>>
    %dma_start3A_636 = tpu.memref_slice %arg8[%add3A_634] : memref<1048576xf32, #tpu.memory_space<vmem_shared>> -> memref<8192xf32, #tpu.memory_space<vmem_shared>>
    tpu.enqueue_dma source(%arg16 : memref<8192xf32, #tpu.memory_space<vmem>>) target(%dma_start3A_636 : memref<8192xf32, #tpu.memory_space<vmem_shared>>) target_semaphore(%arg17 : memref<!tpu.dma_semaphore, #tpu.memory_space<semaphore_mem>>)
    %mul3A_637 = arith.constant 65536 : i32
    %mul3A_638 = arith.muli %arg1, %mul3A_637 : i32
    %add3A_639 = arith.constant 16384 : i32
    %add3A_640 = arith.addi %mul3A_638, %add3A_639 : i32
    %dma_start3A_641 = tpu.memref_slice %arg8[%add3A_640] : memref<1048576xf32, #tpu.memory_space<vmem_shared>> -> memref<8192xf32, #tpu.memory_space<vmem_shared>>
    %dma_start3A_642 = tpu.memref_slice %arg8[%add3A_640] : memref<1048576xf32, #tpu.memory_space<vmem_shared>> -> memref<8192xf32, #tpu.memory_space<vmem_shared>>
    tpu.enqueue_dma source(%arg16 : memref<8192xf32, #tpu.memory_space<vmem>>) target(%dma_start3A_642 : memref<8192xf32, #tpu.memory_space<vmem_shared>>) target_semaphore(%arg17 : memref<!tpu.dma_semaphore, #tpu.memory_space<semaphore_mem>>)
    %mul3A_643 = arith.constant 65536 : i32
    %mul3A_644 = arith.muli %arg1, %mul3A_643 : i32
    %add3A_645 = arith.constant 24576 : i32
    %add3A_646 = arith.addi %mul3A_644, %add3A_645 : i32
    %dma_start3A_647 = tpu.memref_slice %arg8[%add3A_646] : memref<1048576xf32, #tpu.memory_space<vmem_shared>> -> memref<8192xf32, #tpu.memory_space<vmem_shared>>
    %dma_start3A_648 = tpu.memref_slice %arg8[%add3A_646] : memref<1048576xf32, #tpu.memory_space<vmem_shared>> -> memref<8192xf32, #tpu.memory_space<vmem_shared>>
    tpu.enqueue_dma source(%arg16 : memref<8192xf32, #tpu.memory_space<vmem>>) target(%dma_start3A_648 : memref<8192xf32, #tpu.memory_space<vmem_shared>>) target_semaphore(%arg17 : memref<!tpu.dma_semaphore, #tpu.memory_space<semaphore_mem>>)
    %mul3A_649 = arith.constant 65536 : i32
    %mul3A_650 = arith.muli %arg1, %mul3A_649 : i32
    %add3A_651 = arith.constant 32768 : i32
    %add3A_652 = arith.addi %mul3A_650, %add3A_651 : i32
    %dma_start3A_653 = tpu.memref_slice %arg8[%add3A_652] : memref<1048576xf32, #tpu.memory_space<vmem_shared>> -> memref<8192xf32, #tpu.memory_space<vmem_shared>>
    %dma_start3A_654 = tpu.memref_slice %arg8[%add3A_652] : memref<1048576xf32, #tpu.memory_space<vmem_shared>> -> memref<8192xf32, #tpu.memory_space<vmem_shared>>
    tpu.enqueue_dma source(%arg16 : memref<8192xf32, #tpu.memory_space<vmem>>) target(%dma_start3A_654 : memref<8192xf32, #tpu.memory_space<vmem_shared>>) target_semaphore(%arg17 : memref<!tpu.dma_semaphore, #tpu.memory_space<semaphore_mem>>)
    %mul3A_655 = arith.constant 65536 : i32
    %mul3A_656 = arith.muli %arg1, %mul3A_655 : i32
    %add3A_657 = arith.constant 40960 : i32
    %add3A_658 = arith.addi %mul3A_656, %add3A_657 : i32
    %dma_start3A_659 = tpu.memref_slice %arg8[%add3A_658] : memref<1048576xf32, #tpu.memory_space<vmem_shared>> -> memref<8192xf32, #tpu.memory_space<vmem_shared>>
    %dma_start3A_660 = tpu.memref_slice %arg8[%add3A_658] : memref<1048576xf32, #tpu.memory_space<vmem_shared>> -> memref<8192xf32, #tpu.memory_space<vmem_shared>>
    tpu.enqueue_dma source(%arg16 : memref<8192xf32, #tpu.memory_space<vmem>>) target(%dma_start3A_660 : memref<8192xf32, #tpu.memory_space<vmem_shared>>) target_semaphore(%arg17 : memref<!tpu.dma_semaphore, #tpu.memory_space<semaphore_mem>>)
    %mul3A_661 = arith.constant 65536 : i32
    %mul3A_662 = arith.muli %arg1, %mul3A_661 : i32
    %add3A_663 = arith.constant 49152 : i32
    %add3A_664 = arith.addi %mul3A_662, %add3A_663 : i32
    %dma_start3A_665 = tpu.memref_slice %arg8[%add3A_664] : memref<1048576xf32, #tpu.memory_space<vmem_shared>> -> memref<8192xf32, #tpu.memory_space<vmem_shared>>
    %dma_start3A_666 = tpu.memref_slice %arg8[%add3A_664] : memref<1048576xf32, #tpu.memory_space<vmem_shared>> -> memref<8192xf32, #tpu.memory_space<vmem_shared>>
    tpu.enqueue_dma source(%arg16 : memref<8192xf32, #tpu.memory_space<vmem>>) target(%dma_start3A_666 : memref<8192xf32, #tpu.memory_space<vmem_shared>>) target_semaphore(%arg17 : memref<!tpu.dma_semaphore, #tpu.memory_space<semaphore_mem>>)
    %mul3A_667 = arith.constant 65536 : i32
    %mul3A_668 = arith.muli %arg1, %mul3A_667 : i32
    %add3A_669 = arith.constant 57344 : i32
    %add3A_670 = arith.addi %mul3A_668, %add3A_669 : i32
    %dma_start3A_671 = tpu.memref_slice %arg8[%add3A_670] : memref<1048576xf32, #tpu.memory_space<vmem_shared>> -> memref<8192xf32, #tpu.memory_space<vmem_shared>>
    %dma_start3A_672 = tpu.memref_slice %arg8[%add3A_670] : memref<1048576xf32, #tpu.memory_space<vmem_shared>> -> memref<8192xf32, #tpu.memory_space<vmem_shared>>
    tpu.enqueue_dma source(%arg16 : memref<8192xf32, #tpu.memory_space<vmem>>) target(%dma_start3A_672 : memref<8192xf32, #tpu.memory_space<vmem_shared>>) target_semaphore(%arg17 : memref<!tpu.dma_semaphore, #tpu.memory_space<semaphore_mem>>)
    %dma_wait3A_673 = tpu.memref_slice %arg8[%add3A_628] : memref<1048576xf32, #tpu.memory_space<vmem_shared>> -> memref<8192xf32, #tpu.memory_space<vmem_shared>>
    %dma_wait3A_674 = tpu.memref_slice %arg8[%add3A_628] : memref<1048576xf32, #tpu.memory_space<vmem_shared>> -> memref<8192xf32, #tpu.memory_space<vmem_shared>>
    tpu.wait_dma2 semaphore(%arg17 : memref<!tpu.dma_semaphore, #tpu.memory_space<semaphore_mem>>) src(%arg16 : memref<8192xf32, #tpu.memory_space<vmem>>) dst(%dma_wait3A_674 : memref<8192xf32, #tpu.memory_space<vmem_shared>>)
    %dma_wait3A_675 = tpu.memref_slice %arg8[%add3A_634] : memref<1048576xf32, #tpu.memory_space<vmem_shared>> -> memref<8192xf32, #tpu.memory_space<vmem_shared>>
    %dma_wait3A_676 = tpu.memref_slice %arg8[%add3A_634] : memref<1048576xf32, #tpu.memory_space<vmem_shared>> -> memref<8192xf32, #tpu.memory_space<vmem_shared>>
    tpu.wait_dma2 semaphore(%arg17 : memref<!tpu.dma_semaphore, #tpu.memory_space<semaphore_mem>>) src(%arg16 : memref<8192xf32, #tpu.memory_space<vmem>>) dst(%dma_wait3A_676 : memref<8192xf32, #tpu.memory_space<vmem_shared>>)
    %dma_wait3A_677 = tpu.memref_slice %arg8[%add3A_640] : memref<1048576xf32, #tpu.memory_space<vmem_shared>> -> memref<8192xf32, #tpu.memory_space<vmem_shared>>
    %dma_wait3A_678 = tpu.memref_slice %arg8[%add3A_640] : memref<1048576xf32, #tpu.memory_space<vmem_shared>> -> memref<8192xf32, #tpu.memory_space<vmem_shared>>
    tpu.wait_dma2 semaphore(%arg17 : memref<!tpu.dma_semaphore, #tpu.memory_space<semaphore_mem>>) src(%arg16 : memref<8192xf32, #tpu.memory_space<vmem>>) dst(%dma_wait3A_678 : memref<8192xf32, #tpu.memory_space<vmem_shared>>)
    %dma_wait3A_679 = tpu.memref_slice %arg8[%add3A_646] : memref<1048576xf32, #tpu.memory_space<vmem_shared>> -> memref<8192xf32, #tpu.memory_space<vmem_shared>>
    %dma_wait3A_680 = tpu.memref_slice %arg8[%add3A_646] : memref<1048576xf32, #tpu.memory_space<vmem_shared>> -> memref<8192xf32, #tpu.memory_space<vmem_shared>>
    tpu.wait_dma2 semaphore(%arg17 : memref<!tpu.dma_semaphore, #tpu.memory_space<semaphore_mem>>) src(%arg16 : memref<8192xf32, #tpu.memory_space<vmem>>) dst(%dma_wait3A_680 : memref<8192xf32, #tpu.memory_space<vmem_shared>>)
    %dma_wait3A_681 = tpu.memref_slice %arg8[%add3A_652] : memref<1048576xf32, #tpu.memory_space<vmem_shared>> -> memref<8192xf32, #tpu.memory_space<vmem_shared>>
    %dma_wait3A_682 = tpu.memref_slice %arg8[%add3A_652] : memref<1048576xf32, #tpu.memory_space<vmem_shared>> -> memref<8192xf32, #tpu.memory_space<vmem_shared>>
    tpu.wait_dma2 semaphore(%arg17 : memref<!tpu.dma_semaphore, #tpu.memory_space<semaphore_mem>>) src(%arg16 : memref<8192xf32, #tpu.memory_space<vmem>>) dst(%dma_wait3A_682 : memref<8192xf32, #tpu.memory_space<vmem_shared>>)
    %dma_wait3A_683 = tpu.memref_slice %arg8[%add3A_658] : memref<1048576xf32, #tpu.memory_space<vmem_shared>> -> memref<8192xf32, #tpu.memory_space<vmem_shared>>
    %dma_wait3A_684 = tpu.memref_slice %arg8[%add3A_658] : memref<1048576xf32, #tpu.memory_space<vmem_shared>> -> memref<8192xf32, #tpu.memory_space<vmem_shared>>
    tpu.wait_dma2 semaphore(%arg17 : memref<!tpu.dma_semaphore, #tpu.memory_space<semaphore_mem>>) src(%arg16 : memref<8192xf32, #tpu.memory_space<vmem>>) dst(%dma_wait3A_684 : memref<8192xf32, #tpu.memory_space<vmem_shared>>)
    %dma_wait3A_685 = tpu.memref_slice %arg8[%add3A_664] : memref<1048576xf32, #tpu.memory_space<vmem_shared>> -> memref<8192xf32, #tpu.memory_space<vmem_shared>>
    %dma_wait3A_686 = tpu.memref_slice %arg8[%add3A_664] : memref<1048576xf32, #tpu.memory_space<vmem_shared>> -> memref<8192xf32, #tpu.memory_space<vmem_shared>>
    tpu.wait_dma2 semaphore(%arg17 : memref<!tpu.dma_semaphore, #tpu.memory_space<semaphore_mem>>) src(%arg16 : memref<8192xf32, #tpu.memory_space<vmem>>) dst(%dma_wait3A_686 : memref<8192xf32, #tpu.memory_space<vmem_shared>>)
    %dma_wait3A_687 = tpu.memref_slice %arg8[%add3A_670] : memref<1048576xf32, #tpu.memory_space<vmem_shared>> -> memref<8192xf32, #tpu.memory_space<vmem_shared>>
    %dma_wait3A_688 = tpu.memref_slice %arg8[%add3A_670] : memref<1048576xf32, #tpu.memory_space<vmem_shared>> -> memref<8192xf32, #tpu.memory_space<vmem_shared>>
    tpu.wait_dma2 semaphore(%arg17 : memref<!tpu.dma_semaphore, #tpu.memory_space<semaphore_mem>>) src(%arg16 : memref<8192xf32, #tpu.memory_space<vmem>>) dst(%dma_wait3A_688 : memref<8192xf32, #tpu.memory_space<vmem_shared>>)
    %barrier3A_689 = arith.constant 0 : index
    tpu.barrier barrier_id(%barrier3A_689)
    "tpu.region"() ({
      %run_scoped3A = tpu.sem_alloc : memref<!tpu.dma_semaphore, #tpu.memory_space<semaphore_mem>>
      %dma_start3A_701 = arith.constant 0 : i32
      %dma_start3A_702 = tpu.memref_slice %arg8[%dma_start3A_701] : memref<1048576xf32, #tpu.memory_space<vmem_shared>> -> memref<1048576xf32, #tpu.memory_space<vmem_shared>>
      %dma_start3A_703 = arith.constant -1 : i32
      tpu.enqueue_indirect_dma source(%arg14 : memref<8192xf32, #tpu.memory_space<vmem>>) target(%dma_start3A_702 : memref<1048576xf32, #tpu.memory_space<vmem_shared>>) offsets(%arg11 : memref<8192xi32, #tpu.memory_space<vmem>>) offset_filter(%dma_start3A_703) semaphore(%run_scoped3A : memref<!tpu.dma_semaphore, #tpu.memory_space<semaphore_mem>>)
      %dma_wait3A_704 = arith.constant 0 : i32
      %dma_wait3A_705 = tpu.memref_slice %arg8[%dma_wait3A_704] : memref<1048576xf32, #tpu.memory_space<vmem_shared>> -> memref<1048576xf32, #tpu.memory_space<vmem_shared>>
      tpu.wait_indirect_dma semaphore(%run_scoped3A : memref<!tpu.dma_semaphore, #tpu.memory_space<semaphore_mem>>) src(%arg14 : memref<8192xf32, #tpu.memory_space<vmem>>) dst(%dma_wait3A_705 : memref<1048576xf32, #tpu.memory_space<vmem_shared>>)
      tpu.yield
    }) : () -> ()
    %barrier3A_690 = arith.constant 0 : index
    tpu.barrier barrier_id(%barrier3A_690)
    "tpu.region"() ({
      %run_scoped3A = tpu.sem_alloc : memref<!tpu.dma_semaphore, #tpu.memory_space<semaphore_mem>>
      %dma_start3A_701 = arith.constant 0 : i32
      %dma_start3A_702 = tpu.memref_slice %arg8[%dma_start3A_701] : memref<1048576xf32, #tpu.memory_space<vmem_shared>> -> memref<1048576xf32, #tpu.memory_space<vmem_shared>>
      %dma_start3A_703 = arith.constant -1 : i32
      tpu.enqueue_indirect_dma source(%arg15 : memref<8192xf32, #tpu.memory_space<vmem>>) target(%dma_start3A_702 : memref<1048576xf32, #tpu.memory_space<vmem_shared>>) offsets(%arg11 : memref<8192xi32, #tpu.memory_space<vmem>>) offset_filter(%dma_start3A_703) semaphore(%run_scoped3A : memref<!tpu.dma_semaphore, #tpu.memory_space<semaphore_mem>>) {add = true}
      %dma_wait3A_704 = arith.constant 0 : i32
      %dma_wait3A_705 = tpu.memref_slice %arg8[%dma_wait3A_704] : memref<1048576xf32, #tpu.memory_space<vmem_shared>> -> memref<1048576xf32, #tpu.memory_space<vmem_shared>>
      tpu.wait_indirect_dma semaphore(%run_scoped3A : memref<!tpu.dma_semaphore, #tpu.memory_space<semaphore_mem>>) src(%arg15 : memref<8192xf32, #tpu.memory_space<vmem>>) dst(%dma_wait3A_705 : memref<1048576xf32, #tpu.memory_space<vmem_shared>>)
      tpu.yield
    }) : () -> ()
    %barrier3A_691 = arith.constant 0 : index
    tpu.barrier barrier_id(%barrier3A_691)
    %mul3A_692 = arith.constant 65536 : i32
    %mul3A_693 = arith.muli %arg1, %mul3A_692 : i32
    %mul3A_694 = arith.constant 65536 : i32
    %mul3A_695 = arith.muli %arg1, %mul3A_694 : i32
    %add3A_696 = arith.addi %mul3A_617, %mul3A_695 : i32
    %dma_start3A_697 = tpu.memref_slice %arg7[%add3A_696] : memref<16777216xf32, #tpu.memory_space<hbm>> -> memref<65536xf32, #tpu.memory_space<hbm>>
    %dma_start3A_698 = tpu.memref_slice %arg8[%mul3A_693] : memref<1048576xf32, #tpu.memory_space<vmem_shared>> -> memref<65536xf32, #tpu.memory_space<vmem_shared>>
    tpu.enqueue_dma source(%dma_start3A_698 : memref<65536xf32, #tpu.memory_space<vmem_shared>>) target(%dma_start3A_697 : memref<65536xf32, #tpu.memory_space<hbm>>) target_semaphore(%arg18 : memref<!tpu.dma_semaphore, #tpu.memory_space<semaphore_mem>>)
    %dma_wait3A_699 = tpu.memref_slice %arg7[%add3A_696] : memref<16777216xf32, #tpu.memory_space<hbm>> -> memref<65536xf32, #tpu.memory_space<hbm>>
    %dma_wait3A_700 = tpu.memref_slice %arg8[%mul3A_693] : memref<1048576xf32, #tpu.memory_space<vmem_shared>> -> memref<65536xf32, #tpu.memory_space<vmem_shared>>
    tpu.wait_dma2 semaphore(%arg18 : memref<!tpu.dma_semaphore, #tpu.memory_space<semaphore_mem>>) src(%dma_wait3A_700 : memref<65536xf32, #tpu.memory_space<vmem_shared>>) dst(%dma_wait3A_699 : memref<65536xf32, #tpu.memory_space<hbm>>)
    return
  }
}

module attributes {stable_mosaic.version = 14 : i64} {
  func.func @_tc_prep(%arg0: i32, %arg1: memref<4096x256xf32, #tpu.memory_space<vmem>>, %arg2: memref<512x1xf32, #tpu.memory_space<vmem>>, %arg3: memref<1x1xf32, #tpu.memory_space<vmem>>, %arg4: memref<8192x16xf32, #tpu.memory_space<vmem>>, %arg5: memref<4096x1xf32, #tpu.memory_space<vmem>>, %arg6: memref<4096x1xf32, #tpu.memory_space<vmem>>, %arg7: memref<1x1x8192xf32, #tpu.memory_space<vmem>>) attributes {dimension_semantics = [#tpu.dimension_semantics<arbitrary>], iteration_bounds = array<i64: 16>, scalar_prefetch = 0 : i64, scratch_operands = 0 : i64, tpu.core_type = #tpu.core_type<tc>, window_params = [{pipeline_mode = #tpu.pipeline_mode<synchronous>, transform_indices = @transform_0, window_bounds = array<i64: 4096, 256>}, {pipeline_mode = #tpu.pipeline_mode<synchronous>, transform_indices = @transform_1, window_bounds = array<i64: 512, 1>}, {pipeline_mode = #tpu.pipeline_mode<synchronous>, transform_indices = @transform_2, window_bounds = array<i64: 1, 1>}, {transform_indices = @transform_3, window_bounds = array<i64: 8192, 16>}, {pipeline_mode = #tpu.pipeline_mode<synchronous>, transform_indices = @transform_4, window_bounds = array<i64: 4096, 1>}, {pipeline_mode = #tpu.pipeline_mode<synchronous>, transform_indices = @transform_5, window_bounds = array<i64: 4096, 1>}, {transform_indices = @transform_6, window_bounds = array<i64: 1, 1, 8192>}]} {
    %eq3A = arith.constant 0 : i32
    %eq3A_0 = arith.cmpi eq, %arg0, %eq3A : i32
    %convert_element_type3A = arith.extui %eq3A_0 : i1 to i32
    %cond3A = arith.constant 0 : i32
    %cond3A_1 = arith.cmpi ne, %convert_element_type3A, %cond3A : i32
    scf.if %cond3A_1 {
      %get3A_9 = arith.constant 0 : index
      %get3A_10 = arith.constant 0 : index
      %get3A_11 = vector.load %arg1[%get3A_9, %get3A_10] : memref<4096x256xf32, #tpu.memory_space<vmem>>, vector<4096x256xf32>
      %get3A_12 = arith.constant 0 : index
      %get3A_13 = arith.constant 0 : index
      %get3A_14 = vector.load %arg2[%get3A_12, %get3A_13] : memref<512x1xf32, #tpu.memory_space<vmem>>, vector<512x1xf32>
      %slice3A = vector.extract_strided_slice %get3A_14 {offsets = [0, 0], sizes = [256, 1], strides = [1, 1]} : vector<512x1xf32> to vector<256x1xf32>
      %dot_general3A_15 = arith.constant dense<0.000000e+00> : vector<4096x1xf32>
      %dot_general3A_16 = tpu.matmul %get3A_11, %slice3A, %dot_general3A_15 {dimension_numbers = #tpu.dot_dimension_numbers<[1], [0], [0], [1], [0, 0, 1, 1], [], []>, transpose_lhs_hint = false} : vector<4096x256xf32>, vector<256x1xf32>, vector<4096x1xf32> -> vector<4096x1xf32>
      %get3A_17 = arith.constant 0 : index
      %get3A_18 = arith.constant 0 : index
      %get3A_19 = vector.load %arg3[%get3A_17, %get3A_18] : memref<1x1xf32, #tpu.memory_space<vmem>>, vector<1x1xf32>
      %add3A = vector.broadcast %get3A_19 : vector<1x1xf32> to vector<4096x1xf32>
      %add3A_20 = arith.addf %dot_general3A_16, %add3A : vector<4096x1xf32>
      %swap3A_21 = arith.constant 0 : index
      %swap3A_22 = arith.constant 0 : index
      %swap3A_23 = vector.load %arg5[%swap3A_21, %swap3A_22] : memref<4096x1xf32, #tpu.memory_space<vmem>>, vector<4096x1xf32>
      tpu.vector_store %arg5[%swap3A_21, %swap3A_22], %add3A_20 {strides = array<i32>} : memref<4096x1xf32, #tpu.memory_space<vmem>>, vector<4096x1xf32>,
      %slice3A_24 = vector.extract_strided_slice %get3A_14 {offsets = [256, 0], sizes = [256, 1], strides = [1, 1]} : vector<512x1xf32> to vector<256x1xf32>
      %dot_general3A_25 = arith.constant dense<0.000000e+00> : vector<4096x1xf32>
      %dot_general3A_26 = tpu.matmul %get3A_11, %slice3A_24, %dot_general3A_25 {dimension_numbers = #tpu.dot_dimension_numbers<[1], [0], [0], [1], [0, 0, 1, 1], [], []>, transpose_lhs_hint = false} : vector<4096x256xf32>, vector<256x1xf32>, vector<4096x1xf32> -> vector<4096x1xf32>
      %swap3A_27 = arith.constant 0 : index
      %swap3A_28 = arith.constant 0 : index
      %swap3A_29 = vector.load %arg6[%swap3A_27, %swap3A_28] : memref<4096x1xf32, #tpu.memory_space<vmem>>, vector<4096x1xf32>
      tpu.vector_store %arg6[%swap3A_27, %swap3A_28], %dot_general3A_26 {strides = array<i32>} : memref<4096x1xf32, #tpu.memory_space<vmem>>, vector<4096x1xf32>,
    } else {
    }
    %broadcast_in_dim3A = arith.constant 1.000000e+00 : f32
    %broadcast_in_dim3A_2 = vector.broadcast %broadcast_in_dim3A : f32 to vector<1x16xf32>
    %get3A = arith.constant 0 : index
    %get3A_3 = arith.constant 0 : index
    %get3A_4 = vector.load %arg4[%get3A, %get3A_3] : memref<8192x16xf32, #tpu.memory_space<vmem>>, vector<8192x16xf32>
    %dot_general3A = arith.constant dense<0.000000e+00> : vector<1x8192xf32>
    %dot_general3A_5 = tpu.matmul %broadcast_in_dim3A_2, %get3A_4, %dot_general3A {dimension_numbers = #tpu.dot_dimension_numbers<[1], [1], [0], [0], [0, 0, 1, 0], [], []>, transpose_lhs_hint = false} : vector<1x16xf32>, vector<8192x16xf32>, vector<1x8192xf32> -> vector<1x8192xf32>
    %reshape3A = vector.shape_cast %dot_general3A_5 : vector<1x8192xf32> to vector<1x1x8192xf32>
    %swap3A = arith.constant 0 : index
    %swap3A_6 = arith.constant 0 : index
    %swap3A_7 = arith.constant 0 : index
    %swap3A_8 = vector.load %arg7[%swap3A, %swap3A_6, %swap3A_7] : memref<1x1x8192xf32, #tpu.memory_space<vmem>>, vector<1x1x8192xf32>
    tpu.vector_store %arg7[%swap3A, %swap3A_6, %swap3A_7], %reshape3A {strides = array<i32>} : memref<1x1x8192xf32, #tpu.memory_space<vmem>>, vector<1x1x8192xf32>,
    return
  }
  func.func @transform_0(%arg0: i32) -> (i32, i32) {
    %c0_i32 = arith.constant 0 : i32
    %c0_i32_0 = arith.constant 0 : i32
    %c0_i32_1 = arith.constant 0 : i32
    return %c0_i32, %c0_i32_0 : i32, i32
  }
  func.func @transform_1(%arg0: i32) -> (i32, i32) {
    %c0_i32 = arith.constant 0 : i32
    %c0_i32_0 = arith.constant 0 : i32
    %c0_i32_1 = arith.constant 0 : i32
    return %c0_i32, %c0_i32_0 : i32, i32
  }
  func.func @transform_2(%arg0: i32) -> (i32, i32) {
    %c0_i32 = arith.constant 0 : i32
    %c0_i32_0 = arith.constant 0 : i32
    %c0_i32_1 = arith.constant 0 : i32
    return %c0_i32, %c0_i32_0 : i32, i32
  }
  func.func @transform_3(%arg0: i32) -> (i32, i32) {
    %c0_i32 = arith.constant 0 : i32
    %c0_i32_0 = arith.constant 0 : i32
    return %arg0, %c0_i32 : i32, i32
  }
  func.func @transform_4(%arg0: i32) -> (i32, i32) {
    %c0_i32 = arith.constant 0 : i32
    %c0_i32_0 = arith.constant 0 : i32
    %c0_i32_1 = arith.constant 0 : i32
    return %c0_i32, %c0_i32_0 : i32, i32
  }
  func.func @transform_5(%arg0: i32) -> (i32, i32) {
    %c0_i32 = arith.constant 0 : i32
    %c0_i32_0 = arith.constant 0 : i32
    %c0_i32_1 = arith.constant 0 : i32
    return %c0_i32, %c0_i32_0 : i32, i32
  }
  func.func @transform_6(%arg0: i32) -> (i32, i32, i32) {
    %c0_i32 = arith.constant 0 : i32
    %c0_i32_0 = arith.constant 0 : i32
    %c0_i32_1 = arith.constant 0 : i32
    return %arg0, %c0_i32, %c0_i32_0 : i32, i32, i32
  }
}

</mosaic_0001>

<sc_bundles>
// kernel: kernel.4.cloned.1.call-start
scs
__scs_entry_jumppad:
0x0: {  	(pc) =	sbr.rel $0x88, $3  }
0x1: {  	(tag) =	ssettag $0x0;
	lr =	simm.s32 $0x1  }
0x2: {  	[smem:$0x3F9C] =	sst lr;
	_ =	strace $0xD0000000  }
0x3: {  	_ = 	snop  }
0x4: {  	_ = 	snop  }
0x5: {  	_ = 	snop  }
0x6: {  	_ = 	snop  }
0x7: {  	_ = 	snop  }
__scs_overlays_trampoline_lowered:
0x8: {  	[smem:$0x3FAB] =	sst s0  }
0x9: {  	[smem:$0x3FAC] =	sst s1  }
0xa: {  	[smem:$0x3FAD] =	sst s2  }
0xb: {  	[smem:$0x3FAE] =	sst s3  }
0xc: {  	[smem:$0x3FAF] =	sst s4  }
0xd: {  	[smem:$0x3FB0] =	sst s5  }
0xe: {  	[smem:$0x3FB1] =	sst s6  }
0xf: {  	[smem:$0x3FB2] =	sst s7  }
0x10: {  	[smem:$0x3FB3] =	sst s8  }
0x11: {  	[smem:$0x3FB4] =	sst s9;
	s0 =	simm.s32 @!p0 $0x0  }
0x12: {  	s1 =	sld [smem:$0x3F9A];
	s0 =	simm.s32 @p0 $0x1  }
0x13: {  	[smem:$0x3FB5] =	sst s0;
	s0 =	simm.s32 @!p1 $0x0  }
0x14: {  	s2 =	sld [smem:$0x3F99];
	s0 =	simm.s32 @p1 $0x1  }
0x15: {  	[smem:$0x3FB6] =	sst s0;
	s0 =	simm.s32 @!p2 $0x0  }
0x16: {  	s3 =	sld [smem:$0x3FDB];
	s0 =	simm.s32 @p2 $0x1  }
0x17: {  	s4 =	simm.s32 $0x1BF5;
	[smem:$0x3FB8] =	sst s0  }
0x18: {  	s0 =	sld [smem:$0x3F9B];
	_ =	swait.ge [sflag:s4], $0x0  }
0x19: {  	s7 =	sld [smem:$0x3F9C]  }
0x1a: {  	s8 =	sadd.s32 $0xFFFFE003, lr  }
0x1b: {  	s9 =	sadd.s32 $0xFFFFFEF7, lr;
	s5 =	simm.s32 $0xFFFFFFFF;
	p2 =	slt.u32 s8, $0xFFFFF086  }
0x1c: {  	p1 =	slt.u32 s9, $0xF7A;
	s5 =	simm.s32 @!p2 $0x0  }
0x1d: {  	s5 =	simm.s32 @p1 $0x1;
	p0 =	seq.s32 s7, s2  }
0x1e: {  	s7 =	smul.u32 @!p0 $0xF7A, s2;
	p2 =	seq.s32 @!p0 s5, $0x0  }
0x1f: {  	s9 =	smul.u32 $0xF7A, s1;
	s8 =	simm.s32 @!p0 $0x1BF5;
	p2 =	por !p2, p0  }
0x20: {  	[sflag:s8] =	ssyncset.s32 @!p0 $0xFFFFF086;
	s6 =	sadd.s32 @!p0 s3, s7;
	s7 =	simm.s32 @!p0 $0x108  }
0x21: {  	s3 =	sadd.s32 s3, s9;
	s6 =	sadd.s32 @!p0 $0x88, s6;
	s7 =	simm.s32 @p2 $0x1082  }
0x22: {  	[simem:s7], [sflag:s8] =	dma.local @!p0 [hbm:s6], $0xF7A  }
0x23: {  	s9 =	sor.u32 $0xD0000000, s2;
	s6 =	simm.s32 $0x108;
	_ =	swait.ge @!p0 [sflag:s8], $0x0  }
0x24: {  	s3 =	sadd.s32 $0x88, s3;
	s6 =	simm.s32 @!p1 $0x1082;
	[sflag:s4] =	ssyncset.s32 $0xFFFFF086  }
0x25: {  	[simem:s6], [sflag:s4] =	dma.local [hbm:s3], $0xF7A  }
0x26: {  	[smem:$0x3F9C] =	sst s1;
	(tag) =	ssettag s2;
	_ =	strace s9  }
0x27: {  	s1 =	sld [smem:$0x3FAC]  }
0x28: {  	s2 =	sld [smem:$0x3FAD]  }
0x29: {  	s4 =	sld [smem:$0x3FAF]  }
0x2a: {  	p0 =	seq.s32 s5, $0x0;
	s5 =	sld [smem:$0x3FB0]  }
0x2b: {  	s6 =	sld [smem:$0x3FB1]  }
0x2c: {  	s7 =	sld [smem:$0x3FB2]  }
0x2d: {  	s3 =	simm.s32 $0x108;
	s8 =	sld [smem:$0x3FB3]  }
0x2e: {  	s3 =	simm.s32 @!p0 $0x1082;
	s9 =	sld [smem:$0x3FB4]  }
0x2f: {  	lr =	sadd.s32 s0, s3;
	s0 =	sld [smem:$0x3FAB]  }
0x30: {  	s3 =	sld [smem:$0x3FAE]  }
0x31: {  	[smem:$0x3FB7] =	sst s10  }
0x32: {  	s10 =	sld [smem:$0x3FB5];
	_ =	sdelay $0x3  }
0x33: {  	p0 =	seq.s32 s10, $0x1;
	s10 =	sld [smem:$0x3FB7];
	_ =	sdelay $0x3  }
0x34: {  	[smem:$0x3FB7] =	sst s10  }
0x35: {  	s10 =	sld [smem:$0x3FB6];
	_ =	sdelay $0x3  }
0x36: {  	p1 =	seq.s32 s10, $0x1;
	s10 =	sld [smem:$0x3FB7];
	_ =	sdelay $0x3  }
0x37: {  	[smem:$0x3FB7] =	sst s10  }
0x38: {  	s10 =	sld [smem:$0x3FB8]  }
0x39: {  	_ = 	snop;
	(pc) =	sbr.ind lr, $3  }
0x3a: {  	_ = 	snop  }
0x3b: {  	_ = 	snop  }
0x3c: {  	p2 =	seq.s32 s10, $0x1;
	s10 =	sld [smem:$0x3FB7]  }
0x3d: {  	_ =	shalt  }
0x3e: {  	_ =	shalt  }
0x3f: {  	_ =	shalt  }
0x40: {  	_ =	shalt  }
0x41: {  	_ =	shalt  }
0x42: {  	_ =	shalt  }
0x43: {  	_ =	shalt  }
0x44: {  	_ =	shalt  }
0x45: {  	_ =	shalt  }
0x46: {  	_ =	shalt  }
0x47: {  	_ =	shalt  }
0x48: {  	_ =	shalt  }
0x49: {  	_ =	shalt  }
0x4a: {  	_ =	shalt  }
0x4b: {  	_ =	shalt  }
0x4c: {  	_ =	shalt  }
0x4d: {  	_ =	shalt  }
0x4e: {  	_ =	shalt  }
0x4f: {  	_ =	shalt  }
0x50: {  	_ =	shalt  }
0x51: {  	_ =	shalt  }
0x52: {  	_ =	shalt  }
0x53: {  	_ =	shalt  }
0x54: {  	_ =	shalt  }
0x55: {  	_ =	shalt  }
0x56: {  	_ =	shalt  }
0x57: {  	_ =	shalt  }
0x58: {  	_ =	shalt  }
0x59: {  	_ =	shalt  }
0x5a: {  	_ =	shalt  }
0x5b: {  	_ =	shalt  }
0x5c: {  	_ =	shalt  }
0x5d: {  	_ =	shalt  }
0x5e: {  	_ =	shalt  }
0x5f: {  	_ =	shalt  }
0x60: {  	_ =	shalt  }
0x61: {  	_ =	shalt  }
0x62: {  	_ =	shalt  }
0x63: {  	_ =	shalt  }
0x64: {  	_ =	shalt  }
0x65: {  	_ =	shalt  }
0x66: {  	_ =	shalt  }
0x67: {  	_ =	shalt  }
0x68: {  	_ =	shalt  }
0x69: {  	_ =	shalt  }
0x6a: {  	_ =	shalt  }
0x6b: {  	_ =	shalt  }
0x6c: {  	_ =	shalt  }
0x6d: {  	_ =	shalt  }
0x6e: {  	_ =	shalt  }
0x6f: {  	_ =	shalt  }
0x70: {  	_ =	shalt  }
0x71: {  	_ =	shalt  }
0x72: {  	_ =	shalt  }
0x73: {  	_ =	shalt  }
0x74: {  	_ =	shalt  }
0x75: {  	_ =	shalt  }
0x76: {  	_ =	shalt  }
0x77: {  	_ =	shalt  }
0x78: {  	_ =	shalt  }
0x79: {  	_ =	shalt  }
0x7a: {  	_ =	shalt  }
0x7b: {  	_ =	shalt  }
0x7c: {  	_ =	shalt  }
0x7d: {  	_ =	shalt  }
0x7e: {  	_ =	shalt  }
0x7f: {  	_ =	shalt  }
0x80: {  	_ =	shalt  }
0x81: {  	_ =	shalt  }
0x82: {  	_ =	shalt  }
0x83: {  	_ =	shalt  }
0x84: {  	_ =	shalt  }
0x85: {  	_ =	shalt  }
0x86: {  	_ =	shalt  }
0x87: {  	_ =	shalt  }
.Lfunc_end0:
.L_simem_size_0:
called_computation_lowered:
.L_overlay_start_0:
0x88: {  	s2 =	sld [smem:$0x3FD9]  }
0x89: {  	s3 =	sld [smem:$0x3FFE];
	_ =	sdelay $0x1  }
0x8a: {  	s1 =	srdreg.scid  }
0x8b: {  	s0 =	sand.u32 $0x1, s1  }
0x8c: {  	s17 =	sshll.u32 s0, $0xA;
	s2 =	sadd.s32 s3, s2  }
0x8d: {  	s2 =	sadd.s32 s2, s17  }
0x8e: {  	[smem:$0x3FC3] =	sst s2  }
0x8f: {  	_ = 	snop  }
0x90: {  	s2 =	sld [smem:$0x3FD0];
	(tm) =	ssettm $0x1  }
0x91: {  	s18 =	sld [smem:$0x3FFB];
	_ =	sdelay $0x3  }
0x92: {  	_ =	strace s18  }
0x93: {  	s3 =	sld [smem:$0x3FFC];
	_ =	sdelay $0x3  }
0x94: {  	_ =	strace s3  }
0x95: {  	s3 =	sld [smem:$0x3FFD];
	_ =	sdelay $0x3  }
0x96: {  	_ =	strace s3  }
0x97: {  	_ =	strace $0x8FFFFFFF  }
0x98: {  	s19 =	sld [smem:$0x3FDB];
	_ =	sdelay $0x1  }
0x99: {  	s4 =	simm.s32 $_scs_section_size  }
0x9a: {  	s5 =	simm.s32 $_size__tile_overlayer_lowered;
	s6 =	simm.s32 $_tile_overlayer_lowered  }
0x9b: {  	s22 =	simm.s32 $0x1BFF;
	s21 =	sshll.u32 s6, $0x1;
	s3 =	sadd.s32 s4, s19  }
0x9c: {  	s7 =	simm.s32 $0x0;
	s20 =	sshll.u32 s5, $0x1;
	s5 =	sadd.s32 s21, s3  }
0x9d: {  	[timem:s7], [sflag:s22] =	dma.local [hbm:s5], s20  }
0x9e: {  	_ =	swait.ge [sflag:s22], s20  }
0x9f: {  	s4 =	ssub.s32 $0x0, s20;
	[sflag:s22] =	ssyncset.done $0x0  }
0xa0: {  	[sflag:s22] =	ssyncadd.s32 s4;
	_ =	sdelay $0x1  }
0xa1: {  	s23 =	simm.s32 $0x1B8B  }
0xa2: {  	_ =	swait.ge [sflag:s23], $0x1  }
0xa3: {  	[sflag:s23] =	ssyncset.done $0x0  }
0xa4: {  	s25 =	simm.s32 $0x1B8E;
	s24 =	sld [smem:$0x3FFE];
	[sflag:s23] =	ssyncadd.s32 $0xFFFFFFFF  }
0xa5: {  	s26 =	simm.s32 $execute0_lowered;
	[smem:$0x3FD2] =	sst s25  }
0xa6: {  	s5 =	sshll.u32 s26, $0x1;
	_ =	strace $0x80000046;
	[dreg:$0x1] =	wrdreg $0xFFFFFFFF  }
0xa7: {  	s28 =	simm.s32 $_size_execute0_lowered;
	s3 =	sadd.s32 s3, s5;
	[dreg:$0x0] =	wrdreg $0x0  }
0xa8: {  	s5 =	sshll.u32 s28, $0x1;
	[dreg:$0x2] =	wrdreg s3  }
0xa9: {  	[dreg:$0x3] =	wrdreg s5  }
0xaa: {  	[dreg:$0x4] =	wrdreg $0xC0  }
0xab: {  	_ =	task [dreg:s7], $0x5FFFF  }
0xac: {  	[dreg:$0x1] =	wrdreg $0xFFFFFFFF  }
0xad: {  	[dreg:$0x0] =	wrdreg $0x60  }
0xae: {  	[dreg:$0x2] =	wrdreg s24  }
0xaf: {  	[dreg:$0x3] =	wrdreg s2  }
0xb0: {  	[dreg:$0x4] =	wrdreg $0x0  }
0xb1: {  	[dreg:$0x5] =	wrdreg $0x9  }
0xb2: {  	_ =	task.clear_ibuf [dreg:s7], $0x6FFFF;
	_ =	strace $0x90000046  }
0xb3: {  	s29 =	simm.s32 $0x9;
	_ =	strace $0x80000048  }
0xb4: {  	_ =	swait.ge [sflag:s29], $0x1  }
0xb5: {  	[sflag:s29] =	ssyncadd.s32 $0xFFFFFFFF  }
0xb6: {  	_ =	strace $0x90000048  }
0xb7: {  	_ =	sfence  }
0xb8: {  	s30 =	sld [smem:$0x0];
	_ =	sdelay $0x2  }
0xb9: {  	s31 =	sshll.u32 s1, $0xD;
	s1 =	sshrl.u32 s1, $0x2  }
0xba: {  	s3 =	sand.u32 $0x4000, s31;
	s1 =	sadd.s32 s1, s30  }
0xbb: {  	s0 =	sor.u32 s3, s0;
	s1 =	sshll.u32 s1, $0x11  }
0xbc: {  	s0 =	sor.u32 s1, s0  }
0xbd: {  	s0 =	sadd.s32 $0x8F2B, s0  }
0xbe: {  	[sflag:s0] =	ssyncadd.remote.s32 $0x1  }
0xbf: {  	_ =	sfence.sel $0xFFFF  }
0xc0: {  	[dreg:$0x0] =	wrdreg $0xFFFFFFFF;
	(pc) =	sbr.abs _section_cstart, $3  }
0xc1: {  	[dreg:$0x1] =	wrdreg $0xFFFFFFFF  }
0xc2: {  	_ =	task.clear_ibuf [dreg:s7], $0x2FFFF;
	_ =	strace $0x9FFFFFFF  }
0xc3: {  	(tm) =	ssettm $0x7FFFFFFF  }
tec
execute0_lowered:
.L_overlay_start_1:
0x0: {  	(tag) =	ssettag $0x1  }
0x1: {  	s0 =	rddreg [dreg:$0x0]  }
0x2: {  	s2 =	rddreg [dreg:$0x1]  }
0x3: {  	s1 =	rddreg [dreg:$0x2];
	s4 =	simm.s32 $0x0;
	s3 =	srdreg.scid  }
0x4: {  	s28 =	simm.s32 $0x3;
	s29 =	simm.s32 $0x11000;
	s30 =	simm.s32 $0x80  }
0x5: {  	[smem:$0x7FF] =	sst s4;
	s3 =	sand.u32 $0x1, s3;
	s9 =	sadd.s32 $0x4000, s0  }
0x6: {  	s5 =	sadd.s32 $0x4200, s0;
	_ =	strace $0x80000047;
	[dreg:$0x4] =	wrdreg s9  }
0x7: {  	s31 =	simm.s32 $0x400;
	s10 =	ssub.s32 $0x2, s3;
	[dreg:$0x5] =	wrdreg s5  }
0x8: {  	s9 =	stileid.u32;
	s8 =	sshll.u32 s3, $0x3;
	s13 =	sshll.u32 s3, $0x17  }
0x9: {  	s11 =	sshrl.u32 s10, $0x1;
	s6 =	sshll.u32 s9, $0xA;
	s7 =	sshll.u32 s9, $0x4  }
0xa: {  	s9 =	sshll.u32 s9, $0x10;
	s12 =	sor.u32 s7, s6;
	s7 =	sor.u32 $0x1, s8  }
0xb: {  	s4 =	ssub.s32 s10, s11;
	s11 =	sor.u32 s9, s13;
	s10 =	sshll.u32 s7, $0x14  }
0xc: {  	s5 =	sand.u32 $0x2070, s12;
	s14 =	sshrl.u32 s11, $0x3;
	s11 =	sor.u32 $0x4, s8  }
0xd: {  	v1 =	vmov s7;
	s7 =	simm.s32 $0x18000;
	s10 =	sor.u32 s9, s10;
	s6 =	sadd.s32 s0, s5  }
0xe: {  	s0 =	sadd.s32 s2, s14;
	s13 =	sshll.u32 s11, $0x14;
	s14 =	sshllo.u32 s3, $0x3  }
0xf: {  	s15 =	sshrl.u32 s10, $0x3;
	[dreg:$0x6] =	wrdreg s0;
	s0 =	sor.u32 $0x2, s8  }
0x10: {  	s10 =	sor.u32 $0x3, s8;
	s13 =	sor.u32 s9, s13;
	s26 =	sadd.s32 $0x4400, s6  }
0x11: {  	s16 =	sadd.s32 s2, s15;
	s17 =	sshll.u32 s0, $0x14;
	s12 =	sshll.u32 s10, $0x14  }
0x12: {  	s19 =	sshrl.u32 s13, $0x3;
	s13 =	sor.u32 $0x6, s8;
	s15 =	sshll.u32 s14, $0x14  }
0x13: {  	[dreg:$0xe] =	wrdreg s26;
	s26 =	simm.s32 $0x10000;
	v2 =	vmov s0;
	s0 =	simm.s32 $0x12000  }
0x14: {  	[dreg:$0x7] =	wrdreg s16;
	s5 =	sor.u32 s9, s17;
	s12 =	sor.u32 s9, s12  }
0x15: {  	s20 =	sadd.s32 s2, s19;
	s23 =	sshll.u32 s13, $0x14;
	s15 =	sor.u32 s9, s15  }
0x16: {  	s16 =	sadd.s32 s9, s1;
	s17 =	smax.u32 s4, $0x1;
	s4 =	simm.s32 $0x1  }
0x17: {  	s5 =	sshrl.u32 s5, $0x3;
	s18 =	sshrl.u32 s12, $0x3;
	[dreg:$0xa] =	wrdreg s20  }
0x18: {  	s12 =	sor.u32 s9, s23;
	s25 =	sshrl.u32 s15, $0x3;
	s5 =	sadd.s32 s2, s5  }
0x19: {  	s19 =	sadd.s32 $0x2000, s16;
	[dreg:$0x8] =	wrdreg s5;
	s5 =	sadd.s32 s2, s18  }
0x1a: {  	s20 =	sadd.s32 $0x4000, s16;
	[dreg:$0x9] =	wrdreg s5;
	s5 =	sor.u32 $0x5, s8  }
0x1b: {  	s23 =	sadd.s32 $0xA000, s16;
	s24 =	sshrl.u32 s12, $0x3;
	s21 =	sshll.u32 s5, $0x14  }
0x1c: {  	v0 =	vmov s8;
	s18 =	sadd.s32 $0x8400, s6;
	s8 =	simm.s32 $0x2;
	s22 =	sor.u32 s9, s21  }
0x1d: {  	v5 =	vmov s5;
	s5 =	simm.s32 $0x2000;
	s21 =	sadd.s32 $0x6000, s16;
	s3 =	sshrl.u32 s22, $0x3  }
0x1e: {  	s9 =	simm.s32 $0x0;
	s22 =	sadd.s32 $0x8000, s16;
	s3 =	sadd.s32 s2, s3  }
0x1f: {  	[dreg:$0xb] =	wrdreg s3;
	s3 =	sadd.s32 s2, s24;
	s2 =	sadd.s32 s2, s25  }
0x20: {  	v8 =	vimm.f32 $0.0e+00;
	v4 =	vmov s11;
	s24 =	sadd.s32 $0xC000, s16;
	s25 =	sadd.s32 $0xE000, s16;
	[dreg:$0xc] =	wrdreg s3  }
0x21: {  	v7 =	vmov s14;
	v3 =	vmov s10;
	v6 =	vmov s13;
	[dreg:$0xd] =	wrdreg s2;
	s3 =	simm.s32 $0x1A000;
	s2 =	simm.s32 $0x1C000  }
.LBB2_1:
0x22: {  	s10 =	simm.s32 $0x0;
	s11 =	rddreg [dreg:$0x4]  }
0x23: {  	[tilespmem:s26], [sflag:$0x3] =	stream.linear.gather [hbm4b:s11+s10], $0x1000, $0x38;
	[tilespmem:$0x1E000] =	vst v63  }
0x24: {  	_ =	swait.ge [sflag:s28], $0x1000  }
0x25: {  	[sflag:s28] =	ssyncset.done $0x0  }
0x26: {  	s13 =	rddreg [dreg:$0x5];
	[sflag:s28] =	ssyncadd.s32 $0xFFFFF000  }
0x27: {  	[tilespmem:s29], [sflag:$0x3] =	stream.linear.gather [hbm4b:s13+s10], $0x1000, $0x38;
	[tilespmem:$0x1E000] =	vst v63  }
0x28: {  	_ =	swait.ge [sflag:s28], $0x1000  }
0x29: {  	[sflag:s28] =	ssyncset.done $0x0  }
0x2a: {  	s14 =	rddreg [dreg:$0xe];
	[sflag:s28] =	ssyncadd.s32 $0xFFFFF000  }
0x2b: {  	[tilespmem:s0], [sflag:$0x3] =	stream.strided.gather [hbm4b:s14+s30], $0x2000, s31, s30, $0x38;
	[tilespmem:$0x1E000] =	vst v63  }
0x2c: {  	_ =	swait.ge [sflag:s28], $0x2000  }
0x2d: {  	[sflag:s28] =	ssyncset.done $0x0  }
0x2e: {  	s15 =	simm.s32 $0x14000;
	[sflag:s28] =	ssyncadd.s32 $0xFFFFE000  }
0x2f: {  	[tilespmem:s15], [sflag:$0x3] =	stream.strided.gather [hbm4b:s18+s30], $0x2000, s31, s30, $0x38;
	[tilespmem:$0x1E000] =	vst v63  }
0x30: {  	_ =	swait.ge [sflag:s28], $0x2000  }
0x31: {  	[sflag:s28] =	ssyncset.done $0x0  }
0x32: {  	[sflag:s28] =	ssyncadd.s32 $0xFFFFE000  }
0x33: {  	[tilespmem:s3], [sflag:$0x3] =	stream.strided.gather [hbm4b:s6+s30], $0x2000, s31, s30, $0x38;
	[tilespmem:$0x1E000] =	vst v63  }
0x34: {  	_ =	swait.ge [sflag:s28], $0x2000  }
0x35: {  	[sflag:s28] =	ssyncset.done $0x0  }
0x36: {  	s11 =	simm.s32 $0x0;
	s10 =	simm.s32 $0x40;
	[sflag:s28] =	ssyncadd.s32 $0xFFFFE000  }
.LBB2_2:
0x37: {  	p0 =	sne.s32 s10, $0x7FC0;
	[tilespmem:s11+$0x1C000] =	vst v8;
	s11 =	smov.u32 s10;
	s10 =	sadd.s32 $0x40, s10  }
.Ltmp0:
0x38: {  	(pc) =	sbr.rel @p0 .LBB2_2-.Ltmp0, $2  }
0x39: {  	_ =	sdelay $0x2  }
0x3a: {  	s11 =	sshra.s32 s11, $0x2  }
0x3b: {  	[tilespmem:s11+$0x1C000] =	vst v8;
	s10 =	simm.s32 $0x0  }
0x3c: {  	v11 =	vld [tilespmem:s10+$0x12000]  }
0x3d: {  	v12 =	vld [tilespmem:s10+$0x14000];
	_ =	sdelay $0x3  }
0x3e: {  	v9 =	vshll.u32 v11, $0xC  }
0x3f: {  	v9 =	vadd.s32 v12, v9  }
0x40: {  	s12 =	simm.s32 $0x10;
	[tilespmem:s10+$0x16000] =	vst v9  }
0x41: {  	v9 =	vld [tilespmem:s12+$0x12000]  }
0x42: {  	v10 =	vld [tilespmem:s12+$0x14000];
	_ =	sdelay $0x3  }
0x43: {  	v13 =	vshll.u32 v9, $0xC  }
0x44: {  	v11 =	vld.idx.msk [tilespmem:v11+s26+$0x0], $0xffff;
	v13 =	vadd.s32 v10, v13  }
0x45: {  	s11 =	simm.s32 $0x40;
	s14 =	simm.s32 $0x80;
	s13 =	simm.s32 $0x0;
	v12 =	vld.idx.msk [tilespmem:v12+s29+$0x0], $0xffff;
	[tilespmem:s12+$0x16000] =	vst v13  }
.LBB2_4:
0x46: {  	p0 =	sne.s32 s14, $0x7FC0  }
0x47: {  	s15 =	sshra.s32 s14, $0x2  }
0x48: {  	v13 =	vld [tilespmem:s15+$0x12000]  }
0x49: {  	v14 =	vld [tilespmem:s15+$0x14000]  }
0x4a: {  	v11 =	vadd.f32 v12, v11  }
.Ltmp1:
0x4b: {  	(pc) =	sbr.rel @p0 .LBB2_4-.Ltmp1, $4  }
0x4c: {  	[tilespmem:s13+$0x18000] =	vst v11;
	s13 =	smov.u32 s12;
	s12 =	smov.u32 s15  }
0x4d: {  	v12 =	vshll.u32 v13, $0xC;
	v11 =	vld.idx.msk [tilespmem:v9+s26+$0x0], $0xffff;
	v9 =	vmov v13  }
0x4e: {  	v13 =	vadd.s32 v14, v12;
	v12 =	vld.idx.msk [tilespmem:v10+s29+$0x0], $0xffff;
	v10 =	vmov v14  }
0x4f: {  	s14 =	sadd.s32 $0x40, s14;
	[tilespmem:s12+$0x16000] =	vst v13  }
0x50: {  	_ =	sdelay $0x2  }
0x51: {  	v11 =	vadd.f32 v12, v11;
	_ =	sdelay $0x1  }
0x52: {  	[tilespmem:s13+$0x18000] =	vst v11  }
0x53: {  	v9 =	vld.idx.msk [tilespmem:v9+s26+$0x0], $0xffff  }
0x54: {  	v10 =	vld.idx.msk [tilespmem:v10+s29+$0x0], $0xffff;
	_ =	sdelay $0x4  }
0x55: {  	v9 =	vadd.f32 v10, v9;
	_ =	sdelay $0x1  }
0x56: {  	[tilespmem:s12+$0x18000] =	vst v9  }
0x57: {  	v9 =	vld [tilespmem:s10+$0x16000]  }
.LBB2_6:
0x58: {  	s12 =	sshra.s32 s11, $0x2;
	p0 =	sne.s32 s11, $0x7FC0;
	s11 =	sadd.s32 $0x40, s11;
	v10 =	vshll.u32 v9, $0x3;
	v11 =	vmov v9  }
.Ltmp2:
0x59: {  	v9 =	vld [tilespmem:s12+$0x16000];
	v10 =	vand.u32 $0x7C00, v10;
	v12 =	vshrl.u32 v11, $0x5;
	v13 =	vand.u32 $0xF807F, v11;
	(pc) =	sbr.rel @p0 .LBB2_6-.Ltmp2, $4  }
0x5a: {  	v11 =	vshra.s32 v11, $0x14;
	v12 =	vand.u32 $0x380, v12;
	v10 =	vor.u32 v10, v13  }
0x5b: {  	vm0 =	veq.s32 v11, v0;
	v10 =	vor.u32 v12, v10  }
0x5c: {  	v10 =	vnsel vm0, $0xFFFFFFFF, v10  }
0x5d: {  	[tilespmem:s10+$0x12000] =	vst v10;
	s10 =	smov.u32 s12  }
0x5e: {  	v10 =	vshll.u32 v9, $0x3  }
0x5f: {  	v11 =	vshrl.u32 v9, $0x5;
	v12 =	vand.u32 $0xF807F, v9;
	v10 =	vand.u32 $0x7C00, v10  }
0x60: {  	v9 =	vshra.s32 v9, $0x14;
	v11 =	vand.u32 $0x380, v11;
	v10 =	vor.u32 v10, v12  }
0x61: {  	vm0 =	veq.s32 v9, v0;
	v9 =	vor.u32 v11, v10  }
0x62: {  	v9 =	vnsel vm0, $0xFFFFFFFF, v9  }
0x63: {  	[tilespmem:s10+$0x12000] =	vst v9  }
0x64: {  	[spmem:s16] =	stream.linear.scatter [tilespmem:s2], [sflag:$0x1], $0x2000, $0x38;
	[tilespmem:$0x1E000] =	vst v63  }
0x65: {  	_ = 	snop  }
0x66: {  	[spmem:s19] =	stream.linear.scatter [tilespmem:s2], [sflag:$0x1], $0x2000, $0x38;
	[tilespmem:$0x1E000] =	vst v63  }
0x67: {  	_ = 	snop  }
0x68: {  	[spmem:s20] =	stream.linear.scatter [tilespmem:s2], [sflag:$0x1], $0x2000, $0x38;
	[tilespmem:$0x1E000] =	vst v63  }
0x69: {  	_ = 	snop  }
0x6a: {  	[spmem:s21] =	stream.linear.scatter [tilespmem:s2], [sflag:$0x1], $0x2000, $0x38;
	[tilespmem:$0x1E000] =	vst v63  }
0x6b: {  	_ = 	snop  }
0x6c: {  	[spmem:s22] =	stream.linear.scatter [tilespmem:s2], [sflag:$0x1], $0x2000, $0x38;
	[tilespmem:$0x1E000] =	vst v63  }
0x6d: {  	_ = 	snop  }
0x6e: {  	[spmem:s23] =	stream.linear.scatter [tilespmem:s2], [sflag:$0x1], $0x2000, $0x38;
	[tilespmem:$0x1E000] =	vst v63  }
0x6f: {  	_ = 	snop  }
0x70: {  	[spmem:s24] =	stream.linear.scatter [tilespmem:s2], [sflag:$0x1], $0x2000, $0x38;
	[tilespmem:$0x1E000] =	vst v63  }
0x71: {  	_ = 	snop  }
0x72: {  	[spmem:s25] =	stream.linear.scatter [tilespmem:s2], [sflag:$0x1], $0x2000, $0x38;
	[tilespmem:$0x1E000] =	vst v63  }
0x73: {  	_ =	swait.ge [sflag:s4], $0x2000  }
0x74: {  	[sflag:s4] =	ssyncset.done $0x0  }
0x75: {  	[sflag:s4] =	ssyncadd.s32 $0xFFFFE000  }
0x76: {  	_ =	swait.ge [sflag:s4], $0x2000  }
0x77: {  	[sflag:s4] =	ssyncset.done $0x0  }
0x78: {  	[sflag:s4] =	ssyncadd.s32 $0xFFFFE000  }
0x79: {  	_ =	swait.ge [sflag:s4], $0x2000  }
0x7a: {  	[sflag:s4] =	ssyncset.done $0x0  }
0x7b: {  	[sflag:s4] =	ssyncadd.s32 $0xFFFFE000  }
0x7c: {  	_ =	swait.ge [sflag:s4], $0x2000  }
0x7d: {  	[sflag:s4] =	ssyncset.done $0x0  }
0x7e: {  	[sflag:s4] =	ssyncadd.s32 $0xFFFFE000  }
0x7f: {  	_ =	swait.ge [sflag:s4], $0x2000  }
0x80: {  	[sflag:s4] =	ssyncset.done $0x0  }
0x81: {  	[sflag:s4] =	ssyncadd.s32 $0xFFFFE000  }
0x82: {  	_ =	swait.ge [sflag:s4], $0x2000  }
0x83: {  	[sflag:s4] =	ssyncset.done $0x0  }
0x84: {  	[sflag:s4] =	ssyncadd.s32 $0xFFFFE000  }
0x85: {  	_ =	swait.ge [sflag:s4], $0x2000  }
0x86: {  	[sflag:s4] =	ssyncset.done $0x0  }
0x87: {  	[sflag:s4] =	ssyncadd.s32 $0xFFFFE000  }
0x88: {  	_ =	swait.ge [sflag:s4], $0x2000  }
0x89: {  	[sflag:s4] =	ssyncset.done $0x0  }
0x8a: {  	[sflag:s4] =	ssyncadd.s32 $0xFFFFE000  }
0x8b: {  	[bflag:$0x0] =	sbarrier.arrive $0xFFFF  }
0x8c: {  	(ifvalue) =	ssetifvalue $0xFFFFFFFF  }
0x8d: {  	(ifvalue) =	ssetifvalue $0xFFFFFFFF  }
0x8e: {  	[spmem:s1] =	stream.indirect.scatter [tilespmem:s7], [sflag:$0x3], $0x1, s0, s5, $0x40b8;
	[tilespmem:$0x1E000] =	vst v63  }
0x8f: {  	_ =	swait.ge [sflag:s28], $0x2000  }
0x90: {  	[sflag:s28] =	ssyncset.done $0x0  }
0x91: {  	[sflag:s28] =	ssyncadd.s32 $0xFFFFE000  }
0x92: {  	[bflag:$0x0] =	sbarrier.arrive $0xFFFF  }
0x93: {  	(ifvalue) =	ssetifvalue $0xFFFFFFFF  }
0x94: {  	[spmem:s1] =	stream.indirect.scatter.add.f32 [tilespmem:s3], [sflag:$0x3], $0x1, s0, s5, $0x40b8;
	[tilespmem:$0x1E000] =	vst v63  }
0x95: {  	_ =	swait.ge [sflag:s28], $0x2000  }
0x96: {  	[sflag:s28] =	ssyncset.done $0x0  }
0x97: {  	s15 =	stileid.u32;
	[sflag:s28] =	ssyncadd.s32 $0xFFFFE000  }
0x98: {  	s10 =	sshll.u32 s15, $0x6;
	[bflag:$0x0] =	sbarrier.arrive $0xFFFF  }
0x99: {  	s11 =	sshrl.u32 s16, $0x3;
	s10 =	sor.u32 $0x1C02, s10;
	s12 =	rddreg [dreg:$0x6]  }
0x9a: {  	[hbm:s12], [sflag:s10] =	dma.local [spmem:s11], $0x2000  }
0x9b: {  	s12 =	simm.s32 $0x0  }
0x9c: {  	v9 =	vld [tilespmem:s12+$0x16000];
	_ =	sdelay $0x3  }
0x9d: {  	s13 =	simm.s32 $0x40  }
.LBB2_8:
0x9e: {  	s14 =	sshra.s32 s13, $0x2;
	p0 =	sne.s32 s13, $0x7FC0;
	s13 =	sadd.s32 $0x40, s13;
	v10 =	vshll.u32 v9, $0x3;
	v11 =	vmov v9  }
.Ltmp3:
0x9f: {  	v9 =	vld [tilespmem:s14+$0x16000];
	v10 =	vand.u32 $0x7C00, v10;
	v12 =	vshrl.u32 v11, $0x5;
	v13 =	vand.u32 $0xF807F, v11;
	(pc) =	sbr.rel @p0 .LBB2_8-.Ltmp3, $4  }
0xa0: {  	v11 =	vshra.s32 v11, $0x14;
	v12 =	vand.u32 $0x380, v12;
	v10 =	vor.u32 v10, v13  }
0xa1: {  	vm0 =	veq.s32 v11, v1;
	v10 =	vor.u32 v12, v10  }
0xa2: {  	v10 =	vnsel vm0, $0xFFFFFFFF, v10  }
0xa3: {  	[tilespmem:s12+$0x12000] =	vst v10;
	s12 =	smov.u32 s14  }
0xa4: {  	v10 =	vshll.u32 v9, $0x3  }
0xa5: {  	v11 =	vshrl.u32 v9, $0x5;
	v12 =	vand.u32 $0xF807F, v9;
	v10 =	vand.u32 $0x7C00, v10  }
0xa6: {  	v9 =	vshra.s32 v9, $0x14;
	v11 =	vand.u32 $0x380, v11;
	v10 =	vor.u32 v10, v12  }
0xa7: {  	vm0 =	veq.s32 v9, v1;
	v9 =	vor.u32 v11, v10  }
0xa8: {  	v9 =	vnsel vm0, $0xFFFFFFFF, v9  }
0xa9: {  	[tilespmem:s12+$0x12000] =	vst v9  }
0xaa: {  	_ =	swait.ge [sflag:s8], $0x2000  }
0xab: {  	[sflag:s8] =	ssyncset.done $0x0  }
0xac: {  	[sflag:s8] =	ssyncadd.s32 $0xFFFFE000  }
0xad: {  	[spmem:s16] =	stream.linear.scatter [tilespmem:s2], [sflag:$0x1], $0x2000, $0x38;
	[tilespmem:$0x1E000] =	vst v63  }
0xae: {  	_ = 	snop  }
0xaf: {  	[spmem:s19] =	stream.linear.scatter [tilespmem:s2], [sflag:$0x1], $0x2000, $0x38;
	[tilespmem:$0x1E000] =	vst v63  }
0xb0: {  	_ = 	snop  }
0xb1: {  	[spmem:s20] =	stream.linear.scatter [tilespmem:s2], [sflag:$0x1], $0x2000, $0x38;
	[tilespmem:$0x1E000] =	vst v63  }
0xb2: {  	_ = 	snop  }
0xb3: {  	[spmem:s21] =	stream.linear.scatter [tilespmem:s2], [sflag:$0x1], $0x2000, $0x38;
	[tilespmem:$0x1E000] =	vst v63  }
0xb4: {  	_ = 	snop  }
0xb5: {  	[spmem:s22] =	stream.linear.scatter [tilespmem:s2], [sflag:$0x1], $0x2000, $0x38;
	[tilespmem:$0x1E000] =	vst v63  }
0xb6: {  	_ = 	snop  }
0xb7: {  	[spmem:s23] =	stream.linear.scatter [tilespmem:s2], [sflag:$0x1], $0x2000, $0x38;
	[tilespmem:$0x1E000] =	vst v63  }
0xb8: {  	_ = 	snop  }
0xb9: {  	[spmem:s24] =	stream.linear.scatter [tilespmem:s2], [sflag:$0x1], $0x2000, $0x38;
	[tilespmem:$0x1E000] =	vst v63  }
0xba: {  	_ = 	snop  }
0xbb: {  	[spmem:s25] =	stream.linear.scatter [tilespmem:s2], [sflag:$0x1], $0x2000, $0x38;
	[tilespmem:$0x1E000] =	vst v63  }
0xbc: {  	_ =	swait.ge [sflag:s4], $0x2000  }
0xbd: {  	[sflag:s4] =	ssyncset.done $0x0  }
0xbe: {  	[sflag:s4] =	ssyncadd.s32 $0xFFFFE000  }
0xbf: {  	_ =	swait.ge [sflag:s4], $0x2000  }
0xc0: {  	[sflag:s4] =	ssyncset.done $0x0  }
0xc1: {  	[sflag:s4] =	ssyncadd.s32 $0xFFFFE000  }
0xc2: {  	_ =	swait.ge [sflag:s4], $0x2000  }
0xc3: {  	[sflag:s4] =	ssyncset.done $0x0  }
0xc4: {  	[sflag:s4] =	ssyncadd.s32 $0xFFFFE000  }
0xc5: {  	_ =	swait.ge [sflag:s4], $0x2000  }
0xc6: {  	[sflag:s4] =	ssyncset.done $0x0  }
0xc7: {  	[sflag:s4] =	ssyncadd.s32 $0xFFFFE000  }
0xc8: {  	_ =	swait.ge [sflag:s4], $0x2000  }
0xc9: {  	[sflag:s4] =	ssyncset.done $0x0  }
0xca: {  	[sflag:s4] =	ssyncadd.s32 $0xFFFFE000  }
0xcb: {  	_ =	swait.ge [sflag:s4], $0x2000  }
0xcc: {  	[sflag:s4] =	ssyncset.done $0x0  }
0xcd: {  	[sflag:s4] =	ssyncadd.s32 $0xFFFFE000  }
0xce: {  	_ =	swait.ge [sflag:s4], $0x2000  }
0xcf: {  	[sflag:s4] =	ssyncset.done $0x0  }
0xd0: {  	[sflag:s4] =	ssyncadd.s32 $0xFFFFE000  }
0xd1: {  	_ =	swait.ge [sflag:s4], $0x2000  }
0xd2: {  	[sflag:s4] =	ssyncset.done $0x0  }
0xd3: {  	[sflag:s4] =	ssyncadd.s32 $0xFFFFE000  }
0xd4: {  	[bflag:$0x0] =	sbarrier.arrive $0xFFFF  }
0xd5: {  	(ifvalue) =	ssetifvalue $0xFFFFFFFF  }
0xd6: {  	(ifvalue) =	ssetifvalue $0xFFFFFFFF  }
0xd7: {  	[spmem:s1] =	stream.indirect.scatter [tilespmem:s7], [sflag:$0x3], $0x1, s0, s5, $0x40b8;
	[tilespmem:$0x1E000] =	vst v63  }
0xd8: {  	_ =	swait.ge [sflag:s28], $0x2000  }
0xd9: {  	[sflag:s28] =	ssyncset.done $0x0  }
0xda: {  	[sflag:s28] =	ssyncadd.s32 $0xFFFFE000  }
0xdb: {  	[bflag:$0x0] =	sbarrier.arrive $0xFFFF  }
0xdc: {  	(ifvalue) =	ssetifvalue $0xFFFFFFFF  }
0xdd: {  	[spmem:s1] =	stream.indirect.scatter.add.f32 [tilespmem:s3], [sflag:$0x3], $0x1, s0, s5, $0x40b8;
	[tilespmem:$0x1E000] =	vst v63  }
0xde: {  	_ =	swait.ge [sflag:s28], $0x2000  }
0xdf: {  	[sflag:s28] =	ssyncset.done $0x0  }
0xe0: {  	[sflag:s28] =	ssyncadd.s32 $0xFFFFE000  }
0xe1: {  	[bflag:$0x0] =	sbarrier.arrive $0xFFFF  }
0xe2: {  	s12 =	simm.s32 $0x0;
	s15 =	rddreg [dreg:$0x7]  }
0xe3: {  	[hbm:s15], [sflag:s10] =	dma.local [spmem:s11], $0x2000  }
0xe4: {  	v9 =	vld [tilespmem:s12+$0x16000];
	_ =	sdelay $0x3  }
0xe5: {  	s13 =	simm.s32 $0x40  }
.LBB2_10:
0xe6: {  	s14 =	sshra.s32 s13, $0x2;
	p0 =	sne.s32 s13, $0x7FC0;
	s13 =	sadd.s32 $0x40, s13;
	v10 =	vshll.u32 v9, $0x3;
	v11 =	vmov v9  }
.Ltmp4:
0xe7: {  	v9 =	vld [tilespmem:s14+$0x16000];
	v10 =	vand.u32 $0x7C00, v10;
	v12 =	vshrl.u32 v11, $0x5;
	v13 =	vand.u32 $0xF807F, v11;
	(pc) =	sbr.rel @p0 .LBB2_10-.Ltmp4, $4  }
0xe8: {  	v11 =	vshra.s32 v11, $0x14;
	v12 =	vand.u32 $0x380, v12;
	v10 =	vor.u32 v10, v13  }
0xe9: {  	vm0 =	veq.s32 v11, v2;
	v10 =	vor.u32 v12, v10  }
0xea: {  	v10 =	vnsel vm0, $0xFFFFFFFF, v10  }
0xeb: {  	[tilespmem:s12+$0x12000] =	vst v10;
	s12 =	smov.u32 s14  }
0xec: {  	v10 =	vshll.u32 v9, $0x3  }
0xed: {  	v11 =	vshrl.u32 v9, $0x5;
	v12 =	vand.u32 $0xF807F, v9;
	v10 =	vand.u32 $0x7C00, v10  }
0xee: {  	v9 =	vshra.s32 v9, $0x14;
	v11 =	vand.u32 $0x380, v11;
	v10 =	vor.u32 v10, v12  }
0xef: {  	vm0 =	veq.s32 v9, v2;
	v9 =	vor.u32 v11, v10  }
0xf0: {  	v9 =	vnsel vm0, $0xFFFFFFFF, v9  }
0xf1: {  	[tilespmem:s12+$0x12000] =	vst v9  }
0xf2: {  	_ =	swait.ge [sflag:s8], $0x2000  }
0xf3: {  	[sflag:s8] =	ssyncset.done $0x0  }
0xf4: {  	[sflag:s8] =	ssyncadd.s32 $0xFFFFE000  }
0xf5: {  	[spmem:s16] =	stream.linear.scatter [tilespmem:s2], [sflag:$0x1], $0x2000, $0x38;
	[tilespmem:$0x1E000] =	vst v63  }
0xf6: {  	_ = 	snop  }
0xf7: {  	[spmem:s19] =	stream.linear.scatter [tilespmem:s2], [sflag:$0x1], $0x2000, $0x38;
	[tilespmem:$0x1E000] =	vst v63  }
0xf8: {  	_ = 	snop  }
0xf9: {  	[spmem:s20] =	stream.linear.scatter [tilespmem:s2], [sflag:$0x1], $0x2000, $0x38;
	[tilespmem:$0x1E000] =	vst v63  }
0xfa: {  	_ = 	snop  }
0xfb: {  	[spmem:s21] =	stream.linear.scatter [tilespmem:s2], [sflag:$0x1], $0x2000, $0x38;
	[tilespmem:$0x1E000] =	vst v63  }
0xfc: {  	_ = 	snop  }
0xfd: {  	[spmem:s22] =	stream.linear.scatter [tilespmem:s2], [sflag:$0x1], $0x2000, $0x38;
	[tilespmem:$0x1E000] =	vst v63  }
0xfe: {  	_ = 	snop  }
0xff: {  	[spmem:s23] =	stream.linear.scatter [tilespmem:s2], [sflag:$0x1], $0x2000, $0x38;
	[tilespmem:$0x1E000] =	vst v63  }
0x100: {  	_ = 	snop  }
0x101: {  	[spmem:s24] =	stream.linear.scatter [tilespmem:s2], [sflag:$0x1], $0x2000, $0x38;
	[tilespmem:$0x1E000] =	vst v63  }
0x102: {  	_ = 	snop  }
0x103: {  	[spmem:s25] =	stream.linear.scatter [tilespmem:s2], [sflag:$0x1], $0x2000, $0x38;
	[tilespmem:$0x1E000] =	vst v63  }
0x104: {  	_ =	swait.ge [sflag:s4], $0x2000  }
0x105: {  	[sflag:s4] =	ssyncset.done $0x0  }
0x106: {  	[sflag:s4] =	ssyncadd.s32 $0xFFFFE000  }
0x107: {  	_ =	swait.ge [sflag:s4], $0x2000  }
0x108: {  	[sflag:s4] =	ssyncset.done $0x0  }
0x109: {  	[sflag:s4] =	ssyncadd.s32 $0xFFFFE000  }
0x10a: {  	_ =	swait.ge [sflag:s4], $0x2000  }
0x10b: {  	[sflag:s4] =	ssyncset.done $0x0  }
0x10c: {  	[sflag:s4] =	ssyncadd.s32 $0xFFFFE000  }
0x10d: {  	_ =	swait.ge [sflag:s4], $0x2000  }
0x10e: {  	[sflag:s4] =	ssyncset.done $0x0  }
0x10f: {  	[sflag:s4] =	ssyncadd.s32 $0xFFFFE000  }
0x110: {  	_ =	swait.ge [sflag:s4], $0x2000  }
0x111: {  	[sflag:s4] =	ssyncset.done $0x0  }
0x112: {  	[sflag:s4] =	ssyncadd.s32 $0xFFFFE000  }
0x113: {  	_ =	swait.ge [sflag:s4], $0x2000  }
0x114: {  	[sflag:s4] =	ssyncset.done $0x0  }
0x115: {  	[sflag:s4] =	ssyncadd.s32 $0xFFFFE000  }
0x116: {  	_ =	swait.ge [sflag:s4], $0x2000  }
0x117: {  	[sflag:s4] =	ssyncset.done $0x0  }
0x118: {  	[sflag:s4] =	ssyncadd.s32 $0xFFFFE000  }
0x119: {  	_ =	swait.ge [sflag:s4], $0x2000  }
0x11a: {  	[sflag:s4] =	ssyncset.done $0x0  }
0x11b: {  	[sflag:s4] =	ssyncadd.s32 $0xFFFFE000  }
0x11c: {  	[bflag:$0x0] =	sbarrier.arrive $0xFFFF  }
0x11d: {  	(ifvalue) =	ssetifvalue $0xFFFFFFFF  }
0x11e: {  	(ifvalue) =	ssetifvalue $0xFFFFFFFF  }
0x11f: {  	[spmem:s1] =	stream.indirect.scatter [tilespmem:s7], [sflag:$0x3], $0x1, s0, s5, $0x40b8;
	[tilespmem:$0x1E000] =	vst v63  }
0x120: {  	_ =	swait.ge [sflag:s28], $0x2000  }
0x121: {  	[sflag:s28] =	ssyncset.done $0x0  }
0x122: {  	[sflag:s28] =	ssyncadd.s32 $0xFFFFE000  }
0x123: {  	[bflag:$0x0] =	sbarrier.arrive $0xFFFF  }
0x124: {  	(ifvalue) =	ssetifvalue $0xFFFFFFFF  }
0x125: {  	[spmem:s1] =	stream.indirect.scatter.add.f32 [tilespmem:s3], [sflag:$0x3], $0x1, s0, s5, $0x40b8;
	[tilespmem:$0x1E000] =	vst v63  }
0x126: {  	_ =	swait.ge [sflag:s28], $0x2000  }
0x127: {  	[sflag:s28] =	ssyncset.done $0x0  }
0x128: {  	[sflag:s28] =	ssyncadd.s32 $0xFFFFE000  }
0x129: {  	[bflag:$0x0] =	sbarrier.arrive $0xFFFF  }
0x12a: {  	s12 =	simm.s32 $0x0;
	s15 =	rddreg [dreg:$0x8]  }
0x12b: {  	[hbm:s15], [sflag:s10] =	dma.local [spmem:s11], $0x2000  }
0x12c: {  	v9 =	vld [tilespmem:s12+$0x16000];
	_ =	sdelay $0x3  }
0x12d: {  	s13 =	simm.s32 $0x40  }
.LBB2_12:
0x12e: {  	s14 =	sshra.s32 s13, $0x2;
	p0 =	sne.s32 s13, $0x7FC0;
	s13 =	sadd.s32 $0x40, s13;
	v10 =	vshll.u32 v9, $0x3;
	v11 =	vmov v9  }
.Ltmp5:
0x12f: {  	v9 =	vld [tilespmem:s14+$0x16000];
	v10 =	vand.u32 $0x7C00, v10;
	v12 =	vshrl.u32 v11, $0x5;
	v13 =	vand.u32 $0xF807F, v11;
	(pc) =	sbr.rel @p0 .LBB2_12-.Ltmp5, $4  }
0x130: {  	v11 =	vshra.s32 v11, $0x14;
	v12 =	vand.u32 $0x380, v12;
	v10 =	vor.u32 v10, v13  }
0x131: {  	vm0 =	veq.s32 v11, v3;
	v10 =	vor.u32 v12, v10  }
0x132: {  	v10 =	vnsel vm0, $0xFFFFFFFF, v10  }
0x133: {  	[tilespmem:s12+$0x12000] =	vst v10;
	s12 =	smov.u32 s14  }
0x134: {  	v10 =	vshll.u32 v9, $0x3  }
0x135: {  	v11 =	vshrl.u32 v9, $0x5;
	v12 =	vand.u32 $0xF807F, v9;
	v10 =	vand.u32 $0x7C00, v10  }
0x136: {  	v9 =	vshra.s32 v9, $0x14;
	v11 =	vand.u32 $0x380, v11;
	v10 =	vor.u32 v10, v12  }
0x137: {  	vm0 =	veq.s32 v9, v3;
	v9 =	vor.u32 v11, v10  }
0x138: {  	v9 =	vnsel vm0, $0xFFFFFFFF, v9  }
0x139: {  	[tilespmem:s12+$0x12000] =	vst v9  }
0x13a: {  	_ =	swait.ge [sflag:s8], $0x2000  }
0x13b: {  	[sflag:s8] =	ssyncset.done $0x0  }
0x13c: {  	[sflag:s8] =	ssyncadd.s32 $0xFFFFE000  }
0x13d: {  	[spmem:s16] =	stream.linear.scatter [tilespmem:s2], [sflag:$0x1], $0x2000, $0x38;
	[tilespmem:$0x1E000] =	vst v63  }
0x13e: {  	_ = 	snop  }
0x13f: {  	[spmem:s19] =	stream.linear.scatter [tilespmem:s2], [sflag:$0x1], $0x2000, $0x38;
	[tilespmem:$0x1E000] =	vst v63  }
0x140: {  	_ = 	snop  }
0x141: {  	[spmem:s20] =	stream.linear.scatter [tilespmem:s2], [sflag:$0x1], $0x2000, $0x38;
	[tilespmem:$0x1E000] =	vst v63  }
0x142: {  	_ = 	snop  }
0x143: {  	[spmem:s21] =	stream.linear.scatter [tilespmem:s2], [sflag:$0x1], $0x2000, $0x38;
	[tilespmem:$0x1E000] =	vst v63  }
0x144: {  	_ = 	snop  }
0x145: {  	[spmem:s22] =	stream.linear.scatter [tilespmem:s2], [sflag:$0x1], $0x2000, $0x38;
	[tilespmem:$0x1E000] =	vst v63  }
0x146: {  	_ = 	snop  }
0x147: {  	[spmem:s23] =	stream.linear.scatter [tilespmem:s2], [sflag:$0x1], $0x2000, $0x38;
	[tilespmem:$0x1E000] =	vst v63  }
0x148: {  	_ = 	snop  }
0x149: {  	[spmem:s24] =	stream.linear.scatter [tilespmem:s2], [sflag:$0x1], $0x2000, $0x38;
	[tilespmem:$0x1E000] =	vst v63  }
0x14a: {  	_ = 	snop  }
0x14b: {  	[spmem:s25] =	stream.linear.scatter [tilespmem:s2], [sflag:$0x1], $0x2000, $0x38;
	[tilespmem:$0x1E000] =	vst v63  }
0x14c: {  	_ =	swait.ge [sflag:s4], $0x2000  }
0x14d: {  	[sflag:s4] =	ssyncset.done $0x0  }
0x14e: {  	[sflag:s4] =	ssyncadd.s32 $0xFFFFE000  }
0x14f: {  	_ =	swait.ge [sflag:s4], $0x2000  }
0x150: {  	[sflag:s4] =	ssyncset.done $0x0  }
0x151: {  	[sflag:s4] =	ssyncadd.s32 $0xFFFFE000  }
0x152: {  	_ =	swait.ge [sflag:s4], $0x2000  }
0x153: {  	[sflag:s4] =	ssyncset.done $0x0  }
0x154: {  	[sflag:s4] =	ssyncadd.s32 $0xFFFFE000  }
0x155: {  	_ =	swait.ge [sflag:s4], $0x2000  }
0x156: {  	[sflag:s4] =	ssyncset.done $0x0  }
0x157: {  	[sflag:s4] =	ssyncadd.s32 $0xFFFFE000  }
0x158: {  	_ =	swait.ge [sflag:s4], $0x2000  }
0x159: {  	[sflag:s4] =	ssyncset.done $0x0  }
0x15a: {  	[sflag:s4] =	ssyncadd.s32 $0xFFFFE000  }
0x15b: {  	_ =	swait.ge [sflag:s4], $0x2000  }
0x15c: {  	[sflag:s4] =	ssyncset.done $0x0  }
0x15d: {  	[sflag:s4] =	ssyncadd.s32 $0xFFFFE000  }
0x15e: {  	_ =	swait.ge [sflag:s4], $0x2000  }
0x15f: {  	[sflag:s4] =	ssyncset.done $0x0  }
0x160: {  	[sflag:s4] =	ssyncadd.s32 $0xFFFFE000  }
0x161: {  	_ =	swait.ge [sflag:s4], $0x2000  }
0x162: {  	[sflag:s4] =	ssyncset.done $0x0  }
0x163: {  	[sflag:s4] =	ssyncadd.s32 $0xFFFFE000  }
0x164: {  	[bflag:$0x0] =	sbarrier.arrive $0xFFFF  }
0x165: {  	(ifvalue) =	ssetifvalue $0xFFFFFFFF  }
0x166: {  	(ifvalue) =	ssetifvalue $0xFFFFFFFF  }
0x167: {  	[spmem:s1] =	stream.indirect.scatter [tilespmem:s7], [sflag:$0x3], $0x1, s0, s5, $0x40b8;
	[tilespmem:$0x1E000] =	vst v63  }
0x168: {  	_ =	swait.ge [sflag:s28], $0x2000  }
0x169: {  	[sflag:s28] =	ssyncset.done $0x0  }
0x16a: {  	[sflag:s28] =	ssyncadd.s32 $0xFFFFE000  }
0x16b: {  	[bflag:$0x0] =	sbarrier.arrive $0xFFFF  }
0x16c: {  	(ifvalue) =	ssetifvalue $0xFFFFFFFF  }
0x16d: {  	[spmem:s1] =	stream.indirect.scatter.add.f32 [tilespmem:s3], [sflag:$0x3], $0x1, s0, s5, $0x40b8;
	[tilespmem:$0x1E000] =	vst v63  }
0x16e: {  	_ =	swait.ge [sflag:s28], $0x2000  }
0x16f: {  	[sflag:s28] =	ssyncset.done $0x0  }
0x170: {  	[sflag:s28] =	ssyncadd.s32 $0xFFFFE000  }
0x171: {  	[bflag:$0x0] =	sbarrier.arrive $0xFFFF  }
0x172: {  	s12 =	simm.s32 $0x0;
	s15 =	rddreg [dreg:$0x9]  }
0x173: {  	[hbm:s15], [sflag:s10] =	dma.local [spmem:s11], $0x2000  }
0x174: {  	v9 =	vld [tilespmem:s12+$0x16000];
	_ =	sdelay $0x3  }
0x175: {  	s13 =	simm.s32 $0x40  }
.LBB2_14:
0x176: {  	s14 =	sshra.s32 s13, $0x2;
	p0 =	sne.s32 s13, $0x7FC0;
	s13 =	sadd.s32 $0x40, s13;
	v10 =	vshll.u32 v9, $0x3;
	v11 =	vmov v9  }
.Ltmp6:
0x177: {  	v9 =	vld [tilespmem:s14+$0x16000];
	v10 =	vand.u32 $0x7C00, v10;
	v12 =	vshrl.u32 v11, $0x5;
	v13 =	vand.u32 $0xF807F, v11;
	(pc) =	sbr.rel @p0 .LBB2_14-.Ltmp6, $4  }
0x178: {  	v11 =	vshra.s32 v11, $0x14;
	v12 =	vand.u32 $0x380, v12;
	v10 =	vor.u32 v10, v13  }
0x179: {  	vm0 =	veq.s32 v11, v4;
	v10 =	vor.u32 v12, v10  }
0x17a: {  	v10 =	vnsel vm0, $0xFFFFFFFF, v10  }
0x17b: {  	[tilespmem:s12+$0x12000] =	vst v10;
	s12 =	smov.u32 s14  }
0x17c: {  	v10 =	vshll.u32 v9, $0x3  }
0x17d: {  	v11 =	vshrl.u32 v9, $0x5;
	v12 =	vand.u32 $0xF807F, v9;
	v10 =	vand.u32 $0x7C00, v10  }
0x17e: {  	v9 =	vshra.s32 v9, $0x14;
	v11 =	vand.u32 $0x380, v11;
	v10 =	vor.u32 v10, v12  }
0x17f: {  	vm0 =	veq.s32 v9, v4;
	v9 =	vor.u32 v11, v10  }
0x180: {  	v9 =	vnsel vm0, $0xFFFFFFFF, v9  }
0x181: {  	[tilespmem:s12+$0x12000] =	vst v9  }
0x182: {  	_ =	swait.ge [sflag:s8], $0x2000  }
0x183: {  	[sflag:s8] =	ssyncset.done $0x0  }
0x184: {  	[sflag:s8] =	ssyncadd.s32 $0xFFFFE000  }
0x185: {  	[spmem:s16] =	stream.linear.scatter [tilespmem:s2], [sflag:$0x1], $0x2000, $0x38;
	[tilespmem:$0x1E000] =	vst v63  }
0x186: {  	_ = 	snop  }
0x187: {  	[spmem:s19] =	stream.linear.scatter [tilespmem:s2], [sflag:$0x1], $0x2000, $0x38;
	[tilespmem:$0x1E000] =	vst v63  }
0x188: {  	_ = 	snop  }
0x189: {  	[spmem:s20] =	stream.linear.scatter [tilespmem:s2], [sflag:$0x1], $0x2000, $0x38;
	[tilespmem:$0x1E000] =	vst v63  }
0x18a: {  	_ = 	snop  }
0x18b: {  	[spmem:s21] =	stream.linear.scatter [tilespmem:s2], [sflag:$0x1], $0x2000, $0x38;
	[tilespmem:$0x1E000] =	vst v63  }
0x18c: {  	_ = 	snop  }
0x18d: {  	[spmem:s22] =	stream.linear.scatter [tilespmem:s2], [sflag:$0x1], $0x2000, $0x38;
	[tilespmem:$0x1E000] =	vst v63  }
0x18e: {  	_ = 	snop  }
0x18f: {  	[spmem:s23] =	stream.linear.scatter [tilespmem:s2], [sflag:$0x1], $0x2000, $0x38;
	[tilespmem:$0x1E000] =	vst v63  }
0x190: {  	_ = 	snop  }
0x191: {  	[spmem:s24] =	stream.linear.scatter [tilespmem:s2], [sflag:$0x1], $0x2000, $0x38;
	[tilespmem:$0x1E000] =	vst v63  }
0x192: {  	_ = 	snop  }
0x193: {  	[spmem:s25] =	stream.linear.scatter [tilespmem:s2], [sflag:$0x1], $0x2000, $0x38;
	[tilespmem:$0x1E000] =	vst v63  }
0x194: {  	_ =	swait.ge [sflag:s4], $0x2000  }
0x195: {  	[sflag:s4] =	ssyncset.done $0x0  }
0x196: {  	[sflag:s4] =	ssyncadd.s32 $0xFFFFE000  }
0x197: {  	_ =	swait.ge [sflag:s4], $0x2000  }
0x198: {  	[sflag:s4] =	ssyncset.done $0x0  }
0x199: {  	[sflag:s4] =	ssyncadd.s32 $0xFFFFE000  }
0x19a: {  	_ =	swait.ge [sflag:s4], $0x2000  }
0x19b: {  	[sflag:s4] =	ssyncset.done $0x0  }
0x19c: {  	[sflag:s4] =	ssyncadd.s32 $0xFFFFE000  }
0x19d: {  	_ =	swait.ge [sflag:s4], $0x2000  }
0x19e: {  	[sflag:s4] =	ssyncset.done $0x0  }
0x19f: {  	[sflag:s4] =	ssyncadd.s32 $0xFFFFE000  }
0x1a0: {  	_ =	swait.ge [sflag:s4], $0x2000  }
0x1a1: {  	[sflag:s4] =	ssyncset.done $0x0  }
0x1a2: {  	[sflag:s4] =	ssyncadd.s32 $0xFFFFE000  }
0x1a3: {  	_ =	swait.ge [sflag:s4], $0x2000  }
0x1a4: {  	[sflag:s4] =	ssyncset.done $0x0  }
0x1a5: {  	[sflag:s4] =	ssyncadd.s32 $0xFFFFE000  }
0x1a6: {  	_ =	swait.ge [sflag:s4], $0x2000  }
0x1a7: {  	[sflag:s4] =	ssyncset.done $0x0  }
0x1a8: {  	[sflag:s4] =	ssyncadd.s32 $0xFFFFE000  }
0x1a9: {  	_ =	swait.ge [sflag:s4], $0x2000  }
0x1aa: {  	[sflag:s4] =	ssyncset.done $0x0  }
0x1ab: {  	[sflag:s4] =	ssyncadd.s32 $0xFFFFE000  }
0x1ac: {  	[bflag:$0x0] =	sbarrier.arrive $0xFFFF  }
0x1ad: {  	(ifvalue) =	ssetifvalue $0xFFFFFFFF  }
0x1ae: {  	(ifvalue) =	ssetifvalue $0xFFFFFFFF  }
0x1af: {  	[spmem:s1] =	stream.indirect.scatter [tilespmem:s7], [sflag:$0x3], $0x1, s0, s5, $0x40b8;
	[tilespmem:$0x1E000] =	vst v63  }
0x1b0: {  	_ =	swait.ge [sflag:s28], $0x2000  }
0x1b1: {  	[sflag:s28] =	ssyncset.done $0x0  }
0x1b2: {  	[sflag:s28] =	ssyncadd.s32 $0xFFFFE000  }
0x1b3: {  	[bflag:$0x0] =	sbarrier.arrive $0xFFFF  }
0x1b4: {  	(ifvalue) =	ssetifvalue $0xFFFFFFFF  }
0x1b5: {  	[spmem:s1] =	stream.indirect.scatter.add.f32 [tilespmem:s3], [sflag:$0x3], $0x1, s0, s5, $0x40b8;
	[tilespmem:$0x1E000] =	vst v63  }
0x1b6: {  	_ =	swait.ge [sflag:s28], $0x2000  }
0x1b7: {  	[sflag:s28] =	ssyncset.done $0x0  }
0x1b8: {  	[sflag:s28] =	ssyncadd.s32 $0xFFFFE000  }
0x1b9: {  	[bflag:$0x0] =	sbarrier.arrive $0xFFFF  }
0x1ba: {  	s12 =	simm.s32 $0x0;
	s15 =	rddreg [dreg:$0xa]  }
0x1bb: {  	[hbm:s15], [sflag:s10] =	dma.local [spmem:s11], $0x2000  }
0x1bc: {  	v9 =	vld [tilespmem:s12+$0x16000];
	_ =	sdelay $0x3  }
0x1bd: {  	s13 =	simm.s32 $0x40  }
.LBB2_16:
0x1be: {  	s14 =	sshra.s32 s13, $0x2;
	p0 =	sne.s32 s13, $0x7FC0;
	s13 =	sadd.s32 $0x40, s13;
	v10 =	vshll.u32 v9, $0x3;
	v11 =	vmov v9  }
.Ltmp7:
0x1bf: {  	v9 =	vld [tilespmem:s14+$0x16000];
	v10 =	vand.u32 $0x7C00, v10;
	v12 =	vshrl.u32 v11, $0x5;
	v13 =	vand.u32 $0xF807F, v11;
	(pc) =	sbr.rel @p0 .LBB2_16-.Ltmp7, $4  }
0x1c0: {  	v11 =	vshra.s32 v11, $0x14;
	v12 =	vand.u32 $0x380, v12;
	v10 =	vor.u32 v10, v13  }
0x1c1: {  	vm0 =	veq.s32 v11, v5;
	v10 =	vor.u32 v12, v10  }
0x1c2: {  	v10 =	vnsel vm0, $0xFFFFFFFF, v10  }
0x1c3: {  	[tilespmem:s12+$0x12000] =	vst v10;
	s12 =	smov.u32 s14  }
0x1c4: {  	v10 =	vshll.u32 v9, $0x3  }
0x1c5: {  	v11 =	vshrl.u32 v9, $0x5;
	v12 =	vand.u32 $0xF807F, v9;
	v10 =	vand.u32 $0x7C00, v10  }
0x1c6: {  	v9 =	vshra.s32 v9, $0x14;
	v11 =	vand.u32 $0x380, v11;
	v10 =	vor.u32 v10, v12  }
0x1c7: {  	vm0 =	veq.s32 v9, v5;
	v9 =	vor.u32 v11, v10  }
0x1c8: {  	v9 =	vnsel vm0, $0xFFFFFFFF, v9  }
0x1c9: {  	[tilespmem:s12+$0x12000] =	vst v9  }
0x1ca: {  	_ =	swait.ge [sflag:s8], $0x2000  }
0x1cb: {  	[sflag:s8] =	ssyncset.done $0x0  }
0x1cc: {  	[sflag:s8] =	ssyncadd.s32 $0xFFFFE000  }
0x1cd: {  	[spmem:s16] =	stream.linear.scatter [tilespmem:s2], [sflag:$0x1], $0x2000, $0x38;
	[tilespmem:$0x1E000] =	vst v63  }
0x1ce: {  	_ = 	snop  }
0x1cf: {  	[spmem:s19] =	stream.linear.scatter [tilespmem:s2], [sflag:$0x1], $0x2000, $0x38;
	[tilespmem:$0x1E000] =	vst v63  }
0x1d0: {  	_ = 	snop  }
0x1d1: {  	[spmem:s20] =	stream.linear.scatter [tilespmem:s2], [sflag:$0x1], $0x2000, $0x38;
	[tilespmem:$0x1E000] =	vst v63  }
0x1d2: {  	_ = 	snop  }
0x1d3: {  	[spmem:s21] =	stream.linear.scatter [tilespmem:s2], [sflag:$0x1], $0x2000, $0x38;
	[tilespmem:$0x1E000] =	vst v63  }
0x1d4: {  	_ = 	snop  }
0x1d5: {  	[spmem:s22] =	stream.linear.scatter [tilespmem:s2], [sflag:$0x1], $0x2000, $0x38;
	[tilespmem:$0x1E000] =	vst v63  }
0x1d6: {  	_ = 	snop  }
0x1d7: {  	[spmem:s23] =	stream.linear.scatter [tilespmem:s2], [sflag:$0x1], $0x2000, $0x38;
	[tilespmem:$0x1E000] =	vst v63  }
0x1d8: {  	_ = 	snop  }
0x1d9: {  	[spmem:s24] =	stream.linear.scatter [tilespmem:s2], [sflag:$0x1], $0x2000, $0x38;
	[tilespmem:$0x1E000] =	vst v63  }
0x1da: {  	_ = 	snop  }
0x1db: {  	[spmem:s25] =	stream.linear.scatter [tilespmem:s2], [sflag:$0x1], $0x2000, $0x38;
	[tilespmem:$0x1E000] =	vst v63  }
0x1dc: {  	_ =	swait.ge [sflag:s4], $0x2000  }
0x1dd: {  	[sflag:s4] =	ssyncset.done $0x0  }
0x1de: {  	[sflag:s4] =	ssyncadd.s32 $0xFFFFE000  }
0x1df: {  	_ =	swait.ge [sflag:s4], $0x2000  }
0x1e0: {  	[sflag:s4] =	ssyncset.done $0x0  }
0x1e1: {  	[sflag:s4] =	ssyncadd.s32 $0xFFFFE000  }
0x1e2: {  	_ =	swait.ge [sflag:s4], $0x2000  }
0x1e3: {  	[sflag:s4] =	ssyncset.done $0x0  }
0x1e4: {  	[sflag:s4] =	ssyncadd.s32 $0xFFFFE000  }
0x1e5: {  	_ =	swait.ge [sflag:s4], $0x2000  }
0x1e6: {  	[sflag:s4] =	ssyncset.done $0x0  }
0x1e7: {  	[sflag:s4] =	ssyncadd.s32 $0xFFFFE000  }
0x1e8: {  	_ =	swait.ge [sflag:s4], $0x2000  }
0x1e9: {  	[sflag:s4] =	ssyncset.done $0x0  }
0x1ea: {  	[sflag:s4] =	ssyncadd.s32 $0xFFFFE000  }
0x1eb: {  	_ =	swait.ge [sflag:s4], $0x2000  }
0x1ec: {  	[sflag:s4] =	ssyncset.done $0x0  }
0x1ed: {  	[sflag:s4] =	ssyncadd.s32 $0xFFFFE000  }
0x1ee: {  	_ =	swait.ge [sflag:s4], $0x2000  }
0x1ef: {  	[sflag:s4] =	ssyncset.done $0x0  }
0x1f0: {  	[sflag:s4] =	ssyncadd.s32 $0xFFFFE000  }
0x1f1: {  	_ =	swait.ge [sflag:s4], $0x2000  }
0x1f2: {  	[sflag:s4] =	ssyncset.done $0x0  }
0x1f3: {  	[sflag:s4] =	ssyncadd.s32 $0xFFFFE000  }
0x1f4: {  	[bflag:$0x0] =	sbarrier.arrive $0xFFFF  }
0x1f5: {  	(ifvalue) =	ssetifvalue $0xFFFFFFFF  }
0x1f6: {  	(ifvalue) =	ssetifvalue $0xFFFFFFFF  }
0x1f7: {  	[spmem:s1] =	stream.indirect.scatter [tilespmem:s7], [sflag:$0x3], $0x1, s0, s5, $0x40b8;
	[tilespmem:$0x1E000] =	vst v63  }
0x1f8: {  	_ =	swait.ge [sflag:s28], $0x2000  }
0x1f9: {  	[sflag:s28] =	ssyncset.done $0x0  }
0x1fa: {  	[sflag:s28] =	ssyncadd.s32 $0xFFFFE000  }
0x1fb: {  	[bflag:$0x0] =	sbarrier.arrive $0xFFFF  }
0x1fc: {  	(ifvalue) =	ssetifvalue $0xFFFFFFFF  }
0x1fd: {  	[spmem:s1] =	stream.indirect.scatter.add.f32 [tilespmem:s3], [sflag:$0x3], $0x1, s0, s5, $0x40b8;
	[tilespmem:$0x1E000] =	vst v63  }
0x1fe: {  	_ =	swait.ge [sflag:s28], $0x2000  }
0x1ff: {  	[sflag:s28] =	ssyncset.done $0x0  }
0x200: {  	[sflag:s28] =	ssyncadd.s32 $0xFFFFE000  }
0x201: {  	[bflag:$0x0] =	sbarrier.arrive $0xFFFF  }
0x202: {  	s12 =	simm.s32 $0x0;
	s15 =	rddreg [dreg:$0xb]  }
0x203: {  	[hbm:s15], [sflag:s10] =	dma.local [spmem:s11], $0x2000  }
0x204: {  	v9 =	vld [tilespmem:s12+$0x16000];
	_ =	sdelay $0x3  }
0x205: {  	s13 =	simm.s32 $0x40  }
.LBB2_18:
0x206: {  	s14 =	sshra.s32 s13, $0x2;
	p0 =	sne.s32 s13, $0x7FC0;
	s13 =	sadd.s32 $0x40, s13;
	v10 =	vshll.u32 v9, $0x3;
	v11 =	vmov v9  }
.Ltmp8:
0x207: {  	v9 =	vld [tilespmem:s14+$0x16000];
	v10 =	vand.u32 $0x7C00, v10;
	v12 =	vshrl.u32 v11, $0x5;
	v13 =	vand.u32 $0xF807F, v11;
	(pc) =	sbr.rel @p0 .LBB2_18-.Ltmp8, $4  }
0x208: {  	v11 =	vshra.s32 v11, $0x14;
	v12 =	vand.u32 $0x380, v12;
	v10 =	vor.u32 v10, v13  }
0x209: {  	vm0 =	veq.s32 v11, v6;
	v10 =	vor.u32 v12, v10  }
0x20a: {  	v10 =	vnsel vm0, $0xFFFFFFFF, v10  }
0x20b: {  	[tilespmem:s12+$0x12000] =	vst v10;
	s12 =	smov.u32 s14  }
0x20c: {  	v10 =	vshll.u32 v9, $0x3  }
0x20d: {  	v11 =	vshrl.u32 v9, $0x5;
	v12 =	vand.u32 $0xF807F, v9;
	v10 =	vand.u32 $0x7C00, v10  }
0x20e: {  	v9 =	vshra.s32 v9, $0x14;
	v11 =	vand.u32 $0x380, v11;
	v10 =	vor.u32 v10, v12  }
0x20f: {  	vm0 =	veq.s32 v9, v6;
	v9 =	vor.u32 v11, v10  }
0x210: {  	v9 =	vnsel vm0, $0xFFFFFFFF, v9  }
0x211: {  	[tilespmem:s12+$0x12000] =	vst v9  }
0x212: {  	_ =	swait.ge [sflag:s8], $0x2000  }
0x213: {  	[sflag:s8] =	ssyncset.done $0x0  }
0x214: {  	[sflag:s8] =	ssyncadd.s32 $0xFFFFE000  }
0x215: {  	[spmem:s16] =	stream.linear.scatter [tilespmem:s2], [sflag:$0x1], $0x2000, $0x38;
	[tilespmem:$0x1E000] =	vst v63  }
0x216: {  	_ = 	snop  }
0x217: {  	[spmem:s19] =	stream.linear.scatter [tilespmem:s2], [sflag:$0x1], $0x2000, $0x38;
	[tilespmem:$0x1E000] =	vst v63  }
0x218: {  	_ = 	snop  }
0x219: {  	[spmem:s20] =	stream.linear.scatter [tilespmem:s2], [sflag:$0x1], $0x2000, $0x38;
	[tilespmem:$0x1E000] =	vst v63  }
0x21a: {  	_ = 	snop  }
0x21b: {  	[spmem:s21] =	stream.linear.scatter [tilespmem:s2], [sflag:$0x1], $0x2000, $0x38;
	[tilespmem:$0x1E000] =	vst v63  }
0x21c: {  	_ = 	snop  }
0x21d: {  	[spmem:s22] =	stream.linear.scatter [tilespmem:s2], [sflag:$0x1], $0x2000, $0x38;
	[tilespmem:$0x1E000] =	vst v63  }
0x21e: {  	_ = 	snop  }
0x21f: {  	[spmem:s23] =	stream.linear.scatter [tilespmem:s2], [sflag:$0x1], $0x2000, $0x38;
	[tilespmem:$0x1E000] =	vst v63  }
0x220: {  	_ = 	snop  }
0x221: {  	[spmem:s24] =	stream.linear.scatter [tilespmem:s2], [sflag:$0x1], $0x2000, $0x38;
	[tilespmem:$0x1E000] =	vst v63  }
0x222: {  	_ = 	snop  }
0x223: {  	[spmem:s25] =	stream.linear.scatter [tilespmem:s2], [sflag:$0x1], $0x2000, $0x38;
	[tilespmem:$0x1E000] =	vst v63  }
0x224: {  	_ =	swait.ge [sflag:s4], $0x2000  }
0x225: {  	[sflag:s4] =	ssyncset.done $0x0  }
0x226: {  	[sflag:s4] =	ssyncadd.s32 $0xFFFFE000  }
0x227: {  	_ =	swait.ge [sflag:s4], $0x2000  }
0x228: {  	[sflag:s4] =	ssyncset.done $0x0  }
0x229: {  	[sflag:s4] =	ssyncadd.s32 $0xFFFFE000  }
0x22a: {  	_ =	swait.ge [sflag:s4], $0x2000  }
0x22b: {  	[sflag:s4] =	ssyncset.done $0x0  }
0x22c: {  	[sflag:s4] =	ssyncadd.s32 $0xFFFFE000  }
0x22d: {  	_ =	swait.ge [sflag:s4], $0x2000  }
0x22e: {  	[sflag:s4] =	ssyncset.done $0x0  }
0x22f: {  	[sflag:s4] =	ssyncadd.s32 $0xFFFFE000  }
0x230: {  	_ =	swait.ge [sflag:s4], $0x2000  }
0x231: {  	[sflag:s4] =	ssyncset.done $0x0  }
0x232: {  	[sflag:s4] =	ssyncadd.s32 $0xFFFFE000  }
0x233: {  	_ =	swait.ge [sflag:s4], $0x2000  }
0x234: {  	[sflag:s4] =	ssyncset.done $0x0  }
0x235: {  	[sflag:s4] =	ssyncadd.s32 $0xFFFFE000  }
0x236: {  	_ =	swait.ge [sflag:s4], $0x2000  }
0x237: {  	[sflag:s4] =	ssyncset.done $0x0  }
0x238: {  	[sflag:s4] =	ssyncadd.s32 $0xFFFFE000  }
0x239: {  	_ =	swait.ge [sflag:s4], $0x2000  }
0x23a: {  	[sflag:s4] =	ssyncset.done $0x0  }
0x23b: {  	[sflag:s4] =	ssyncadd.s32 $0xFFFFE000  }
0x23c: {  	[bflag:$0x0] =	sbarrier.arrive $0xFFFF  }
0x23d: {  	(ifvalue) =	ssetifvalue $0xFFFFFFFF  }
0x23e: {  	(ifvalue) =	ssetifvalue $0xFFFFFFFF  }
0x23f: {  	[spmem:s1] =	stream.indirect.scatter [tilespmem:s7], [sflag:$0x3], $0x1, s0, s5, $0x40b8;
	[tilespmem:$0x1E000] =	vst v63  }
0x240: {  	_ =	swait.ge [sflag:s28], $0x2000  }
0x241: {  	[sflag:s28] =	ssyncset.done $0x0  }
0x242: {  	[sflag:s28] =	ssyncadd.s32 $0xFFFFE000  }
0x243: {  	[bflag:$0x0] =	sbarrier.arrive $0xFFFF  }
0x244: {  	(ifvalue) =	ssetifvalue $0xFFFFFFFF  }
0x245: {  	[spmem:s1] =	stream.indirect.scatter.add.f32 [tilespmem:s3], [sflag:$0x3], $0x1, s0, s5, $0x40b8;
	[tilespmem:$0x1E000] =	vst v63  }
0x246: {  	_ =	swait.ge [sflag:s28], $0x2000  }
0x247: {  	[sflag:s28] =	ssyncset.done $0x0  }
0x248: {  	[sflag:s28] =	ssyncadd.s32 $0xFFFFE000  }
0x249: {  	[bflag:$0x0] =	sbarrier.arrive $0xFFFF  }
0x24a: {  	s12 =	simm.s32 $0x0;
	s15 =	rddreg [dreg:$0xc]  }
0x24b: {  	[hbm:s15], [sflag:s10] =	dma.local [spmem:s11], $0x2000  }
0x24c: {  	v9 =	vld [tilespmem:s12+$0x16000];
	_ =	sdelay $0x3  }
0x24d: {  	s13 =	simm.s32 $0x40  }
.LBB2_20:
0x24e: {  	s14 =	sshra.s32 s13, $0x2;
	p0 =	sne.s32 s13, $0x7FC0;
	s13 =	sadd.s32 $0x40, s13;
	v10 =	vshll.u32 v9, $0x3;
	v11 =	vmov v9  }
.Ltmp9:
0x24f: {  	v9 =	vld [tilespmem:s14+$0x16000];
	v10 =	vand.u32 $0x7C00, v10;
	v12 =	vshrl.u32 v11, $0x5;
	v13 =	vand.u32 $0xF807F, v11;
	(pc) =	sbr.rel @p0 .LBB2_20-.Ltmp9, $4  }
0x250: {  	v11 =	vshra.s32 v11, $0x14;
	v12 =	vand.u32 $0x380, v12;
	v10 =	vor.u32 v10, v13  }
0x251: {  	vm0 =	veq.s32 v11, v7;
	v10 =	vor.u32 v12, v10  }
0x252: {  	v10 =	vnsel vm0, $0xFFFFFFFF, v10  }
0x253: {  	[tilespmem:s12+$0x12000] =	vst v10;
	s12 =	smov.u32 s14  }
0x254: {  	v10 =	vshll.u32 v9, $0x3  }
0x255: {  	v11 =	vshrl.u32 v9, $0x5;
	v12 =	vand.u32 $0xF807F, v9;
	v10 =	vand.u32 $0x7C00, v10  }
0x256: {  	v9 =	vshra.s32 v9, $0x14;
	v11 =	vand.u32 $0x380, v11;
	v10 =	vor.u32 v10, v12  }
0x257: {  	vm0 =	veq.s32 v9, v7;
	v9 =	vor.u32 v11, v10  }
0x258: {  	v9 =	vnsel vm0, $0xFFFFFFFF, v9  }
0x259: {  	[tilespmem:s12+$0x12000] =	vst v9  }
0x25a: {  	_ =	swait.ge [sflag:s8], $0x2000  }
0x25b: {  	[sflag:s8] =	ssyncset.done $0x0  }
0x25c: {  	[sflag:s8] =	ssyncadd.s32 $0xFFFFE000  }
0x25d: {  	[spmem:s16] =	stream.linear.scatter [tilespmem:s2], [sflag:$0x1], $0x2000, $0x38;
	[tilespmem:$0x1E000] =	vst v63  }
0x25e: {  	_ = 	snop  }
0x25f: {  	[spmem:s19] =	stream.linear.scatter [tilespmem:s2], [sflag:$0x1], $0x2000, $0x38;
	[tilespmem:$0x1E000] =	vst v63  }
0x260: {  	_ = 	snop  }
0x261: {  	[spmem:s20] =	stream.linear.scatter [tilespmem:s2], [sflag:$0x1], $0x2000, $0x38;
	[tilespmem:$0x1E000] =	vst v63  }
0x262: {  	_ = 	snop  }
0x263: {  	[spmem:s21] =	stream.linear.scatter [tilespmem:s2], [sflag:$0x1], $0x2000, $0x38;
	[tilespmem:$0x1E000] =	vst v63  }
0x264: {  	_ = 	snop  }
0x265: {  	[spmem:s22] =	stream.linear.scatter [tilespmem:s2], [sflag:$0x1], $0x2000, $0x38;
	[tilespmem:$0x1E000] =	vst v63  }
0x266: {  	_ = 	snop  }
0x267: {  	[spmem:s23] =	stream.linear.scatter [tilespmem:s2], [sflag:$0x1], $0x2000, $0x38;
	[tilespmem:$0x1E000] =	vst v63  }
0x268: {  	_ = 	snop  }
0x269: {  	[spmem:s24] =	stream.linear.scatter [tilespmem:s2], [sflag:$0x1], $0x2000, $0x38;
	[tilespmem:$0x1E000] =	vst v63  }
0x26a: {  	_ = 	snop  }
0x26b: {  	[spmem:s25] =	stream.linear.scatter [tilespmem:s2], [sflag:$0x1], $0x2000, $0x38;
	[tilespmem:$0x1E000] =	vst v63  }
0x26c: {  	_ =	swait.ge [sflag:s4], $0x2000  }
0x26d: {  	[sflag:s4] =	ssyncset.done $0x0  }
0x26e: {  	[sflag:s4] =	ssyncadd.s32 $0xFFFFE000  }
0x26f: {  	_ =	swait.ge [sflag:s4], $0x2000  }
0x270: {  	[sflag:s4] =	ssyncset.done $0x0  }
0x271: {  	[sflag:s4] =	ssyncadd.s32 $0xFFFFE000  }
0x272: {  	_ =	swait.ge [sflag:s4], $0x2000  }
0x273: {  	[sflag:s4] =	ssyncset.done $0x0  }
0x274: {  	[sflag:s4] =	ssyncadd.s32 $0xFFFFE000  }
0x275: {  	_ =	swait.ge [sflag:s4], $0x2000  }
0x276: {  	[sflag:s4] =	ssyncset.done $0x0  }
0x277: {  	[sflag:s4] =	ssyncadd.s32 $0xFFFFE000  }
0x278: {  	_ =	swait.ge [sflag:s4], $0x2000  }
0x279: {  	[sflag:s4] =	ssyncset.done $0x0  }
0x27a: {  	[sflag:s4] =	ssyncadd.s32 $0xFFFFE000  }
0x27b: {  	_ =	swait.ge [sflag:s4], $0x2000  }
0x27c: {  	[sflag:s4] =	ssyncset.done $0x0  }
0x27d: {  	[sflag:s4] =	ssyncadd.s32 $0xFFFFE000  }
0x27e: {  	_ =	swait.ge [sflag:s4], $0x2000  }
0x27f: {  	[sflag:s4] =	ssyncset.done $0x0  }
0x280: {  	[sflag:s4] =	ssyncadd.s32 $0xFFFFE000  }
0x281: {  	_ =	swait.ge [sflag:s4], $0x2000  }
0x282: {  	[sflag:s4] =	ssyncset.done $0x0  }
0x283: {  	[sflag:s4] =	ssyncadd.s32 $0xFFFFE000  }
0x284: {  	[bflag:$0x0] =	sbarrier.arrive $0xFFFF  }
0x285: {  	(ifvalue) =	ssetifvalue $0xFFFFFFFF  }
0x286: {  	(ifvalue) =	ssetifvalue $0xFFFFFFFF  }
0x287: {  	[spmem:s1] =	stream.indirect.scatter [tilespmem:s7], [sflag:$0x3], $0x1, s0, s5, $0x40b8;
	[tilespmem:$0x1E000] =	vst v63  }
0x288: {  	_ =	swait.ge [sflag:s28], $0x2000  }
0x289: {  	[sflag:s28] =	ssyncset.done $0x0  }
0x28a: {  	[sflag:s28] =	ssyncadd.s32 $0xFFFFE000  }
0x28b: {  	[bflag:$0x0] =	sbarrier.arrive $0xFFFF  }
0x28c: {  	(ifvalue) =	ssetifvalue $0xFFFFFFFF  }
0x28d: {  	[spmem:s1] =	stream.indirect.scatter.add.f32 [tilespmem:s3], [sflag:$0x3], $0x1, s0, s5, $0x40b8;
	[tilespmem:$0x1E000] =	vst v63  }
0x28e: {  	_ =	swait.ge [sflag:s28], $0x2000  }
0x28f: {  	[sflag:s28] =	ssyncset.done $0x0  }
0x290: {  	s9 =	sadd.s32 $0x1, s9;
	[sflag:s28] =	ssyncadd.s32 $0xFFFFE000  }
0x291: {  	p0 =	sne.s32 s9, s17;
	[bflag:$0x0] =	sbarrier.arrive $0xFFFF  }
.Ltmp10:
0x292: {  	s15 =	rddreg [dreg:$0xd];
	(pc) =	sbr.rel @p0 .LBB2_1-.Ltmp10, $4  }
0x293: {  	[hbm:s15], [sflag:s10] =	dma.local [spmem:s11], $0x2000  }
0x294: {  	_ =	swait.ge [sflag:s8], $0x2000  }
0x295: {  	[sflag:s8] =	ssyncset.done $0x0  }
0x296: {  	[sflag:s8] =	ssyncadd.s32 $0xFFFFE000  }
0x297: {  	_ =	sfence.sel $0x180000  }
0x298: {  	[bflag:$0x0] =	sbarrier.arrive $0xFFFF  }
0x299: {  	_ =	strace $0x90000047  }
0x29a: {  	s0 =	stileid.u32;
	[bflag:$0x2] =	sbarrier.arrive $0xFFFF  }
0x29b: {  	p0 =	sne.s32 s0, $0x0;
	s0 =	rddreg [dreg:$0x3]  }
0x29c: {  	s0 =	sadd.s32 @!p0 $0x100000, s0  }
0x29d: {  	[sflag:s0] =	ssyncadd.tile.s32 @!p0 $0x1;
	_ =	shalt  }
.Lfunc_end2:
_tile_overlayer_lowered:
.L_overlay_start_2:
0x29e: {  	(tag) =	ssettag $0x2  }
0x29f: {  	s0 =	rddreg [dreg:$0x0];
	s2 =	stileid.u32  }
0x2a0: {  	s1 =	rddreg [dreg:$0x1];
	p0 =	sne.s32 s2, $0x0  }
0x2a1: {  	s3 =	rddreg [dreg:$0x2];
	[bflag:$0x3] =	sbarrier.arrive $0xFFFF;
	s2 =	simm.s32 @!p0 $0x1C03  }
0x2a2: {  	[timem:s3], [sflag:s2] =	dma.local @!p0 [hbm:s0], s1  }
0x2a3: {  	s0 =	simm.s32 @!p0 $0x3  }
0x2a4: {  	_ =	swait.ge @!p0 [sflag:s0], s1  }
0x2a5: {  	s1 =	ssub.s32 @!p0 $0x0, s1;
	[sflag:s0] =	ssyncset.done @!p0 $0x0  }
0x2a6: {  	[sflag:s0] =	ssyncadd.s32 @!p0 s1  }
0x2a7: {  	[bflag:$0x3] =	sbarrier.arrive $0xFFFF  }
0x2a8: {  	_ =	shalt  }

</sc_bundles>
